<compile_context>
chip_gen: v7x
topology: tpu7x:2x2x1
jax: 0.10.2.dev20260603
libtpu: 0.0.44.dev20260713+nightly
codegen_flags: <defaults>
</compile_context>

<pallas_src>
import functools

import jax
import jax.numpy as jnp
from jax import lax
from jax.experimental import pallas as pl
from jax.experimental.pallas import tpu as pltpu
from jax.experimental.pallas import tpu_sc as plsc

N_NODES = 10000
D_IN = 128
D_HID = 128
D_OUT = 64
DW = 64

NC = 2
NS = 16
LANES = 16
NW = NC * NS
CHUNK = 128
CHUNKS_PER_TILE = 80
E_TILE = CHUNK * CHUNKS_PER_TILE
E_PAD = NW * E_TILE
N_PAD = 10240
SLAB = N_PAD // NS


@functools.lru_cache(maxsize=None)
def _get_mesh():
    return plsc.VectorSubcoreMesh(core_axis_name="c", subcore_axis_name="s",
                                  num_cores=NC, num_subcores=NS)


def _deg_body(dst_hbm, out_hbm, dst_v, zbuf, obuf, deg_sh):
    c = lax.axis_index("c")
    s = lax.axis_index("s")
    wid = s * NC + c
    zeros = jnp.zeros((LANES,), jnp.float32)
    ones = jnp.full((LANES,), 1.0, jnp.float32)
    for j in range(CHUNK // LANES):
        zbuf[pl.ds(j * LANES, LANES)] = zeros
        obuf[pl.ds(j * LANES, LANES)] = ones

    def zslab(i, carry):
        pltpu.sync_copy(zbuf, deg_sh.at[pl.ds(s * SLAB + i * CHUNK, CHUNK)])
        return carry

    lax.fori_loop(0, SLAB // CHUNK, zslab, 0)
    pltpu.sync_copy(dst_hbm.at[wid], dst_v)
    plsc.subcore_barrier()

    def body(k, carry):
        pltpu.sync_copy(obuf, deg_sh.at[dst_v.at[k]], add=True)
        return carry

    lax.fori_loop(0, CHUNKS_PER_TILE, body, 0)
    plsc.subcore_barrier()
    pltpu.sync_copy(deg_sh.at[pl.ds(s * SLAB, SLAB)],
                    out_hbm.at[c, pl.ds(s * SLAB, SLAB)])


@functools.lru_cache(maxsize=None)
def _deg_kernel():
    return pl.kernel(
        _deg_body,
        out_type=jax.ShapeDtypeStruct((NC, N_PAD), jnp.float32),
        mesh=_get_mesh(),
        scratch_types=[
            pltpu.VMEM((CHUNKS_PER_TILE, CHUNK), jnp.int32),
            pltpu.VMEM((CHUNK,), jnp.float32),
            pltpu.VMEM((CHUNK,), jnp.float32),
            pltpu.VMEM_SHARED((N_PAD,), jnp.float32),
        ],
        compiler_params=pltpu.CompilerParams(use_tc_tiling_on_sc=False),
    )


NG2 = CHUNKS_PER_TILE // 2
ZR = 32


def _fill_zbuf(zbuf):
    zeros = jnp.zeros((LANES,), jnp.float32)

    def zrow(i, carry):
        for j in range(DW // LANES):
            zbuf[i, pl.ds(j * LANES, LANES)] = zeros
        return carry

    lax.fori_loop(0, ZR, zrow, 0)


def _agg_pass(c, s, src_v, dst_v, gbuf, zbuf, h_sh, acc_sh, sems,
              h_hbm, out_hbm):
    sem_g0, sem_g1, sem_s0, sem_s1 = sems

    pltpu.sync_copy(h_hbm.at[pl.ds(s * SLAB, SLAB)],
                    h_sh.at[pl.ds(s * SLAB, SLAB)])

    def zslab(i, carry):
        pltpu.sync_copy(zbuf, acc_sh.at[pl.ds(s * SLAB + i * ZR, ZR)])
        return carry

    lax.fori_loop(0, SLAB // ZR, zslab, 0)
    plsc.subcore_barrier()

    def gather(k, b, sem):
        return pltpu.async_copy(h_sh.at[src_v.at[k]], gbuf.at[b], sem)

    def scatter(k, b, sem):
        return pltpu.async_copy(gbuf.at[b], acc_sh.at[dst_v.at[k]], sem,
                                add=True)

    def wait_gather(k, b, sem):
        pltpu.make_async_copy(h_sh.at[src_v.at[k]], gbuf.at[b], sem).wait()

    def wait_scatter(k, b, sem):
        pltpu.make_async_copy(gbuf.at[b], acc_sh.at[dst_v.at[k]],
                              sem).wait()

    gather(0, 0, sem_g0)
    gather(1, 1, sem_g1)

    def body(i, carry):
        k0 = 2 * i
        k1 = 2 * i + 1
        wait_gather(k0, 0, sem_g0)
        scatter(k0, 0, sem_s0)
        wait_gather(k1, 1, sem_g1)
        scatter(k1, 1, sem_s1)
        wait_scatter(k0, 0, sem_s0)

        @pl.when(i < NG2 - 1)
        def _():
            gather(k0 + 2, 0, sem_g0)

        wait_scatter(k1, 1, sem_s1)

        @pl.when(i < NG2 - 1)
        def _():
            gather(k1 + 2, 1, sem_g1)

        return carry

    lax.fori_loop(0, NG2, body, 0)
    plsc.subcore_barrier()

    def wout(i, carry):
        pltpu.sync_copy(
            acc_sh.at[pl.ds(s * SLAB + i * CHUNK, CHUNK)],
            out_hbm.at[c, pl.ds(s * SLAB + i * CHUNK, CHUNK), :])
        return carry

    lax.fori_loop(0, SLAB // CHUNK, wout, 0)


def _agg1_body(src_hbm, dst_hbm, h_hbm, out_hbm,
               src_v, dst_v, gbuf, zbuf, h_sh, acc_sh, *sems):
    c = lax.axis_index("c")
    s = lax.axis_index("s")
    wid = s * NC + c
    _fill_zbuf(zbuf)
    pltpu.sync_copy(src_hbm.at[wid], src_v)
    pltpu.sync_copy(dst_hbm.at[wid], dst_v)
    _agg_pass(c, s, src_v, dst_v, gbuf, zbuf, h_sh, acc_sh, sems, h_hbm,
              out_hbm)


_AGG_SCRATCH = (
    pltpu.VMEM((CHUNKS_PER_TILE, CHUNK), jnp.int32),
    pltpu.VMEM((CHUNKS_PER_TILE, CHUNK), jnp.int32),
    pltpu.VMEM((2, CHUNK, DW), jnp.float32),
    pltpu.VMEM((ZR, DW), jnp.float32),
    pltpu.VMEM_SHARED((N_PAD, DW), jnp.float32),
    pltpu.VMEM_SHARED((N_PAD, DW), jnp.float32),
) + (pltpu.SemaphoreType.DMA,) * 4


@functools.lru_cache(maxsize=None)
def _agg1_kernel():
    return pl.kernel(
        _agg1_body,
        out_type=jax.ShapeDtypeStruct((NC, N_PAD, DW), jnp.float32),
        mesh=_get_mesh(),
        scratch_types=list(_AGG_SCRATCH),
        compiler_params=pltpu.CompilerParams(use_tc_tiling_on_sc=False),
    )


BLK = 1024
GRID = N_PAD // BLK
BLK_C = 400
GRID_C = N_NODES // BLK_C


def _tc_a1_body(x_ref, w1_ref, h1_ref):
    h1_ref[...] = jnp.dot(x_ref[...], w1_ref[...],
                          preferred_element_type=jnp.float32)


def _tc_a2_body(dp0_ref, dp1_ref, h1_ref, hl_ref, hr_ref, dinv_ref):
    dinv = lax.rsqrt(dp0_ref[...] + dp1_ref[...] + 1.0)
    h = h1_ref[...] * dinv
    hl_ref[...] = h[:, :DW]
    hr_ref[...] = h[:, DW:]
    dinv_ref[...] = dinv


def _tc_b1_body(dinv_ref, hl_ref, pa_ref, pb_ref, b1l_ref, w2a_ref,
                h2sa_ref):
    zl = jnp.maximum(
        (pa_ref[0] + pb_ref[0] + hl_ref[...]) * dinv_ref[...]
        + b1l_ref[...], 0.0)
    h2sa_ref[...] = jnp.dot(zl, w2a_ref[...],
                            preferred_element_type=jnp.float32)


def _tc_b2_body(dinv_ref, hr_ref, pa_ref, pb_ref, b1r_ref, w2b_ref,
                h2sa_ref, h2s_ref):
    dinv = dinv_ref[...]
    zr = jnp.maximum(
        (pa_ref[0] + pb_ref[0] + hr_ref[...]) * dinv + b1r_ref[...], 0.0)
    h2s_ref[...] = (h2sa_ref[...] +
                    jnp.dot(zr, w2b_ref[...],
                            preferred_element_type=jnp.float32)) * dinv


def _tc_c_body(dinv_ref, h2s_ref, qa_ref, qb_ref, b2_ref, y_ref):
    t = (qa_ref[0] + qb_ref[0] + h2s_ref[...]) * dinv_ref[...] \
        + b2_ref[...]
    y_ref[...] = jax.nn.sigmoid(t)


def _row_spec(d, blk=BLK):
    return pl.BlockSpec((blk, d), lambda i: (i, 0))


def _full_spec(r, cdim):
    return pl.BlockSpec((r, cdim), lambda i: (0, 0))


def _part_spec(core, blk=BLK):
    return pl.BlockSpec((1, blk, DW), lambda i, c=core: (c, i, 0))


_tc_a1 = pl.pallas_call(
    _tc_a1_body,
    grid=(GRID,),
    in_specs=[_row_spec(D_IN), _full_spec(D_IN, D_HID)],
    out_specs=_row_spec(D_HID),
    out_shape=jax.ShapeDtypeStruct((N_PAD, D_HID), jnp.float32),
)

_tc_a2 = pl.pallas_call(
    _tc_a2_body,
    grid=(GRID,),
    in_specs=[_row_spec(1), _row_spec(1), _row_spec(D_HID)],
    out_specs=[_row_spec(DW), _row_spec(DW), _row_spec(1)],
    out_shape=[jax.ShapeDtypeStruct((N_PAD, DW), jnp.float32),
               jax.ShapeDtypeStruct((N_PAD, DW), jnp.float32),
               jax.ShapeDtypeStruct((N_PAD, 1), jnp.float32)],
)

_tc_b1 = pl.pallas_call(
    _tc_b1_body,
    grid=(GRID,),
    in_specs=[_row_spec(1), _row_spec(DW), _part_spec(0), _part_spec(1),
              _full_spec(1, DW), _full_spec(DW, D_OUT)],
    out_specs=_row_spec(D_OUT),
    out_shape=jax.ShapeDtypeStruct((N_PAD, D_OUT), jnp.float32),
)

_tc_b2 = pl.pallas_call(
    _tc_b2_body,
    grid=(GRID,),
    in_specs=[_row_spec(1), _row_spec(DW), _part_spec(0), _part_spec(1),
              _full_spec(1, DW), _full_spec(DW, D_OUT), _row_spec(D_OUT)],
    out_specs=_row_spec(D_OUT),
    out_shape=jax.ShapeDtypeStruct((N_PAD, D_OUT), jnp.float32),
)

_tc_c = pl.pallas_call(
    _tc_c_body,
    grid=(GRID_C,),
    in_specs=[_row_spec(1, BLK_C), _row_spec(D_OUT, BLK_C),
              _part_spec(0, BLK_C), _part_spec(1, BLK_C),
              _full_spec(1, D_OUT)],
    out_specs=_row_spec(D_OUT, BLK_C),
    out_shape=jax.ShapeDtypeStruct((N_NODES, D_OUT), jnp.float32),
)


@jax.jit
def _run(x, edge_index, W1, b1, W2, b2):
    n_edges = edge_index.shape[1]
    src = edge_index[0].astype(jnp.int32)
    dst = edge_index[1].astype(jnp.int32)
    pad = E_PAD - n_edges
    src = jnp.concatenate([src, jnp.zeros((pad,), jnp.int32)])
    dst = jnp.concatenate([dst, jnp.full((pad,), N_NODES, jnp.int32)])
    src_r = src.reshape(NW, CHUNKS_PER_TILE, CHUNK)
    dst_r = dst.reshape(NW, CHUNKS_PER_TILE, CHUNK)
    x_pad = jnp.pad(x, ((0, N_PAD - x.shape[0]), (0, 0)))

    degp = _deg_kernel()(dst_r)
    h1 = _tc_a1(x_pad, W1)
    dp0 = degp[0].reshape(N_PAD, 1)
    dp1 = degp[1].reshape(N_PAD, 1)
    hl, hr, dinv = _tc_a2(dp0, dp1, h1)
    agg = _agg1_kernel()
    p_l = agg(src_r, dst_r, hl)
    p_r = agg(src_r, dst_r, hr)
    h2sa = _tc_b1(dinv, hl, p_l, p_l, b1[:DW].reshape(1, DW), W2[:DW])
    h2s = _tc_b2(dinv, hr, p_r, p_r, b1[DW:].reshape(1, DW), W2[DW:], h2sa)
    q = agg(src_r, dst_r, h2s)
    return _tc_c(dinv, h2s, q, q, b2.reshape(1, D_OUT))


def kernel(x, edge_index, W1, b1, W2, b2):
    return _run(x, edge_index, W1, b1, W2, b2)

# --- scband reference (transcript-rebuilt; emitter-appended) ---
"""Pipeline reference for scband-gcn-28759101014034 (READ-ONLY COPY).

The authoritative reference and input builder live on the scoring server;
editing this copy changes nothing except your own understanding.
"""

import jax, jax.numpy as jnp
import numpy as np

N_NODES = 10000
N_EDGES = 320000
D_IN = 128
D_HID = 128
D_OUT = 64


def setup_inputs(seed: int = 0) -> dict:
    key = jax.random.key(seed)
    k1, k2, k3, k4, k5, k6 = jax.random.split(key, 6)
    x = jax.random.normal(k1, (N_NODES, D_IN), dtype=jnp.float32)
    edge_index = jax.random.randint(k2, (2, N_EDGES), 0, N_NODES, dtype=jnp.int64)
    # Glorot-style init for GCNConv weights, zeros for biases (PyG default)
    s1 = float(np.sqrt(6.0 / (D_IN + D_HID)))
    s2 = float(np.sqrt(6.0 / (D_HID + D_OUT)))
    W1 = jax.random.uniform(k3, (D_IN, D_HID), dtype=jnp.float32, minval=-s1, maxval=s1)
    b1 = jnp.zeros((D_HID,), dtype=jnp.float32)
    W2 = jax.random.uniform(k4, (D_HID, D_OUT), dtype=jnp.float32, minval=-s2, maxval=s2)
    b2 = jnp.zeros((D_OUT,), dtype=jnp.float32)
    return {"x": x, "edge_index": edge_index, "W1": W1, "b1": b1, "W2": W2, "b2": b2}


def _gcn_conv(x, src, dst, W, b, num_nodes):
    # x' = D^{-1/2} (A + I) D^{-1/2} X W + b  (GCNConv with add_self_loops=True)
    h = x @ W
    deg = jax.ops.segment_sum(jnp.ones_like(dst, dtype=h.dtype), dst, num_segments=num_nodes)
    deg_inv_sqrt = jnp.where(deg > 0, jax.lax.rsqrt(jnp.maximum(deg, 1e-12)), 0.0)
    norm = deg_inv_sqrt[src] * deg_inv_sqrt[dst]
    msgs = h[src] * norm[:, None]
    out = jax.ops.segment_sum(msgs, dst, num_segments=num_nodes)
    return out + b


def reference(x, edge_index, W1, b1, W2, b2):
    num_nodes = x.shape[0]
    loop = jnp.arange(num_nodes, dtype=edge_index.dtype)
    src = jnp.concatenate([edge_index[0], loop])
    dst = jnp.concatenate([edge_index[1], loop])
    h = _gcn_conv(x, src, dst, W1, b1, num_nodes)
    h = jax.nn.relu(h)
    # dropout is identity in eval mode
    h = _gcn_conv(h, src, dst, W2, b2, num_nodes)
    return jax.nn.sigmoid(h)

if __name__ == "__main__":
    import jax
    _d = setup_inputs()
    print(jax.jit(kernel)(*tuple(_d.values())))

</pallas_src>

<mosaic_0001>
#map = affine_map<(d0, d1) -> (0, 0, 0)>
#map1 = affine_map<(d0, d1) -> (0, 0)>
module attributes {stable_mosaic.version = 14 : i64} {
  func.func @_agg1_body(%arg0: i32, %arg1: i32, %arg2: memref<32x80x128xi32, #tpu.memory_space<hbm>>, %arg3: memref<32x80x128xi32, #tpu.memory_space<hbm>>, %arg4: memref<10240x64xf32, #tpu.memory_space<hbm>>, %arg5: memref<2x10240x64xf32, #tpu.memory_space<hbm>>, %arg6: memref<80x128xi32, #tpu.memory_space<vmem>>, %arg7: memref<80x128xi32, #tpu.memory_space<vmem>>, %arg8: memref<2x128x64xf32, #tpu.memory_space<vmem>>, %arg9: memref<32x64xf32, #tpu.memory_space<vmem>>, %arg10: memref<10240x64xf32, #tpu.memory_space<vmem_shared>>, %arg11: memref<10240x64xf32, #tpu.memory_space<vmem_shared>>, %arg12: memref<!tpu.dma_semaphore, #tpu.memory_space<semaphore_mem>>, %arg13: memref<!tpu.dma_semaphore, #tpu.memory_space<semaphore_mem>>, %arg14: memref<!tpu.dma_semaphore, #tpu.memory_space<semaphore_mem>>, %arg15: memref<!tpu.dma_semaphore, #tpu.memory_space<semaphore_mem>>) attributes {dimension_semantics = [#tpu.dimension_semantics<core_parallel>, #tpu.dimension_semantics<subcore_parallel>], iteration_bounds = array<i64: 2, 16>, scalar_prefetch = 0 : i64, scratch_operands = 10 : i64, tpu.core_type = #tpu.core_type<sc_vector_subcore>, window_params = [{transform_indices = #map}, {transform_indices = #map}, {transform_indices = #map1}, {transform_indices = #map}]} {
    %mul3A = arith.constant 2 : i32
    %mul3A_0 = arith.muli %arg1, %mul3A : i32
    %add3A = arith.addi %mul3A_0, %arg0 : i32
    %broadcast_in_dim3A = arith.constant 0.000000e+00 : f32
    %broadcast_in_dim3A_1 = vector.broadcast %broadcast_in_dim3A : f32 to vector<16xf32>
    %scan3A = arith.constant 0 : i32
    %scan3A_2 = arith.constant 0 : i32
    %scan3A_3 = arith.constant 32 : i32
    %scan3A_4 = arith.addi %scan3A_2, %scan3A_3 : i32
    %scan3A_5 = arith.constant 1 : i32
    scf.for %scan3A_53 = %scan3A_2 to %scan3A_4 step %scan3A_5  : i32 {
      %swap3A = arith.index_cast %scan3A_53 : i32 to index
      %swap3A_54 = arith.constant 0 : index
      %swap3A_55 = tpu.vector_load %arg9[%swap3A, %swap3A_54] {strides = array<i32>} : memref<32x64xf32, #tpu.memory_space<vmem>>, vector<1x16xf32>,
      %swap3A_56 = vector.shape_cast %swap3A_55 : vector<1x16xf32> to vector<16xf32>
      %swap3A_57 = vector.shape_cast %broadcast_in_dim3A_1 : vector<16xf32> to vector<1x16xf32>
      tpu.vector_store %arg9[%swap3A, %swap3A_54], %swap3A_57 {strides = array<i32>} : memref<32x64xf32, #tpu.memory_space<vmem>>, vector<1x16xf32>,
      %swap3A_58 = arith.index_cast %scan3A_53 : i32 to index
      %swap3A_59 = arith.constant 16 : index
      %swap3A_60 = tpu.vector_load %arg9[%swap3A_58, %swap3A_59] {strides = array<i32>} : memref<32x64xf32, #tpu.memory_space<vmem>>, vector<1x16xf32>,
      %swap3A_61 = vector.shape_cast %swap3A_60 : vector<1x16xf32> to vector<16xf32>
      %swap3A_62 = vector.shape_cast %broadcast_in_dim3A_1 : vector<16xf32> to vector<1x16xf32>
      tpu.vector_store %arg9[%swap3A_58, %swap3A_59], %swap3A_62 {strides = array<i32>} : memref<32x64xf32, #tpu.memory_space<vmem>>, vector<1x16xf32>,
      %swap3A_63 = arith.index_cast %scan3A_53 : i32 to index
      %swap3A_64 = arith.constant 32 : index
      %swap3A_65 = tpu.vector_load %arg9[%swap3A_63, %swap3A_64] {strides = array<i32>} : memref<32x64xf32, #tpu.memory_space<vmem>>, vector<1x16xf32>,
      %swap3A_66 = vector.shape_cast %swap3A_65 : vector<1x16xf32> to vector<16xf32>
      %swap3A_67 = vector.shape_cast %broadcast_in_dim3A_1 : vector<16xf32> to vector<1x16xf32>
      tpu.vector_store %arg9[%swap3A_63, %swap3A_64], %swap3A_67 {strides = array<i32>} : memref<32x64xf32, #tpu.memory_space<vmem>>, vector<1x16xf32>,
      %swap3A_68 = arith.index_cast %scan3A_53 : i32 to index
      %swap3A_69 = arith.constant 48 : index
      %swap3A_70 = tpu.vector_load %arg9[%swap3A_68, %swap3A_69] {strides = array<i32>} : memref<32x64xf32, #tpu.memory_space<vmem>>, vector<1x16xf32>,
      %swap3A_71 = vector.shape_cast %swap3A_70 : vector<1x16xf32> to vector<16xf32>
      %swap3A_72 = vector.shape_cast %broadcast_in_dim3A_1 : vector<16xf32> to vector<1x16xf32>
      tpu.vector_store %arg9[%swap3A_68, %swap3A_69], %swap3A_72 {strides = array<i32>} : memref<32x64xf32, #tpu.memory_space<vmem>>, vector<1x16xf32>,
    }
    %scan3A_6 = arith.constant 32 : i32
    "tpu.region"() ({
      %run_scoped3A = tpu.sem_alloc : memref<!tpu.dma_semaphore, #tpu.memory_space<semaphore_mem>>
      %dma_start3A_53 = arith.constant 0 : i32
      %dma_start3A_54 = arith.constant 0 : i32
      %dma_start3A_55 = tpu.memref_slice %arg2[%add3A, %dma_start3A_53, %dma_start3A_54] : memref<32x80x128xi32, #tpu.memory_space<hbm>> -> memref<1x80x128xi32, #tpu.memory_space<hbm>>
      %dma_start3A_56 = tpu.memref_squeeze %dma_start3A_55 : memref<1x80x128xi32, #tpu.memory_space<hbm>> -> memref<80x128xi32, #tpu.memory_space<hbm>>
      %dma_start3A_57 = arith.constant 0 : i32
      %dma_start3A_58 = arith.constant 0 : i32
      %dma_start3A_59 = tpu.memref_slice %arg2[%add3A, %dma_start3A_57, %dma_start3A_58] : memref<32x80x128xi32, #tpu.memory_space<hbm>> -> memref<1x80x128xi32, #tpu.memory_space<hbm>>
      %dma_start3A_60 = tpu.memref_squeeze %dma_start3A_59 : memref<1x80x128xi32, #tpu.memory_space<hbm>> -> memref<80x128xi32, #tpu.memory_space<hbm>>
      tpu.enqueue_dma source(%dma_start3A_60 : memref<80x128xi32, #tpu.memory_space<hbm>>) target(%arg6 : memref<80x128xi32, #tpu.memory_space<vmem>>) target_semaphore(%run_scoped3A : memref<!tpu.dma_semaphore, #tpu.memory_space<semaphore_mem>>)
      %dma_wait3A = arith.constant 0 : i32
      %dma_wait3A_61 = arith.constant 0 : i32
      %dma_wait3A_62 = tpu.memref_slice %arg2[%add3A, %dma_wait3A, %dma_wait3A_61] : memref<32x80x128xi32, #tpu.memory_space<hbm>> -> memref<1x80x128xi32, #tpu.memory_space<hbm>>
      %dma_wait3A_63 = tpu.memref_squeeze %dma_wait3A_62 : memref<1x80x128xi32, #tpu.memory_space<hbm>> -> memref<80x128xi32, #tpu.memory_space<hbm>>
      %dma_wait3A_64 = arith.constant 0 : i32
      %dma_wait3A_65 = arith.constant 0 : i32
      %dma_wait3A_66 = tpu.memref_slice %arg2[%add3A, %dma_wait3A_64, %dma_wait3A_65] : memref<32x80x128xi32, #tpu.memory_space<hbm>> -> memref<1x80x128xi32, #tpu.memory_space<hbm>>
      %dma_wait3A_67 = tpu.memref_squeeze %dma_wait3A_66 : memref<1x80x128xi32, #tpu.memory_space<hbm>> -> memref<80x128xi32, #tpu.memory_space<hbm>>
      tpu.wait_dma2 semaphore(%run_scoped3A : memref<!tpu.dma_semaphore, #tpu.memory_space<semaphore_mem>>) src(%dma_wait3A_67 : memref<80x128xi32, #tpu.memory_space<hbm>>) dst(%arg6 : memref<80x128xi32, #tpu.memory_space<vmem>>)
      tpu.yield
    }) : () -> ()
    "tpu.region"() ({
      %run_scoped3A = tpu.sem_alloc : memref<!tpu.dma_semaphore, #tpu.memory_space<semaphore_mem>>
      %dma_start3A_53 = arith.constant 0 : i32
      %dma_start3A_54 = arith.constant 0 : i32
      %dma_start3A_55 = tpu.memref_slice %arg3[%add3A, %dma_start3A_53, %dma_start3A_54] : memref<32x80x128xi32, #tpu.memory_space<hbm>> -> memref<1x80x128xi32, #tpu.memory_space<hbm>>
      %dma_start3A_56 = tpu.memref_squeeze %dma_start3A_55 : memref<1x80x128xi32, #tpu.memory_space<hbm>> -> memref<80x128xi32, #tpu.memory_space<hbm>>
      %dma_start3A_57 = arith.constant 0 : i32
      %dma_start3A_58 = arith.constant 0 : i32
      %dma_start3A_59 = tpu.memref_slice %arg3[%add3A, %dma_start3A_57, %dma_start3A_58] : memref<32x80x128xi32, #tpu.memory_space<hbm>> -> memref<1x80x128xi32, #tpu.memory_space<hbm>>
      %dma_start3A_60 = tpu.memref_squeeze %dma_start3A_59 : memref<1x80x128xi32, #tpu.memory_space<hbm>> -> memref<80x128xi32, #tpu.memory_space<hbm>>
      tpu.enqueue_dma source(%dma_start3A_60 : memref<80x128xi32, #tpu.memory_space<hbm>>) target(%arg7 : memref<80x128xi32, #tpu.memory_space<vmem>>) target_semaphore(%run_scoped3A : memref<!tpu.dma_semaphore, #tpu.memory_space<semaphore_mem>>)
      %dma_wait3A = arith.constant 0 : i32
      %dma_wait3A_61 = arith.constant 0 : i32
      %dma_wait3A_62 = tpu.memref_slice %arg3[%add3A, %dma_wait3A, %dma_wait3A_61] : memref<32x80x128xi32, #tpu.memory_space<hbm>> -> memref<1x80x128xi32, #tpu.memory_space<hbm>>
      %dma_wait3A_63 = tpu.memref_squeeze %dma_wait3A_62 : memref<1x80x128xi32, #tpu.memory_space<hbm>> -> memref<80x128xi32, #tpu.memory_space<hbm>>
      %dma_wait3A_64 = arith.constant 0 : i32
      %dma_wait3A_65 = arith.constant 0 : i32
      %dma_wait3A_66 = tpu.memref_slice %arg3[%add3A, %dma_wait3A_64, %dma_wait3A_65] : memref<32x80x128xi32, #tpu.memory_space<hbm>> -> memref<1x80x128xi32, #tpu.memory_space<hbm>>
      %dma_wait3A_67 = tpu.memref_squeeze %dma_wait3A_66 : memref<1x80x128xi32, #tpu.memory_space<hbm>> -> memref<80x128xi32, #tpu.memory_space<hbm>>
      tpu.wait_dma2 semaphore(%run_scoped3A : memref<!tpu.dma_semaphore, #tpu.memory_space<semaphore_mem>>) src(%dma_wait3A_67 : memref<80x128xi32, #tpu.memory_space<hbm>>) dst(%arg7 : memref<80x128xi32, #tpu.memory_space<vmem>>)
      tpu.yield
    }) : () -> ()
    %mul3A_7 = arith.constant 640 : i32
    %mul3A_8 = arith.muli %arg1, %mul3A_7 : i32
    %mul3A_9 = arith.constant 640 : i32
    %mul3A_10 = arith.muli %arg1, %mul3A_9 : i32
    "tpu.region"() ({
      %run_scoped3A = tpu.sem_alloc : memref<!tpu.dma_semaphore, #tpu.memory_space<semaphore_mem>>
      %dma_start3A_53 = arith.constant 0 : i32
      %dma_start3A_54 = tpu.memref_slice %arg10[%mul3A_10, %dma_start3A_53] : memref<10240x64xf32, #tpu.memory_space<vmem_shared>> -> memref<640x64xf32, #tpu.memory_space<vmem_shared>>
      %dma_start3A_55 = arith.constant 0 : i32
      %dma_start3A_56 = tpu.memref_slice %arg4[%mul3A_8, %dma_start3A_55] : memref<10240x64xf32, #tpu.memory_space<hbm>> -> memref<640x64xf32, #tpu.memory_space<hbm>>
      tpu.enqueue_dma source(%dma_start3A_56 : memref<640x64xf32, #tpu.memory_space<hbm>>) target(%dma_start3A_54 : memref<640x64xf32, #tpu.memory_space<vmem_shared>>) target_semaphore(%run_scoped3A : memref<!tpu.dma_semaphore, #tpu.memory_space<semaphore_mem>>)
      %dma_wait3A = arith.constant 0 : i32
      %dma_wait3A_57 = tpu.memref_slice %arg10[%mul3A_10, %dma_wait3A] : memref<10240x64xf32, #tpu.memory_space<vmem_shared>> -> memref<640x64xf32, #tpu.memory_space<vmem_shared>>
      %dma_wait3A_58 = arith.constant 0 : i32
      %dma_wait3A_59 = tpu.memref_slice %arg4[%mul3A_8, %dma_wait3A_58] : memref<10240x64xf32, #tpu.memory_space<hbm>> -> memref<640x64xf32, #tpu.memory_space<hbm>>
      tpu.wait_dma2 semaphore(%run_scoped3A : memref<!tpu.dma_semaphore, #tpu.memory_space<semaphore_mem>>) src(%dma_wait3A_59 : memref<640x64xf32, #tpu.memory_space<hbm>>) dst(%dma_wait3A_57 : memref<640x64xf32, #tpu.memory_space<vmem_shared>>)
      tpu.yield
    }) : () -> ()
    %scan3A_11 = arith.constant 0 : i32
    %scan3A_12 = arith.constant 0 : i32
    %scan3A_13 = arith.constant 20 : i32
    %scan3A_14 = arith.addi %scan3A_12, %scan3A_13 : i32
    %scan3A_15 = arith.constant 1 : i32
    scf.for %scan3A_53 = %scan3A_12 to %scan3A_14 step %scan3A_15  : i32 {
      %mul3A_54 = arith.constant 640 : i32
      %mul3A_55 = arith.muli %arg1, %mul3A_54 : i32
      %mul3A_56 = arith.constant 32 : i32
      %mul3A_57 = arith.muli %scan3A_53, %mul3A_56 : i32
      %add3A_58 = arith.addi %mul3A_55, %mul3A_57 : i32
      "tpu.region"() ({
        %run_scoped3A = tpu.sem_alloc : memref<!tpu.dma_semaphore, #tpu.memory_space<semaphore_mem>>
        %dma_start3A_59 = arith.constant 0 : i32
        %dma_start3A_60 = tpu.memref_slice %arg11[%add3A_58, %dma_start3A_59] : memref<10240x64xf32, #tpu.memory_space<vmem_shared>> -> memref<32x64xf32, #tpu.memory_space<vmem_shared>>
        %dma_start3A_61 = arith.constant 0 : i32
        %dma_start3A_62 = tpu.memref_slice %arg11[%add3A_58, %dma_start3A_61] : memref<10240x64xf32, #tpu.memory_space<vmem_shared>> -> memref<32x64xf32, #tpu.memory_space<vmem_shared>>
        tpu.enqueue_dma source(%arg9 : memref<32x64xf32, #tpu.memory_space<vmem>>) target(%dma_start3A_62 : memref<32x64xf32, #tpu.memory_space<vmem_shared>>) target_semaphore(%run_scoped3A : memref<!tpu.dma_semaphore, #tpu.memory_space<semaphore_mem>>)
        %dma_wait3A = arith.constant 0 : i32
        %dma_wait3A_63 = tpu.memref_slice %arg11[%add3A_58, %dma_wait3A] : memref<10240x64xf32, #tpu.memory_space<vmem_shared>> -> memref<32x64xf32, #tpu.memory_space<vmem_shared>>
        %dma_wait3A_64 = arith.constant 0 : i32
        %dma_wait3A_65 = tpu.memref_slice %arg11[%add3A_58, %dma_wait3A_64] : memref<10240x64xf32, #tpu.memory_space<vmem_shared>> -> memref<32x64xf32, #tpu.memory_space<vmem_shared>>
        tpu.wait_dma2 semaphore(%run_scoped3A : memref<!tpu.dma_semaphore, #tpu.memory_space<semaphore_mem>>) src(%arg9 : memref<32x64xf32, #tpu.memory_space<vmem>>) dst(%dma_wait3A_65 : memref<32x64xf32, #tpu.memory_space<vmem_shared>>)
        tpu.yield
      }) : () -> ()
    }
    %scan3A_16 = arith.constant 20 : i32
    %barrier3A = arith.constant 0 : index
    tpu.barrier barrier_id(%barrier3A)
    %dma_start3A = arith.constant 0 : i32
    %dma_start3A_17 = arith.constant 0 : i32
    %dma_start3A_18 = arith.constant 0 : i32
    %dma_start3A_19 = arith.constant 0 : i32
    %dma_start3A_20 = tpu.memref_slice %arg8[%dma_start3A_17, %dma_start3A_18, %dma_start3A_19] : memref<2x128x64xf32, #tpu.memory_space<vmem>> -> memref<1x128x64xf32, #tpu.memory_space<vmem>>
    %dma_start3A_21 = tpu.memref_squeeze %dma_start3A_20 : memref<1x128x64xf32, #tpu.memory_space<vmem>> -> memref<128x64xf32, #tpu.memory_space<vmem>>
    %dma_start3A_22 = arith.constant 0 : i32
    %dma_start3A_23 = tpu.memref_slice %arg6[%dma_start3A, %dma_start3A_22] : memref<80x128xi32, #tpu.memory_space<vmem>> -> memref<1x128xi32, #tpu.memory_space<vmem>>
    %dma_start3A_24 = tpu.memref_squeeze %dma_start3A_23 : memref<1x128xi32, #tpu.memory_space<vmem>> -> memref<128xi32, #tpu.memory_space<vmem>>
    %dma_start3A_25 = arith.constant 0 : i32
    %dma_start3A_26 = arith.constant 0 : i32
    %dma_start3A_27 = tpu.memref_slice %arg10[%dma_start3A_25, %dma_start3A_26] : memref<10240x64xf32, #tpu.memory_space<vmem_shared>> -> memref<10240x64xf32, #tpu.memory_space<vmem_shared>>
    tpu.enqueue_indirect_dma source(%dma_start3A_27 : memref<10240x64xf32, #tpu.memory_space<vmem_shared>>) target(%dma_start3A_21 : memref<128x64xf32, #tpu.memory_space<vmem>>) offsets(%dma_start3A_24 : memref<128xi32, #tpu.memory_space<vmem>>) semaphore(%arg12 : memref<!tpu.dma_semaphore, #tpu.memory_space<semaphore_mem>>)
    %dma_start3A_28 = arith.constant 1 : i32
    %dma_start3A_29 = arith.constant 1 : i32
    %dma_start3A_30 = arith.constant 0 : i32
    %dma_start3A_31 = arith.constant 0 : i32
    %dma_start3A_32 = tpu.memref_slice %arg8[%dma_start3A_29, %dma_start3A_30, %dma_start3A_31] : memref<2x128x64xf32, #tpu.memory_space<vmem>> -> memref<1x128x64xf32, #tpu.memory_space<vmem>>
    %dma_start3A_33 = tpu.memref_squeeze %dma_start3A_32 : memref<1x128x64xf32, #tpu.memory_space<vmem>> -> memref<128x64xf32, #tpu.memory_space<vmem>>
    %dma_start3A_34 = arith.constant 0 : i32
    %dma_start3A_35 = tpu.memref_slice %arg6[%dma_start3A_28, %dma_start3A_34] : memref<80x128xi32, #tpu.memory_space<vmem>> -> memref<1x128xi32, #tpu.memory_space<vmem>>
    %dma_start3A_36 = tpu.memref_squeeze %dma_start3A_35 : memref<1x128xi32, #tpu.memory_space<vmem>> -> memref<128xi32, #tpu.memory_space<vmem>>
    %dma_start3A_37 = arith.constant 0 : i32
    %dma_start3A_38 = arith.constant 0 : i32
    %dma_start3A_39 = tpu.memref_slice %arg10[%dma_start3A_37, %dma_start3A_38] : memref<10240x64xf32, #tpu.memory_space<vmem_shared>> -> memref<10240x64xf32, #tpu.memory_space<vmem_shared>>
    tpu.enqueue_indirect_dma source(%dma_start3A_39 : memref<10240x64xf32, #tpu.memory_space<vmem_shared>>) target(%dma_start3A_33 : memref<128x64xf32, #tpu.memory_space<vmem>>) offsets(%dma_start3A_36 : memref<128xi32, #tpu.memory_space<vmem>>) semaphore(%arg13 : memref<!tpu.dma_semaphore, #tpu.memory_space<semaphore_mem>>)
    %scan3A_40 = arith.constant 0 : i32
    %scan3A_41 = arith.constant 0 : i32
    %scan3A_42 = arith.constant 40 : i32
    %scan3A_43 = arith.addi %scan3A_41, %scan3A_42 : i32
    %scan3A_44 = arith.constant 1 : i32
    scf.for %scan3A_53 = %scan3A_41 to %scan3A_43 step %scan3A_44  : i32 {
      %mul3A_54 = arith.constant 2 : i32
      %mul3A_55 = arith.muli %mul3A_54, %scan3A_53 : i32
      %mul3A_56 = arith.constant 2 : i32
      %mul3A_57 = arith.muli %mul3A_56, %scan3A_53 : i32
      %add3A_58 = arith.constant 1 : i32
      %add3A_59 = arith.addi %mul3A_57, %add3A_58 : i32
      %dma_wait3A = arith.constant 0 : i32
      %dma_wait3A_60 = arith.constant 0 : i32
      %dma_wait3A_61 = arith.constant 0 : i32
      %dma_wait3A_62 = tpu.memref_slice %arg8[%dma_wait3A, %dma_wait3A_60, %dma_wait3A_61] : memref<2x128x64xf32, #tpu.memory_space<vmem>> -> memref<1x128x64xf32, #tpu.memory_space<vmem>>
      %dma_wait3A_63 = tpu.memref_squeeze %dma_wait3A_62 : memref<1x128x64xf32, #tpu.memory_space<vmem>> -> memref<128x64xf32, #tpu.memory_space<vmem>>
      %dma_wait3A_64 = arith.constant 0 : i32
      %dma_wait3A_65 = tpu.memref_slice %arg6[%mul3A_55, %dma_wait3A_64] : memref<80x128xi32, #tpu.memory_space<vmem>> -> memref<1x128xi32, #tpu.memory_space<vmem>>
      %dma_wait3A_66 = tpu.memref_squeeze %dma_wait3A_65 : memref<1x128xi32, #tpu.memory_space<vmem>> -> memref<128xi32, #tpu.memory_space<vmem>>
      %dma_wait3A_67 = arith.constant 0 : i32
      %dma_wait3A_68 = arith.constant 0 : i32
      %dma_wait3A_69 = tpu.memref_slice %arg10[%dma_wait3A_67, %dma_wait3A_68] : memref<10240x64xf32, #tpu.memory_space<vmem_shared>> -> memref<10240x64xf32, #tpu.memory_space<vmem_shared>>
      tpu.wait_indirect_dma semaphore(%arg12 : memref<!tpu.dma_semaphore, #tpu.memory_space<semaphore_mem>>) src(%dma_wait3A_69 : memref<10240x64xf32, #tpu.memory_space<vmem_shared>>) dst(%dma_wait3A_63 : memref<128x64xf32, #tpu.memory_space<vmem>>)
      %dma_start3A_70 = arith.constant 0 : i32
      %dma_start3A_71 = arith.constant 0 : i32
      %dma_start3A_72 = arith.constant 0 : i32
      %dma_start3A_73 = tpu.memref_slice %arg8[%dma_start3A_70, %dma_start3A_71, %dma_start3A_72] : memref<2x128x64xf32, #tpu.memory_space<vmem>> -> memref<1x128x64xf32, #tpu.memory_space<vmem>>
      %dma_start3A_74 = tpu.memref_squeeze %dma_start3A_73 : memref<1x128x64xf32, #tpu.memory_space<vmem>> -> memref<128x64xf32, #tpu.memory_space<vmem>>
      %dma_start3A_75 = arith.constant 0 : i32
      %dma_start3A_76 = tpu.memref_slice %arg7[%mul3A_55, %dma_start3A_75] : memref<80x128xi32, #tpu.memory_space<vmem>> -> memref<1x128xi32, #tpu.memory_space<vmem>>
      %dma_start3A_77 = tpu.memref_squeeze %dma_start3A_76 : memref<1x128xi32, #tpu.memory_space<vmem>> -> memref<128xi32, #tpu.memory_space<vmem>>
      %dma_start3A_78 = arith.constant 0 : i32
      %dma_start3A_79 = arith.constant 0 : i32
      %dma_start3A_80 = tpu.memref_slice %arg11[%dma_start3A_78, %dma_start3A_79] : memref<10240x64xf32, #tpu.memory_space<vmem_shared>> -> memref<10240x64xf32, #tpu.memory_space<vmem_shared>>
      tpu.enqueue_indirect_dma source(%dma_start3A_74 : memref<128x64xf32, #tpu.memory_space<vmem>>) target(%dma_start3A_80 : memref<10240x64xf32, #tpu.memory_space<vmem_shared>>) offsets(%dma_start3A_77 : memref<128xi32, #tpu.memory_space<vmem>>) semaphore(%arg14 : memref<!tpu.dma_semaphore, #tpu.memory_space<semaphore_mem>>) {add = true}
      %dma_wait3A_81 = arith.constant 1 : i32
      %dma_wait3A_82 = arith.constant 0 : i32
      %dma_wait3A_83 = arith.constant 0 : i32
      %dma_wait3A_84 = tpu.memref_slice %arg8[%dma_wait3A_81, %dma_wait3A_82, %dma_wait3A_83] : memref<2x128x64xf32, #tpu.memory_space<vmem>> -> memref<1x128x64xf32, #tpu.memory_space<vmem>>
      %dma_wait3A_85 = tpu.memref_squeeze %dma_wait3A_84 : memref<1x128x64xf32, #tpu.memory_space<vmem>> -> memref<128x64xf32, #tpu.memory_space<vmem>>
      %dma_wait3A_86 = arith.constant 0 : i32
      %dma_wait3A_87 = tpu.memref_slice %arg6[%add3A_59, %dma_wait3A_86] : memref<80x128xi32, #tpu.memory_space<vmem>> -> memref<1x128xi32, #tpu.memory_space<vmem>>
      %dma_wait3A_88 = tpu.memref_squeeze %dma_wait3A_87 : memref<1x128xi32, #tpu.memory_space<vmem>> -> memref<128xi32, #tpu.memory_space<vmem>>
      %dma_wait3A_89 = arith.constant 0 : i32
      %dma_wait3A_90 = arith.constant 0 : i32
      %dma_wait3A_91 = tpu.memref_slice %arg10[%dma_wait3A_89, %dma_wait3A_90] : memref<10240x64xf32, #tpu.memory_space<vmem_shared>> -> memref<10240x64xf32, #tpu.memory_space<vmem_shared>>
      tpu.wait_indirect_dma semaphore(%arg13 : memref<!tpu.dma_semaphore, #tpu.memory_space<semaphore_mem>>) src(%dma_wait3A_91 : memref<10240x64xf32, #tpu.memory_space<vmem_shared>>) dst(%dma_wait3A_85 : memref<128x64xf32, #tpu.memory_space<vmem>>)
      %dma_start3A_92 = arith.constant 1 : i32
      %dma_start3A_93 = arith.constant 0 : i32
      %dma_start3A_94 = arith.constant 0 : i32
      %dma_start3A_95 = tpu.memref_slice %arg8[%dma_start3A_92, %dma_start3A_93, %dma_start3A_94] : memref<2x128x64xf32, #tpu.memory_space<vmem>> -> memref<1x128x64xf32, #tpu.memory_space<vmem>>
      %dma_start3A_96 = tpu.memref_squeeze %dma_start3A_95 : memref<1x128x64xf32, #tpu.memory_space<vmem>> -> memref<128x64xf32, #tpu.memory_space<vmem>>
      %dma_start3A_97 = arith.constant 0 : i32
      %dma_start3A_98 = tpu.memref_slice %arg7[%add3A_59, %dma_start3A_97] : memref<80x128xi32, #tpu.memory_space<vmem>> -> memref<1x128xi32, #tpu.memory_space<vmem>>
      %dma_start3A_99 = tpu.memref_squeeze %dma_start3A_98 : memref<1x128xi32, #tpu.memory_space<vmem>> -> memref<128xi32, #tpu.memory_space<vmem>>
      %dma_start3A_100 = arith.constant 0 : i32
      %dma_start3A_101 = arith.constant 0 : i32
      %dma_start3A_102 = tpu.memref_slice %arg11[%dma_start3A_100, %dma_start3A_101] : memref<10240x64xf32, #tpu.memory_space<vmem_shared>> -> memref<10240x64xf32, #tpu.memory_space<vmem_shared>>
      tpu.enqueue_indirect_dma source(%dma_start3A_96 : memref<128x64xf32, #tpu.memory_space<vmem>>) target(%dma_start3A_102 : memref<10240x64xf32, #tpu.memory_space<vmem_shared>>) offsets(%dma_start3A_99 : memref<128xi32, #tpu.memory_space<vmem>>) semaphore(%arg15 : memref<!tpu.dma_semaphore, #tpu.memory_space<semaphore_mem>>) {add = true}
      %dma_wait3A_103 = arith.constant 0 : i32
      %dma_wait3A_104 = arith.constant 0 : i32
      %dma_wait3A_105 = arith.constant 0 : i32
      %dma_wait3A_106 = tpu.memref_slice %arg8[%dma_wait3A_103, %dma_wait3A_104, %dma_wait3A_105] : memref<2x128x64xf32, #tpu.memory_space<vmem>> -> memref<1x128x64xf32, #tpu.memory_space<vmem>>
      %dma_wait3A_107 = tpu.memref_squeeze %dma_wait3A_106 : memref<1x128x64xf32, #tpu.memory_space<vmem>> -> memref<128x64xf32, #tpu.memory_space<vmem>>
      %dma_wait3A_108 = arith.constant 0 : i32
      %dma_wait3A_109 = tpu.memref_slice %arg7[%mul3A_55, %dma_wait3A_108] : memref<80x128xi32, #tpu.memory_space<vmem>> -> memref<1x128xi32, #tpu.memory_space<vmem>>
      %dma_wait3A_110 = tpu.memref_squeeze %dma_wait3A_109 : memref<1x128xi32, #tpu.memory_space<vmem>> -> memref<128xi32, #tpu.memory_space<vmem>>
      %dma_wait3A_111 = arith.constant 0 : i32
      %dma_wait3A_112 = arith.constant 0 : i32
      %dma_wait3A_113 = tpu.memref_slice %arg11[%dma_wait3A_111, %dma_wait3A_112] : memref<10240x64xf32, #tpu.memory_space<vmem_shared>> -> memref<10240x64xf32, #tpu.memory_space<vmem_shared>>
      tpu.wait_indirect_dma semaphore(%arg14 : memref<!tpu.dma_semaphore, #tpu.memory_space<semaphore_mem>>) src(%dma_wait3A_107 : memref<128x64xf32, #tpu.memory_space<vmem>>) dst(%dma_wait3A_113 : memref<10240x64xf32, #tpu.memory_space<vmem_shared>>)
      %lt3A = arith.constant 39 : i32
      %lt3A_114 = arith.cmpi slt, %scan3A_53, %lt3A : i32
      %convert_element_type3A = arith.extui %lt3A_114 : i1 to i32
      %cond3A = arith.constant 0 : i32
      %cond3A_115 = arith.cmpi ne, %convert_element_type3A, %cond3A : i32
      scf.if %cond3A_115 {
        %add3A_132 = arith.constant 2 : i32
        %add3A_133 = arith.addi %mul3A_55, %add3A_132 : i32
        %dma_start3A_134 = arith.constant 0 : i32
        %dma_start3A_135 = arith.constant 0 : i32
        %dma_start3A_136 = arith.constant 0 : i32
        %dma_start3A_137 = tpu.memref_slice %arg8[%dma_start3A_134, %dma_start3A_135, %dma_start3A_136] : memref<2x128x64xf32, #tpu.memory_space<vmem>> -> memref<1x128x64xf32, #tpu.memory_space<vmem>>
        %dma_start3A_138 = tpu.memref_squeeze %dma_start3A_137 : memref<1x128x64xf32, #tpu.memory_space<vmem>> -> memref<128x64xf32, #tpu.memory_space<vmem>>
        %dma_start3A_139 = arith.constant 0 : i32
        %dma_start3A_140 = tpu.memref_slice %arg6[%add3A_133, %dma_start3A_139] : memref<80x128xi32, #tpu.memory_space<vmem>> -> memref<1x128xi32, #tpu.memory_space<vmem>>
        %dma_start3A_141 = tpu.memref_squeeze %dma_start3A_140 : memref<1x128xi32, #tpu.memory_space<vmem>> -> memref<128xi32, #tpu.memory_space<vmem>>
        %dma_start3A_142 = arith.constant 0 : i32
        %dma_start3A_143 = arith.constant 0 : i32
        %dma_start3A_144 = tpu.memref_slice %arg10[%dma_start3A_142, %dma_start3A_143] : memref<10240x64xf32, #tpu.memory_space<vmem_shared>> -> memref<10240x64xf32, #tpu.memory_space<vmem_shared>>
        tpu.enqueue_indirect_dma source(%dma_start3A_144 : memref<10240x64xf32, #tpu.memory_space<vmem_shared>>) target(%dma_start3A_138 : memref<128x64xf32, #tpu.memory_space<vmem>>) offsets(%dma_start3A_141 : memref<128xi32, #tpu.memory_space<vmem>>) semaphore(%arg12 : memref<!tpu.dma_semaphore, #tpu.memory_space<semaphore_mem>>)
      } else {
      }
      %dma_wait3A_116 = arith.constant 1 : i32
      %dma_wait3A_117 = arith.constant 0 : i32
      %dma_wait3A_118 = arith.constant 0 : i32
      %dma_wait3A_119 = tpu.memref_slice %arg8[%dma_wait3A_116, %dma_wait3A_117, %dma_wait3A_118] : memref<2x128x64xf32, #tpu.memory_space<vmem>> -> memref<1x128x64xf32, #tpu.memory_space<vmem>>
      %dma_wait3A_120 = tpu.memref_squeeze %dma_wait3A_119 : memref<1x128x64xf32, #tpu.memory_space<vmem>> -> memref<128x64xf32, #tpu.memory_space<vmem>>
      %dma_wait3A_121 = arith.constant 0 : i32
      %dma_wait3A_122 = tpu.memref_slice %arg7[%add3A_59, %dma_wait3A_121] : memref<80x128xi32, #tpu.memory_space<vmem>> -> memref<1x128xi32, #tpu.memory_space<vmem>>
      %dma_wait3A_123 = tpu.memref_squeeze %dma_wait3A_122 : memref<1x128xi32, #tpu.memory_space<vmem>> -> memref<128xi32, #tpu.memory_space<vmem>>
      %dma_wait3A_124 = arith.constant 0 : i32
      %dma_wait3A_125 = arith.constant 0 : i32
      %dma_wait3A_126 = tpu.memref_slice %arg11[%dma_wait3A_124, %dma_wait3A_125] : memref<10240x64xf32, #tpu.memory_space<vmem_shared>> -> memref<10240x64xf32, #tpu.memory_space<vmem_shared>>
      tpu.wait_indirect_dma semaphore(%arg15 : memref<!tpu.dma_semaphore, #tpu.memory_space<semaphore_mem>>) src(%dma_wait3A_120 : memref<128x64xf32, #tpu.memory_space<vmem>>) dst(%dma_wait3A_126 : memref<10240x64xf32, #tpu.memory_space<vmem_shared>>)
      %lt3A_127 = arith.constant 39 : i32
      %lt3A_128 = arith.cmpi slt, %scan3A_53, %lt3A_127 : i32
      %convert_element_type3A_129 = arith.extui %lt3A_128 : i1 to i32
      %cond3A_130 = arith.constant 0 : i32
      %cond3A_131 = arith.cmpi ne, %convert_element_type3A_129, %cond3A_130 : i32
      scf.if %cond3A_131 {
        %add3A_132 = arith.constant 2 : i32
        %add3A_133 = arith.addi %add3A_59, %add3A_132 : i32
        %dma_start3A_134 = arith.constant 1 : i32
        %dma_start3A_135 = arith.constant 0 : i32
        %dma_start3A_136 = arith.constant 0 : i32
        %dma_start3A_137 = tpu.memref_slice %arg8[%dma_start3A_134, %dma_start3A_135, %dma_start3A_136] : memref<2x128x64xf32, #tpu.memory_space<vmem>> -> memref<1x128x64xf32, #tpu.memory_space<vmem>>
        %dma_start3A_138 = tpu.memref_squeeze %dma_start3A_137 : memref<1x128x64xf32, #tpu.memory_space<vmem>> -> memref<128x64xf32, #tpu.memory_space<vmem>>
        %dma_start3A_139 = arith.constant 0 : i32
        %dma_start3A_140 = tpu.memref_slice %arg6[%add3A_133, %dma_start3A_139] : memref<80x128xi32, #tpu.memory_space<vmem>> -> memref<1x128xi32, #tpu.memory_space<vmem>>
        %dma_start3A_141 = tpu.memref_squeeze %dma_start3A_140 : memref<1x128xi32, #tpu.memory_space<vmem>> -> memref<128xi32, #tpu.memory_space<vmem>>
        %dma_start3A_142 = arith.constant 0 : i32
        %dma_start3A_143 = arith.constant 0 : i32
        %dma_start3A_144 = tpu.memref_slice %arg10[%dma_start3A_142, %dma_start3A_143] : memref<10240x64xf32, #tpu.memory_space<vmem_shared>> -> memref<10240x64xf32, #tpu.memory_space<vmem_shared>>
        tpu.enqueue_indirect_dma source(%dma_start3A_144 : memref<10240x64xf32, #tpu.memory_space<vmem_shared>>) target(%dma_start3A_138 : memref<128x64xf32, #tpu.memory_space<vmem>>) offsets(%dma_start3A_141 : memref<128xi32, #tpu.memory_space<vmem>>) semaphore(%arg13 : memref<!tpu.dma_semaphore, #tpu.memory_space<semaphore_mem>>)
      } else {
      }
    }
    %scan3A_45 = arith.constant 40 : i32
    %barrier3A_46 = arith.constant 0 : index
    tpu.barrier barrier_id(%barrier3A_46)
    %scan3A_47 = arith.constant 0 : i32
    %scan3A_48 = arith.constant 0 : i32
    %scan3A_49 = arith.constant 5 : i32
    %scan3A_50 = arith.addi %scan3A_48, %scan3A_49 : i32
    %scan3A_51 = arith.constant 1 : i32
    scf.for %scan3A_53 = %scan3A_48 to %scan3A_50 step %scan3A_51  : i32 {
      %mul3A_54 = arith.constant 640 : i32
      %mul3A_55 = arith.muli %arg1, %mul3A_54 : i32
      %mul3A_56 = arith.constant 128 : i32
      %mul3A_57 = arith.muli %scan3A_53, %mul3A_56 : i32
      %add3A_58 = arith.addi %mul3A_55, %mul3A_57 : i32
      %mul3A_59 = arith.constant 640 : i32
      %mul3A_60 = arith.muli %arg1, %mul3A_59 : i32
      %mul3A_61 = arith.constant 128 : i32
      %mul3A_62 = arith.muli %scan3A_53, %mul3A_61 : i32
      %add3A_63 = arith.addi %mul3A_60, %mul3A_62 : i32
      "tpu.region"() ({
        %run_scoped3A = tpu.sem_alloc : memref<!tpu.dma_semaphore, #tpu.memory_space<semaphore_mem>>
        %dma_start3A_64 = arith.constant 0 : i32
        %dma_start3A_65 = tpu.memref_slice %arg5[%arg0, %add3A_63, %dma_start3A_64] : memref<2x10240x64xf32, #tpu.memory_space<hbm>> -> memref<1x128x64xf32, #tpu.memory_space<hbm>>
        %dma_start3A_66 = tpu.memref_squeeze %dma_start3A_65 : memref<1x128x64xf32, #tpu.memory_space<hbm>> -> memref<128x64xf32, #tpu.memory_space<hbm>>
        %dma_start3A_67 = arith.constant 0 : i32
        %dma_start3A_68 = tpu.memref_slice %arg11[%add3A_58, %dma_start3A_67] : memref<10240x64xf32, #tpu.memory_space<vmem_shared>> -> memref<128x64xf32, #tpu.memory_space<vmem_shared>>
        tpu.enqueue_dma source(%dma_start3A_68 : memref<128x64xf32, #tpu.memory_space<vmem_shared>>) target(%dma_start3A_66 : memref<128x64xf32, #tpu.memory_space<hbm>>) target_semaphore(%run_scoped3A : memref<!tpu.dma_semaphore, #tpu.memory_space<semaphore_mem>>)
        %dma_wait3A = arith.constant 0 : i32
        %dma_wait3A_69 = tpu.memref_slice %arg5[%arg0, %add3A_63, %dma_wait3A] : memref<2x10240x64xf32, #tpu.memory_space<hbm>> -> memref<1x128x64xf32, #tpu.memory_space<hbm>>
        %dma_wait3A_70 = tpu.memref_squeeze %dma_wait3A_69 : memref<1x128x64xf32, #tpu.memory_space<hbm>> -> memref<128x64xf32, #tpu.memory_space<hbm>>
        %dma_wait3A_71 = arith.constant 0 : i32
        %dma_wait3A_72 = tpu.memref_slice %arg11[%add3A_58, %dma_wait3A_71] : memref<10240x64xf32, #tpu.memory_space<vmem_shared>> -> memref<128x64xf32, #tpu.memory_space<vmem_shared>>
        tpu.wait_dma2 semaphore(%run_scoped3A : memref<!tpu.dma_semaphore, #tpu.memory_space<semaphore_mem>>) src(%dma_wait3A_72 : memref<128x64xf32, #tpu.memory_space<vmem_shared>>) dst(%dma_wait3A_70 : memref<128x64xf32, #tpu.memory_space<hbm>>)
        tpu.yield
      }) : () -> ()
    }
    %scan3A_52 = arith.constant 5 : i32
    return
  }
}

#map = affine_map<(d0, d1) -> (0, 0, 0)>
#map1 = affine_map<(d0, d1) -> (0, 0)>
module attributes {stable_mosaic.version = 14 : i64} {
  func.func @_deg_body(%arg0: i32, %arg1: i32, %arg2: memref<32x80x128xi32, #tpu.memory_space<hbm>>, %arg3: memref<2x10240xf32, #tpu.memory_space<hbm>>, %arg4: memref<80x128xi32, #tpu.memory_space<vmem>>, %arg5: memref<128xf32, #tpu.memory_space<vmem>>, %arg6: memref<128xf32, #tpu.memory_space<vmem>>, %arg7: memref<10240xf32, #tpu.memory_space<vmem_shared>>) attributes {dimension_semantics = [#tpu.dimension_semantics<core_parallel>, #tpu.dimension_semantics<subcore_parallel>], iteration_bounds = array<i64: 2, 16>, scalar_prefetch = 0 : i64, scratch_operands = 4 : i64, tpu.core_type = #tpu.core_type<sc_vector_subcore>, window_params = [{transform_indices = #map}, {transform_indices = #map1}]} {
    %mul3A = arith.constant 2 : i32
    %mul3A_0 = arith.muli %arg1, %mul3A : i32
    %add3A = arith.addi %mul3A_0, %arg0 : i32
    %broadcast_in_dim3A = arith.constant 0.000000e+00 : f32
    %broadcast_in_dim3A_1 = vector.broadcast %broadcast_in_dim3A : f32 to vector<16xf32>
    %broadcast_in_dim3A_2 = arith.constant 1.000000e+00 : f32
    %broadcast_in_dim3A_3 = vector.broadcast %broadcast_in_dim3A_2 : f32 to vector<16xf32>
    %swap3A = arith.constant 0 : index
    %swap3A_4 = tpu.vector_load %arg5[%swap3A] {strides = array<i32>} : memref<128xf32, #tpu.memory_space<vmem>>, vector<16xf32>,
    %swap3A_5 = vector.shape_cast %swap3A_4 : vector<16xf32> to vector<16xf32>
    %swap3A_6 = vector.shape_cast %broadcast_in_dim3A_1 : vector<16xf32> to vector<16xf32>
    tpu.vector_store %arg5[%swap3A], %swap3A_6 {strides = array<i32>} : memref<128xf32, #tpu.memory_space<vmem>>, vector<16xf32>,
    %swap3A_7 = arith.constant 0 : index
    %swap3A_8 = tpu.vector_load %arg6[%swap3A_7] {strides = array<i32>} : memref<128xf32, #tpu.memory_space<vmem>>, vector<16xf32>,
    %swap3A_9 = vector.shape_cast %swap3A_8 : vector<16xf32> to vector<16xf32>
    %swap3A_10 = vector.shape_cast %broadcast_in_dim3A_3 : vector<16xf32> to vector<16xf32>
    tpu.vector_store %arg6[%swap3A_7], %swap3A_10 {strides = array<i32>} : memref<128xf32, #tpu.memory_space<vmem>>, vector<16xf32>,
    %swap3A_11 = arith.constant 16 : index
    %swap3A_12 = tpu.vector_load %arg5[%swap3A_11] {strides = array<i32>} : memref<128xf32, #tpu.memory_space<vmem>>, vector<16xf32>,
    %swap3A_13 = vector.shape_cast %swap3A_12 : vector<16xf32> to vector<16xf32>
    %swap3A_14 = vector.shape_cast %broadcast_in_dim3A_1 : vector<16xf32> to vector<16xf32>
    tpu.vector_store %arg5[%swap3A_11], %swap3A_14 {strides = array<i32>} : memref<128xf32, #tpu.memory_space<vmem>>, vector<16xf32>,
    %swap3A_15 = arith.constant 16 : index
    %swap3A_16 = tpu.vector_load %arg6[%swap3A_15] {strides = array<i32>} : memref<128xf32, #tpu.memory_space<vmem>>, vector<16xf32>,
    %swap3A_17 = vector.shape_cast %swap3A_16 : vector<16xf32> to vector<16xf32>
    %swap3A_18 = vector.shape_cast %broadcast_in_dim3A_3 : vector<16xf32> to vector<16xf32>
    tpu.vector_store %arg6[%swap3A_15], %swap3A_18 {strides = array<i32>} : memref<128xf32, #tpu.memory_space<vmem>>, vector<16xf32>,
    %swap3A_19 = arith.constant 32 : index
    %swap3A_20 = tpu.vector_load %arg5[%swap3A_19] {strides = array<i32>} : memref<128xf32, #tpu.memory_space<vmem>>, vector<16xf32>,
    %swap3A_21 = vector.shape_cast %swap3A_20 : vector<16xf32> to vector<16xf32>
    %swap3A_22 = vector.shape_cast %broadcast_in_dim3A_1 : vector<16xf32> to vector<16xf32>
    tpu.vector_store %arg5[%swap3A_19], %swap3A_22 {strides = array<i32>} : memref<128xf32, #tpu.memory_space<vmem>>, vector<16xf32>,
    %swap3A_23 = arith.constant 32 : index
    %swap3A_24 = tpu.vector_load %arg6[%swap3A_23] {strides = array<i32>} : memref<128xf32, #tpu.memory_space<vmem>>, vector<16xf32>,
    %swap3A_25 = vector.shape_cast %swap3A_24 : vector<16xf32> to vector<16xf32>
    %swap3A_26 = vector.shape_cast %broadcast_in_dim3A_3 : vector<16xf32> to vector<16xf32>
    tpu.vector_store %arg6[%swap3A_23], %swap3A_26 {strides = array<i32>} : memref<128xf32, #tpu.memory_space<vmem>>, vector<16xf32>,
    %swap3A_27 = arith.constant 48 : index
    %swap3A_28 = tpu.vector_load %arg5[%swap3A_27] {strides = array<i32>} : memref<128xf32, #tpu.memory_space<vmem>>, vector<16xf32>,
    %swap3A_29 = vector.shape_cast %swap3A_28 : vector<16xf32> to vector<16xf32>
    %swap3A_30 = vector.shape_cast %broadcast_in_dim3A_1 : vector<16xf32> to vector<16xf32>
    tpu.vector_store %arg5[%swap3A_27], %swap3A_30 {strides = array<i32>} : memref<128xf32, #tpu.memory_space<vmem>>, vector<16xf32>,
    %swap3A_31 = arith.constant 48 : index
    %swap3A_32 = tpu.vector_load %arg6[%swap3A_31] {strides = array<i32>} : memref<128xf32, #tpu.memory_space<vmem>>, vector<16xf32>,
    %swap3A_33 = vector.shape_cast %swap3A_32 : vector<16xf32> to vector<16xf32>
    %swap3A_34 = vector.shape_cast %broadcast_in_dim3A_3 : vector<16xf32> to vector<16xf32>
    tpu.vector_store %arg6[%swap3A_31], %swap3A_34 {strides = array<i32>} : memref<128xf32, #tpu.memory_space<vmem>>, vector<16xf32>,
    %swap3A_35 = arith.constant 64 : index
    %swap3A_36 = tpu.vector_load %arg5[%swap3A_35] {strides = array<i32>} : memref<128xf32, #tpu.memory_space<vmem>>, vector<16xf32>,
    %swap3A_37 = vector.shape_cast %swap3A_36 : vector<16xf32> to vector<16xf32>
    %swap3A_38 = vector.shape_cast %broadcast_in_dim3A_1 : vector<16xf32> to vector<16xf32>
    tpu.vector_store %arg5[%swap3A_35], %swap3A_38 {strides = array<i32>} : memref<128xf32, #tpu.memory_space<vmem>>, vector<16xf32>,
    %swap3A_39 = arith.constant 64 : index
    %swap3A_40 = tpu.vector_load %arg6[%swap3A_39] {strides = array<i32>} : memref<128xf32, #tpu.memory_space<vmem>>, vector<16xf32>,
    %swap3A_41 = vector.shape_cast %swap3A_40 : vector<16xf32> to vector<16xf32>
    %swap3A_42 = vector.shape_cast %broadcast_in_dim3A_3 : vector<16xf32> to vector<16xf32>
    tpu.vector_store %arg6[%swap3A_39], %swap3A_42 {strides = array<i32>} : memref<128xf32, #tpu.memory_space<vmem>>, vector<16xf32>,
    %swap3A_43 = arith.constant 80 : index
    %swap3A_44 = tpu.vector_load %arg5[%swap3A_43] {strides = array<i32>} : memref<128xf32, #tpu.memory_space<vmem>>, vector<16xf32>,
    %swap3A_45 = vector.shape_cast %swap3A_44 : vector<16xf32> to vector<16xf32>
    %swap3A_46 = vector.shape_cast %broadcast_in_dim3A_1 : vector<16xf32> to vector<16xf32>
    tpu.vector_store %arg5[%swap3A_43], %swap3A_46 {strides = array<i32>} : memref<128xf32, #tpu.memory_space<vmem>>, vector<16xf32>,
    %swap3A_47 = arith.constant 80 : index
    %swap3A_48 = tpu.vector_load %arg6[%swap3A_47] {strides = array<i32>} : memref<128xf32, #tpu.memory_space<vmem>>, vector<16xf32>,
    %swap3A_49 = vector.shape_cast %swap3A_48 : vector<16xf32> to vector<16xf32>
    %swap3A_50 = vector.shape_cast %broadcast_in_dim3A_3 : vector<16xf32> to vector<16xf32>
    tpu.vector_store %arg6[%swap3A_47], %swap3A_50 {strides = array<i32>} : memref<128xf32, #tpu.memory_space<vmem>>, vector<16xf32>,
    %swap3A_51 = arith.constant 96 : index
    %swap3A_52 = tpu.vector_load %arg5[%swap3A_51] {strides = array<i32>} : memref<128xf32, #tpu.memory_space<vmem>>, vector<16xf32>,
    %swap3A_53 = vector.shape_cast %swap3A_52 : vector<16xf32> to vector<16xf32>
    %swap3A_54 = vector.shape_cast %broadcast_in_dim3A_1 : vector<16xf32> to vector<16xf32>
    tpu.vector_store %arg5[%swap3A_51], %swap3A_54 {strides = array<i32>} : memref<128xf32, #tpu.memory_space<vmem>>, vector<16xf32>,
    %swap3A_55 = arith.constant 96 : index
    %swap3A_56 = tpu.vector_load %arg6[%swap3A_55] {strides = array<i32>} : memref<128xf32, #tpu.memory_space<vmem>>, vector<16xf32>,
    %swap3A_57 = vector.shape_cast %swap3A_56 : vector<16xf32> to vector<16xf32>
    %swap3A_58 = vector.shape_cast %broadcast_in_dim3A_3 : vector<16xf32> to vector<16xf32>
    tpu.vector_store %arg6[%swap3A_55], %swap3A_58 {strides = array<i32>} : memref<128xf32, #tpu.memory_space<vmem>>, vector<16xf32>,
    %swap3A_59 = arith.constant 112 : index
    %swap3A_60 = tpu.vector_load %arg5[%swap3A_59] {strides = array<i32>} : memref<128xf32, #tpu.memory_space<vmem>>, vector<16xf32>,
    %swap3A_61 = vector.shape_cast %swap3A_60 : vector<16xf32> to vector<16xf32>
    %swap3A_62 = vector.shape_cast %broadcast_in_dim3A_1 : vector<16xf32> to vector<16xf32>
    tpu.vector_store %arg5[%swap3A_59], %swap3A_62 {strides = array<i32>} : memref<128xf32, #tpu.memory_space<vmem>>, vector<16xf32>,
    %swap3A_63 = arith.constant 112 : index
    %swap3A_64 = tpu.vector_load %arg6[%swap3A_63] {strides = array<i32>} : memref<128xf32, #tpu.memory_space<vmem>>, vector<16xf32>,
    %swap3A_65 = vector.shape_cast %swap3A_64 : vector<16xf32> to vector<16xf32>
    %swap3A_66 = vector.shape_cast %broadcast_in_dim3A_3 : vector<16xf32> to vector<16xf32>
    tpu.vector_store %arg6[%swap3A_63], %swap3A_66 {strides = array<i32>} : memref<128xf32, #tpu.memory_space<vmem>>, vector<16xf32>,
    %scan3A = arith.constant 0 : i32
    %scan3A_67 = arith.constant 0 : i32
    %scan3A_68 = arith.constant 5 : i32
    %scan3A_69 = arith.addi %scan3A_67, %scan3A_68 : i32
    %scan3A_70 = arith.constant 1 : i32
    scf.for %scan3A_83 = %scan3A_67 to %scan3A_69 step %scan3A_70  : i32 {
      %mul3A_84 = arith.constant 640 : i32
      %mul3A_85 = arith.muli %arg1, %mul3A_84 : i32
      %mul3A_86 = arith.constant 128 : i32
      %mul3A_87 = arith.muli %scan3A_83, %mul3A_86 : i32
      %add3A_88 = arith.addi %mul3A_85, %mul3A_87 : i32
      "tpu.region"() ({
        %run_scoped3A = tpu.sem_alloc : memref<!tpu.dma_semaphore, #tpu.memory_space<semaphore_mem>>
        %dma_start3A = tpu.memref_slice %arg7[%add3A_88] : memref<10240xf32, #tpu.memory_space<vmem_shared>> -> memref<128xf32, #tpu.memory_space<vmem_shared>>
        %dma_start3A_89 = tpu.memref_slice %arg7[%add3A_88] : memref<10240xf32, #tpu.memory_space<vmem_shared>> -> memref<128xf32, #tpu.memory_space<vmem_shared>>
        tpu.enqueue_dma source(%arg5 : memref<128xf32, #tpu.memory_space<vmem>>) target(%dma_start3A_89 : memref<128xf32, #tpu.memory_space<vmem_shared>>) target_semaphore(%run_scoped3A : memref<!tpu.dma_semaphore, #tpu.memory_space<semaphore_mem>>)
        %dma_wait3A = tpu.memref_slice %arg7[%add3A_88] : memref<10240xf32, #tpu.memory_space<vmem_shared>> -> memref<128xf32, #tpu.memory_space<vmem_shared>>
        %dma_wait3A_90 = tpu.memref_slice %arg7[%add3A_88] : memref<10240xf32, #tpu.memory_space<vmem_shared>> -> memref<128xf32, #tpu.memory_space<vmem_shared>>
        tpu.wait_dma2 semaphore(%run_scoped3A : memref<!tpu.dma_semaphore, #tpu.memory_space<semaphore_mem>>) src(%arg5 : memref<128xf32, #tpu.memory_space<vmem>>) dst(%dma_wait3A_90 : memref<128xf32, #tpu.memory_space<vmem_shared>>)
        tpu.yield
      }) : () -> ()
    }
    %scan3A_71 = arith.constant 5 : i32
    "tpu.region"() ({
      %run_scoped3A = tpu.sem_alloc : memref<!tpu.dma_semaphore, #tpu.memory_space<semaphore_mem>>
      %dma_start3A = arith.constant 0 : i32
      %dma_start3A_83 = arith.constant 0 : i32
      %dma_start3A_84 = tpu.memref_slice %arg2[%add3A, %dma_start3A, %dma_start3A_83] : memref<32x80x128xi32, #tpu.memory_space<hbm>> -> memref<1x80x128xi32, #tpu.memory_space<hbm>>
      %dma_start3A_85 = tpu.memref_squeeze %dma_start3A_84 : memref<1x80x128xi32, #tpu.memory_space<hbm>> -> memref<80x128xi32, #tpu.memory_space<hbm>>
      %dma_start3A_86 = arith.constant 0 : i32
      %dma_start3A_87 = arith.constant 0 : i32
      %dma_start3A_88 = tpu.memref_slice %arg2[%add3A, %dma_start3A_86, %dma_start3A_87] : memref<32x80x128xi32, #tpu.memory_space<hbm>> -> memref<1x80x128xi32, #tpu.memory_space<hbm>>
      %dma_start3A_89 = tpu.memref_squeeze %dma_start3A_88 : memref<1x80x128xi32, #tpu.memory_space<hbm>> -> memref<80x128xi32, #tpu.memory_space<hbm>>
      tpu.enqueue_dma source(%dma_start3A_89 : memref<80x128xi32, #tpu.memory_space<hbm>>) target(%arg4 : memref<80x128xi32, #tpu.memory_space<vmem>>) target_semaphore(%run_scoped3A : memref<!tpu.dma_semaphore, #tpu.memory_space<semaphore_mem>>)
      %dma_wait3A = arith.constant 0 : i32
      %dma_wait3A_90 = arith.constant 0 : i32
      %dma_wait3A_91 = tpu.memref_slice %arg2[%add3A, %dma_wait3A, %dma_wait3A_90] : memref<32x80x128xi32, #tpu.memory_space<hbm>> -> memref<1x80x128xi32, #tpu.memory_space<hbm>>
      %dma_wait3A_92 = tpu.memref_squeeze %dma_wait3A_91 : memref<1x80x128xi32, #tpu.memory_space<hbm>> -> memref<80x128xi32, #tpu.memory_space<hbm>>
      %dma_wait3A_93 = arith.constant 0 : i32
      %dma_wait3A_94 = arith.constant 0 : i32
      %dma_wait3A_95 = tpu.memref_slice %arg2[%add3A, %dma_wait3A_93, %dma_wait3A_94] : memref<32x80x128xi32, #tpu.memory_space<hbm>> -> memref<1x80x128xi32, #tpu.memory_space<hbm>>
      %dma_wait3A_96 = tpu.memref_squeeze %dma_wait3A_95 : memref<1x80x128xi32, #tpu.memory_space<hbm>> -> memref<80x128xi32, #tpu.memory_space<hbm>>
      tpu.wait_dma2 semaphore(%run_scoped3A : memref<!tpu.dma_semaphore, #tpu.memory_space<semaphore_mem>>) src(%dma_wait3A_96 : memref<80x128xi32, #tpu.memory_space<hbm>>) dst(%arg4 : memref<80x128xi32, #tpu.memory_space<vmem>>)
      tpu.yield
    }) : () -> ()
    %barrier3A = arith.constant 0 : index
    tpu.barrier barrier_id(%barrier3A)
    %scan3A_72 = arith.constant 0 : i32
    %scan3A_73 = arith.constant 0 : i32
    %scan3A_74 = arith.constant 80 : i32
    %scan3A_75 = arith.addi %scan3A_73, %scan3A_74 : i32
    %scan3A_76 = arith.constant 1 : i32
    scf.for %scan3A_83 = %scan3A_73 to %scan3A_75 step %scan3A_76  : i32 {
      "tpu.region"() ({
        %run_scoped3A = tpu.sem_alloc : memref<!tpu.dma_semaphore, #tpu.memory_space<semaphore_mem>>
        %dma_start3A = arith.constant 0 : i32
        %dma_start3A_84 = tpu.memref_slice %arg4[%scan3A_83, %dma_start3A] : memref<80x128xi32, #tpu.memory_space<vmem>> -> memref<1x128xi32, #tpu.memory_space<vmem>>
        %dma_start3A_85 = tpu.memref_squeeze %dma_start3A_84 : memref<1x128xi32, #tpu.memory_space<vmem>> -> memref<128xi32, #tpu.memory_space<vmem>>
        %dma_start3A_86 = arith.constant 0 : i32
        %dma_start3A_87 = tpu.memref_slice %arg7[%dma_start3A_86] : memref<10240xf32, #tpu.memory_space<vmem_shared>> -> memref<10240xf32, #tpu.memory_space<vmem_shared>>
        tpu.enqueue_indirect_dma source(%arg6 : memref<128xf32, #tpu.memory_space<vmem>>) target(%dma_start3A_87 : memref<10240xf32, #tpu.memory_space<vmem_shared>>) offsets(%dma_start3A_85 : memref<128xi32, #tpu.memory_space<vmem>>) semaphore(%run_scoped3A : memref<!tpu.dma_semaphore, #tpu.memory_space<semaphore_mem>>) {add = true}
        %dma_wait3A = arith.constant 0 : i32
        %dma_wait3A_88 = tpu.memref_slice %arg4[%scan3A_83, %dma_wait3A] : memref<80x128xi32, #tpu.memory_space<vmem>> -> memref<1x128xi32, #tpu.memory_space<vmem>>
        %dma_wait3A_89 = tpu.memref_squeeze %dma_wait3A_88 : memref<1x128xi32, #tpu.memory_space<vmem>> -> memref<128xi32, #tpu.memory_space<vmem>>
        %dma_wait3A_90 = arith.constant 0 : i32
        %dma_wait3A_91 = tpu.memref_slice %arg7[%dma_wait3A_90] : memref<10240xf32, #tpu.memory_space<vmem_shared>> -> memref<10240xf32, #tpu.memory_space<vmem_shared>>
        tpu.wait_indirect_dma semaphore(%run_scoped3A : memref<!tpu.dma_semaphore, #tpu.memory_space<semaphore_mem>>) src(%arg6 : memref<128xf32, #tpu.memory_space<vmem>>) dst(%dma_wait3A_91 : memref<10240xf32, #tpu.memory_space<vmem_shared>>)
        tpu.yield
      }) : () -> ()
    }
    %scan3A_77 = arith.constant 80 : i32
    %barrier3A_78 = arith.constant 0 : index
    tpu.barrier barrier_id(%barrier3A_78)
    %mul3A_79 = arith.constant 640 : i32
    %mul3A_80 = arith.muli %arg1, %mul3A_79 : i32
    %mul3A_81 = arith.constant 640 : i32
    %mul3A_82 = arith.muli %arg1, %mul3A_81 : i32
    "tpu.region"() ({
      %run_scoped3A = tpu.sem_alloc : memref<!tpu.dma_semaphore, #tpu.memory_space<semaphore_mem>>
      %dma_start3A = tpu.memref_slice %arg3[%arg0, %mul3A_82] : memref<2x10240xf32, #tpu.memory_space<hbm>> -> memref<1x640xf32, #tpu.memory_space<hbm>>
      %dma_start3A_83 = tpu.memref_squeeze %dma_start3A : memref<1x640xf32, #tpu.memory_space<hbm>> -> memref<640xf32, #tpu.memory_space<hbm>>
      %dma_start3A_84 = tpu.memref_slice %arg7[%mul3A_80] : memref<10240xf32, #tpu.memory_space<vmem_shared>> -> memref<640xf32, #tpu.memory_space<vmem_shared>>
      tpu.enqueue_dma source(%dma_start3A_84 : memref<640xf32, #tpu.memory_space<vmem_shared>>) target(%dma_start3A_83 : memref<640xf32, #tpu.memory_space<hbm>>) target_semaphore(%run_scoped3A : memref<!tpu.dma_semaphore, #tpu.memory_space<semaphore_mem>>)
      %dma_wait3A = tpu.memref_slice %arg3[%arg0, %mul3A_82] : memref<2x10240xf32, #tpu.memory_space<hbm>> -> memref<1x640xf32, #tpu.memory_space<hbm>>
      %dma_wait3A_85 = tpu.memref_squeeze %dma_wait3A : memref<1x640xf32, #tpu.memory_space<hbm>> -> memref<640xf32, #tpu.memory_space<hbm>>
      %dma_wait3A_86 = tpu.memref_slice %arg7[%mul3A_80] : memref<10240xf32, #tpu.memory_space<vmem_shared>> -> memref<640xf32, #tpu.memory_space<vmem_shared>>
      tpu.wait_dma2 semaphore(%run_scoped3A : memref<!tpu.dma_semaphore, #tpu.memory_space<semaphore_mem>>) src(%dma_wait3A_86 : memref<640xf32, #tpu.memory_space<vmem_shared>>) dst(%dma_wait3A_85 : memref<640xf32, #tpu.memory_space<hbm>>)
      tpu.yield
    }) : () -> ()
    return
  }
}

#map = affine_map<(d0, d1) -> (0, 0, 0)>
#map1 = affine_map<(d0, d1) -> (0, 0)>
module attributes {stable_mosaic.version = 14 : i64} {
  func.func @_agg1_body(%arg0: i32, %arg1: i32, %arg2: memref<32x80x128xi32, #tpu.memory_space<hbm>>, %arg3: memref<32x80x128xi32, #tpu.memory_space<hbm>>, %arg4: memref<10240x64xf32, #tpu.memory_space<hbm>>, %arg5: memref<2x10240x64xf32, #tpu.memory_space<hbm>>, %arg6: memref<80x128xi32, #tpu.memory_space<vmem>>, %arg7: memref<80x128xi32, #tpu.memory_space<vmem>>, %arg8: memref<2x128x64xf32, #tpu.memory_space<vmem>>, %arg9: memref<32x64xf32, #tpu.memory_space<vmem>>, %arg10: memref<10240x64xf32, #tpu.memory_space<vmem_shared>>, %arg11: memref<10240x64xf32, #tpu.memory_space<vmem_shared>>, %arg12: memref<!tpu.dma_semaphore, #tpu.memory_space<semaphore_mem>>, %arg13: memref<!tpu.dma_semaphore, #tpu.memory_space<semaphore_mem>>, %arg14: memref<!tpu.dma_semaphore, #tpu.memory_space<semaphore_mem>>, %arg15: memref<!tpu.dma_semaphore, #tpu.memory_space<semaphore_mem>>) attributes {dimension_semantics = [#tpu.dimension_semantics<core_parallel>, #tpu.dimension_semantics<subcore_parallel>], iteration_bounds = array<i64: 2, 16>, scalar_prefetch = 0 : i64, scratch_operands = 10 : i64, tpu.core_type = #tpu.core_type<sc_vector_subcore>, window_params = [{transform_indices = #map}, {transform_indices = #map}, {transform_indices = #map1}, {transform_indices = #map}]} {
    %mul3A = arith.constant 2 : i32
    %mul3A_0 = arith.muli %arg1, %mul3A : i32
    %add3A = arith.addi %mul3A_0, %arg0 : i32
    %broadcast_in_dim3A = arith.constant 0.000000e+00 : f32
    %broadcast_in_dim3A_1 = vector.broadcast %broadcast_in_dim3A : f32 to vector<16xf32>
    %scan3A = arith.constant 0 : i32
    %scan3A_2 = arith.constant 0 : i32
    %scan3A_3 = arith.constant 32 : i32
    %scan3A_4 = arith.addi %scan3A_2, %scan3A_3 : i32
    %scan3A_5 = arith.constant 1 : i32
    scf.for %scan3A_53 = %scan3A_2 to %scan3A_4 step %scan3A_5  : i32 {
      %swap3A = arith.index_cast %scan3A_53 : i32 to index
      %swap3A_54 = arith.constant 0 : index
      %swap3A_55 = tpu.vector_load %arg9[%swap3A, %swap3A_54] {strides = array<i32>} : memref<32x64xf32, #tpu.memory_space<vmem>>, vector<1x16xf32>,
      %swap3A_56 = vector.shape_cast %swap3A_55 : vector<1x16xf32> to vector<16xf32>
      %swap3A_57 = vector.shape_cast %broadcast_in_dim3A_1 : vector<16xf32> to vector<1x16xf32>
      tpu.vector_store %arg9[%swap3A, %swap3A_54], %swap3A_57 {strides = array<i32>} : memref<32x64xf32, #tpu.memory_space<vmem>>, vector<1x16xf32>,
      %swap3A_58 = arith.index_cast %scan3A_53 : i32 to index
      %swap3A_59 = arith.constant 16 : index
      %swap3A_60 = tpu.vector_load %arg9[%swap3A_58, %swap3A_59] {strides = array<i32>} : memref<32x64xf32, #tpu.memory_space<vmem>>, vector<1x16xf32>,
      %swap3A_61 = vector.shape_cast %swap3A_60 : vector<1x16xf32> to vector<16xf32>
      %swap3A_62 = vector.shape_cast %broadcast_in_dim3A_1 : vector<16xf32> to vector<1x16xf32>
      tpu.vector_store %arg9[%swap3A_58, %swap3A_59], %swap3A_62 {strides = array<i32>} : memref<32x64xf32, #tpu.memory_space<vmem>>, vector<1x16xf32>,
      %swap3A_63 = arith.index_cast %scan3A_53 : i32 to index
      %swap3A_64 = arith.constant 32 : index
      %swap3A_65 = tpu.vector_load %arg9[%swap3A_63, %swap3A_64] {strides = array<i32>} : memref<32x64xf32, #tpu.memory_space<vmem>>, vector<1x16xf32>,
      %swap3A_66 = vector.shape_cast %swap3A_65 : vector<1x16xf32> to vector<16xf32>
      %swap3A_67 = vector.shape_cast %broadcast_in_dim3A_1 : vector<16xf32> to vector<1x16xf32>
      tpu.vector_store %arg9[%swap3A_63, %swap3A_64], %swap3A_67 {strides = array<i32>} : memref<32x64xf32, #tpu.memory_space<vmem>>, vector<1x16xf32>,
      %swap3A_68 = arith.index_cast %scan3A_53 : i32 to index
      %swap3A_69 = arith.constant 48 : index
      %swap3A_70 = tpu.vector_load %arg9[%swap3A_68, %swap3A_69] {strides = array<i32>} : memref<32x64xf32, #tpu.memory_space<vmem>>, vector<1x16xf32>,
      %swap3A_71 = vector.shape_cast %swap3A_70 : vector<1x16xf32> to vector<16xf32>
      %swap3A_72 = vector.shape_cast %broadcast_in_dim3A_1 : vector<16xf32> to vector<1x16xf32>
      tpu.vector_store %arg9[%swap3A_68, %swap3A_69], %swap3A_72 {strides = array<i32>} : memref<32x64xf32, #tpu.memory_space<vmem>>, vector<1x16xf32>,
    }
    %scan3A_6 = arith.constant 32 : i32
    "tpu.region"() ({
      %run_scoped3A = tpu.sem_alloc : memref<!tpu.dma_semaphore, #tpu.memory_space<semaphore_mem>>
      %dma_start3A_53 = arith.constant 0 : i32
      %dma_start3A_54 = arith.constant 0 : i32
      %dma_start3A_55 = tpu.memref_slice %arg2[%add3A, %dma_start3A_53, %dma_start3A_54] : memref<32x80x128xi32, #tpu.memory_space<hbm>> -> memref<1x80x128xi32, #tpu.memory_space<hbm>>
      %dma_start3A_56 = tpu.memref_squeeze %dma_start3A_55 : memref<1x80x128xi32, #tpu.memory_space<hbm>> -> memref<80x128xi32, #tpu.memory_space<hbm>>
      %dma_start3A_57 = arith.constant 0 : i32
      %dma_start3A_58 = arith.constant 0 : i32
      %dma_start3A_59 = tpu.memref_slice %arg2[%add3A, %dma_start3A_57, %dma_start3A_58] : memref<32x80x128xi32, #tpu.memory_space<hbm>> -> memref<1x80x128xi32, #tpu.memory_space<hbm>>
      %dma_start3A_60 = tpu.memref_squeeze %dma_start3A_59 : memref<1x80x128xi32, #tpu.memory_space<hbm>> -> memref<80x128xi32, #tpu.memory_space<hbm>>
      tpu.enqueue_dma source(%dma_start3A_60 : memref<80x128xi32, #tpu.memory_space<hbm>>) target(%arg6 : memref<80x128xi32, #tpu.memory_space<vmem>>) target_semaphore(%run_scoped3A : memref<!tpu.dma_semaphore, #tpu.memory_space<semaphore_mem>>)
      %dma_wait3A = arith.constant 0 : i32
      %dma_wait3A_61 = arith.constant 0 : i32
      %dma_wait3A_62 = tpu.memref_slice %arg2[%add3A, %dma_wait3A, %dma_wait3A_61] : memref<32x80x128xi32, #tpu.memory_space<hbm>> -> memref<1x80x128xi32, #tpu.memory_space<hbm>>
      %dma_wait3A_63 = tpu.memref_squeeze %dma_wait3A_62 : memref<1x80x128xi32, #tpu.memory_space<hbm>> -> memref<80x128xi32, #tpu.memory_space<hbm>>
      %dma_wait3A_64 = arith.constant 0 : i32
      %dma_wait3A_65 = arith.constant 0 : i32
      %dma_wait3A_66 = tpu.memref_slice %arg2[%add3A, %dma_wait3A_64, %dma_wait3A_65] : memref<32x80x128xi32, #tpu.memory_space<hbm>> -> memref<1x80x128xi32, #tpu.memory_space<hbm>>
      %dma_wait3A_67 = tpu.memref_squeeze %dma_wait3A_66 : memref<1x80x128xi32, #tpu.memory_space<hbm>> -> memref<80x128xi32, #tpu.memory_space<hbm>>
      tpu.wait_dma2 semaphore(%run_scoped3A : memref<!tpu.dma_semaphore, #tpu.memory_space<semaphore_mem>>) src(%dma_wait3A_67 : memref<80x128xi32, #tpu.memory_space<hbm>>) dst(%arg6 : memref<80x128xi32, #tpu.memory_space<vmem>>)
      tpu.yield
    }) : () -> ()
    "tpu.region"() ({
      %run_scoped3A = tpu.sem_alloc : memref<!tpu.dma_semaphore, #tpu.memory_space<semaphore_mem>>
      %dma_start3A_53 = arith.constant 0 : i32
      %dma_start3A_54 = arith.constant 0 : i32
      %dma_start3A_55 = tpu.memref_slice %arg3[%add3A, %dma_start3A_53, %dma_start3A_54] : memref<32x80x128xi32, #tpu.memory_space<hbm>> -> memref<1x80x128xi32, #tpu.memory_space<hbm>>
      %dma_start3A_56 = tpu.memref_squeeze %dma_start3A_55 : memref<1x80x128xi32, #tpu.memory_space<hbm>> -> memref<80x128xi32, #tpu.memory_space<hbm>>
      %dma_start3A_57 = arith.constant 0 : i32
      %dma_start3A_58 = arith.constant 0 : i32
      %dma_start3A_59 = tpu.memref_slice %arg3[%add3A, %dma_start3A_57, %dma_start3A_58] : memref<32x80x128xi32, #tpu.memory_space<hbm>> -> memref<1x80x128xi32, #tpu.memory_space<hbm>>
      %dma_start3A_60 = tpu.memref_squeeze %dma_start3A_59 : memref<1x80x128xi32, #tpu.memory_space<hbm>> -> memref<80x128xi32, #tpu.memory_space<hbm>>
      tpu.enqueue_dma source(%dma_start3A_60 : memref<80x128xi32, #tpu.memory_space<hbm>>) target(%arg7 : memref<80x128xi32, #tpu.memory_space<vmem>>) target_semaphore(%run_scoped3A : memref<!tpu.dma_semaphore, #tpu.memory_space<semaphore_mem>>)
      %dma_wait3A = arith.constant 0 : i32
      %dma_wait3A_61 = arith.constant 0 : i32
      %dma_wait3A_62 = tpu.memref_slice %arg3[%add3A, %dma_wait3A, %dma_wait3A_61] : memref<32x80x128xi32, #tpu.memory_space<hbm>> -> memref<1x80x128xi32, #tpu.memory_space<hbm>>
      %dma_wait3A_63 = tpu.memref_squeeze %dma_wait3A_62 : memref<1x80x128xi32, #tpu.memory_space<hbm>> -> memref<80x128xi32, #tpu.memory_space<hbm>>
      %dma_wait3A_64 = arith.constant 0 : i32
      %dma_wait3A_65 = arith.constant 0 : i32
      %dma_wait3A_66 = tpu.memref_slice %arg3[%add3A, %dma_wait3A_64, %dma_wait3A_65] : memref<32x80x128xi32, #tpu.memory_space<hbm>> -> memref<1x80x128xi32, #tpu.memory_space<hbm>>
      %dma_wait3A_67 = tpu.memref_squeeze %dma_wait3A_66 : memref<1x80x128xi32, #tpu.memory_space<hbm>> -> memref<80x128xi32, #tpu.memory_space<hbm>>
      tpu.wait_dma2 semaphore(%run_scoped3A : memref<!tpu.dma_semaphore, #tpu.memory_space<semaphore_mem>>) src(%dma_wait3A_67 : memref<80x128xi32, #tpu.memory_space<hbm>>) dst(%arg7 : memref<80x128xi32, #tpu.memory_space<vmem>>)
      tpu.yield
    }) : () -> ()
    %mul3A_7 = arith.constant 640 : i32
    %mul3A_8 = arith.muli %arg1, %mul3A_7 : i32
    %mul3A_9 = arith.constant 640 : i32
    %mul3A_10 = arith.muli %arg1, %mul3A_9 : i32
    "tpu.region"() ({
      %run_scoped3A = tpu.sem_alloc : memref<!tpu.dma_semaphore, #tpu.memory_space<semaphore_mem>>
      %dma_start3A_53 = arith.constant 0 : i32
      %dma_start3A_54 = tpu.memref_slice %arg10[%mul3A_10, %dma_start3A_53] : memref<10240x64xf32, #tpu.memory_space<vmem_shared>> -> memref<640x64xf32, #tpu.memory_space<vmem_shared>>
      %dma_start3A_55 = arith.constant 0 : i32
      %dma_start3A_56 = tpu.memref_slice %arg4[%mul3A_8, %dma_start3A_55] : memref<10240x64xf32, #tpu.memory_space<hbm>> -> memref<640x64xf32, #tpu.memory_space<hbm>>
      tpu.enqueue_dma source(%dma_start3A_56 : memref<640x64xf32, #tpu.memory_space<hbm>>) target(%dma_start3A_54 : memref<640x64xf32, #tpu.memory_space<vmem_shared>>) target_semaphore(%run_scoped3A : memref<!tpu.dma_semaphore, #tpu.memory_space<semaphore_mem>>)
      %dma_wait3A = arith.constant 0 : i32
      %dma_wait3A_57 = tpu.memref_slice %arg10[%mul3A_10, %dma_wait3A] : memref<10240x64xf32, #tpu.memory_space<vmem_shared>> -> memref<640x64xf32, #tpu.memory_space<vmem_shared>>
      %dma_wait3A_58 = arith.constant 0 : i32
      %dma_wait3A_59 = tpu.memref_slice %arg4[%mul3A_8, %dma_wait3A_58] : memref<10240x64xf32, #tpu.memory_space<hbm>> -> memref<640x64xf32, #tpu.memory_space<hbm>>
      tpu.wait_dma2 semaphore(%run_scoped3A : memref<!tpu.dma_semaphore, #tpu.memory_space<semaphore_mem>>) src(%dma_wait3A_59 : memref<640x64xf32, #tpu.memory_space<hbm>>) dst(%dma_wait3A_57 : memref<640x64xf32, #tpu.memory_space<vmem_shared>>)
      tpu.yield
    }) : () -> ()
    %scan3A_11 = arith.constant 0 : i32
    %scan3A_12 = arith.constant 0 : i32
    %scan3A_13 = arith.constant 20 : i32
    %scan3A_14 = arith.addi %scan3A_12, %scan3A_13 : i32
    %scan3A_15 = arith.constant 1 : i32
    scf.for %scan3A_53 = %scan3A_12 to %scan3A_14 step %scan3A_15  : i32 {
      %mul3A_54 = arith.constant 640 : i32
      %mul3A_55 = arith.muli %arg1, %mul3A_54 : i32
      %mul3A_56 = arith.constant 32 : i32
      %mul3A_57 = arith.muli %scan3A_53, %mul3A_56 : i32
      %add3A_58 = arith.addi %mul3A_55, %mul3A_57 : i32
      "tpu.region"() ({
        %run_scoped3A = tpu.sem_alloc : memref<!tpu.dma_semaphore, #tpu.memory_space<semaphore_mem>>
        %dma_start3A_59 = arith.constant 0 : i32
        %dma_start3A_60 = tpu.memref_slice %arg11[%add3A_58, %dma_start3A_59] : memref<10240x64xf32, #tpu.memory_space<vmem_shared>> -> memref<32x64xf32, #tpu.memory_space<vmem_shared>>
        %dma_start3A_61 = arith.constant 0 : i32
        %dma_start3A_62 = tpu.memref_slice %arg11[%add3A_58, %dma_start3A_61] : memref<10240x64xf32, #tpu.memory_space<vmem_shared>> -> memref<32x64xf32, #tpu.memory_space<vmem_shared>>
        tpu.enqueue_dma source(%arg9 : memref<32x64xf32, #tpu.memory_space<vmem>>) target(%dma_start3A_62 : memref<32x64xf32, #tpu.memory_space<vmem_shared>>) target_semaphore(%run_scoped3A : memref<!tpu.dma_semaphore, #tpu.memory_space<semaphore_mem>>)
        %dma_wait3A = arith.constant 0 : i32
        %dma_wait3A_63 = tpu.memref_slice %arg11[%add3A_58, %dma_wait3A] : memref<10240x64xf32, #tpu.memory_space<vmem_shared>> -> memref<32x64xf32, #tpu.memory_space<vmem_shared>>
        %dma_wait3A_64 = arith.constant 0 : i32
        %dma_wait3A_65 = tpu.memref_slice %arg11[%add3A_58, %dma_wait3A_64] : memref<10240x64xf32, #tpu.memory_space<vmem_shared>> -> memref<32x64xf32, #tpu.memory_space<vmem_shared>>
        tpu.wait_dma2 semaphore(%run_scoped3A : memref<!tpu.dma_semaphore, #tpu.memory_space<semaphore_mem>>) src(%arg9 : memref<32x64xf32, #tpu.memory_space<vmem>>) dst(%dma_wait3A_65 : memref<32x64xf32, #tpu.memory_space<vmem_shared>>)
        tpu.yield
      }) : () -> ()
    }
    %scan3A_16 = arith.constant 20 : i32
    %barrier3A = arith.constant 0 : index
    tpu.barrier barrier_id(%barrier3A)
    %dma_start3A = arith.constant 0 : i32
    %dma_start3A_17 = arith.constant 0 : i32
    %dma_start3A_18 = arith.constant 0 : i32
    %dma_start3A_19 = arith.constant 0 : i32
    %dma_start3A_20 = tpu.memref_slice %arg8[%dma_start3A_17, %dma_start3A_18, %dma_start3A_19] : memref<2x128x64xf32, #tpu.memory_space<vmem>> -> memref<1x128x64xf32, #tpu.memory_space<vmem>>
    %dma_start3A_21 = tpu.memref_squeeze %dma_start3A_20 : memref<1x128x64xf32, #tpu.memory_space<vmem>> -> memref<128x64xf32, #tpu.memory_space<vmem>>
    %dma_start3A_22 = arith.constant 0 : i32
    %dma_start3A_23 = tpu.memref_slice %arg6[%dma_start3A, %dma_start3A_22] : memref<80x128xi32, #tpu.memory_space<vmem>> -> memref<1x128xi32, #tpu.memory_space<vmem>>
    %dma_start3A_24 = tpu.memref_squeeze %dma_start3A_23 : memref<1x128xi32, #tpu.memory_space<vmem>> -> memref<128xi32, #tpu.memory_space<vmem>>
    %dma_start3A_25 = arith.constant 0 : i32
    %dma_start3A_26 = arith.constant 0 : i32
    %dma_start3A_27 = tpu.memref_slice %arg10[%dma_start3A_25, %dma_start3A_26] : memref<10240x64xf32, #tpu.memory_space<vmem_shared>> -> memref<10240x64xf32, #tpu.memory_space<vmem_shared>>
    tpu.enqueue_indirect_dma source(%dma_start3A_27 : memref<10240x64xf32, #tpu.memory_space<vmem_shared>>) target(%dma_start3A_21 : memref<128x64xf32, #tpu.memory_space<vmem>>) offsets(%dma_start3A_24 : memref<128xi32, #tpu.memory_space<vmem>>) semaphore(%arg12 : memref<!tpu.dma_semaphore, #tpu.memory_space<semaphore_mem>>)
    %dma_start3A_28 = arith.constant 1 : i32
    %dma_start3A_29 = arith.constant 1 : i32
    %dma_start3A_30 = arith.constant 0 : i32
    %dma_start3A_31 = arith.constant 0 : i32
    %dma_start3A_32 = tpu.memref_slice %arg8[%dma_start3A_29, %dma_start3A_30, %dma_start3A_31] : memref<2x128x64xf32, #tpu.memory_space<vmem>> -> memref<1x128x64xf32, #tpu.memory_space<vmem>>
    %dma_start3A_33 = tpu.memref_squeeze %dma_start3A_32 : memref<1x128x64xf32, #tpu.memory_space<vmem>> -> memref<128x64xf32, #tpu.memory_space<vmem>>
    %dma_start3A_34 = arith.constant 0 : i32
    %dma_start3A_35 = tpu.memref_slice %arg6[%dma_start3A_28, %dma_start3A_34] : memref<80x128xi32, #tpu.memory_space<vmem>> -> memref<1x128xi32, #tpu.memory_space<vmem>>
    %dma_start3A_36 = tpu.memref_squeeze %dma_start3A_35 : memref<1x128xi32, #tpu.memory_space<vmem>> -> memref<128xi32, #tpu.memory_space<vmem>>
    %dma_start3A_37 = arith.constant 0 : i32
    %dma_start3A_38 = arith.constant 0 : i32
    %dma_start3A_39 = tpu.memref_slice %arg10[%dma_start3A_37, %dma_start3A_38] : memref<10240x64xf32, #tpu.memory_space<vmem_shared>> -> memref<10240x64xf32, #tpu.memory_space<vmem_shared>>
    tpu.enqueue_indirect_dma source(%dma_start3A_39 : memref<10240x64xf32, #tpu.memory_space<vmem_shared>>) target(%dma_start3A_33 : memref<128x64xf32, #tpu.memory_space<vmem>>) offsets(%dma_start3A_36 : memref<128xi32, #tpu.memory_space<vmem>>) semaphore(%arg13 : memref<!tpu.dma_semaphore, #tpu.memory_space<semaphore_mem>>)
    %scan3A_40 = arith.constant 0 : i32
    %scan3A_41 = arith.constant 0 : i32
    %scan3A_42 = arith.constant 40 : i32
    %scan3A_43 = arith.addi %scan3A_41, %scan3A_42 : i32
    %scan3A_44 = arith.constant 1 : i32
    scf.for %scan3A_53 = %scan3A_41 to %scan3A_43 step %scan3A_44  : i32 {
      %mul3A_54 = arith.constant 2 : i32
      %mul3A_55 = arith.muli %mul3A_54, %scan3A_53 : i32
      %mul3A_56 = arith.constant 2 : i32
      %mul3A_57 = arith.muli %mul3A_56, %scan3A_53 : i32
      %add3A_58 = arith.constant 1 : i32
      %add3A_59 = arith.addi %mul3A_57, %add3A_58 : i32
      %dma_wait3A = arith.constant 0 : i32
      %dma_wait3A_60 = arith.constant 0 : i32
      %dma_wait3A_61 = arith.constant 0 : i32
      %dma_wait3A_62 = tpu.memref_slice %arg8[%dma_wait3A, %dma_wait3A_60, %dma_wait3A_61] : memref<2x128x64xf32, #tpu.memory_space<vmem>> -> memref<1x128x64xf32, #tpu.memory_space<vmem>>
      %dma_wait3A_63 = tpu.memref_squeeze %dma_wait3A_62 : memref<1x128x64xf32, #tpu.memory_space<vmem>> -> memref<128x64xf32, #tpu.memory_space<vmem>>
      %dma_wait3A_64 = arith.constant 0 : i32
      %dma_wait3A_65 = tpu.memref_slice %arg6[%mul3A_55, %dma_wait3A_64] : memref<80x128xi32, #tpu.memory_space<vmem>> -> memref<1x128xi32, #tpu.memory_space<vmem>>
      %dma_wait3A_66 = tpu.memref_squeeze %dma_wait3A_65 : memref<1x128xi32, #tpu.memory_space<vmem>> -> memref<128xi32, #tpu.memory_space<vmem>>
      %dma_wait3A_67 = arith.constant 0 : i32
      %dma_wait3A_68 = arith.constant 0 : i32
      %dma_wait3A_69 = tpu.memref_slice %arg10[%dma_wait3A_67, %dma_wait3A_68] : memref<10240x64xf32, #tpu.memory_space<vmem_shared>> -> memref<10240x64xf32, #tpu.memory_space<vmem_shared>>
      tpu.wait_indirect_dma semaphore(%arg12 : memref<!tpu.dma_semaphore, #tpu.memory_space<semaphore_mem>>) src(%dma_wait3A_69 : memref<10240x64xf32, #tpu.memory_space<vmem_shared>>) dst(%dma_wait3A_63 : memref<128x64xf32, #tpu.memory_space<vmem>>)
      %dma_start3A_70 = arith.constant 0 : i32
      %dma_start3A_71 = arith.constant 0 : i32
      %dma_start3A_72 = arith.constant 0 : i32
      %dma_start3A_73 = tpu.memref_slice %arg8[%dma_start3A_70, %dma_start3A_71, %dma_start3A_72] : memref<2x128x64xf32, #tpu.memory_space<vmem>> -> memref<1x128x64xf32, #tpu.memory_space<vmem>>
      %dma_start3A_74 = tpu.memref_squeeze %dma_start3A_73 : memref<1x128x64xf32, #tpu.memory_space<vmem>> -> memref<128x64xf32, #tpu.memory_space<vmem>>
      %dma_start3A_75 = arith.constant 0 : i32
      %dma_start3A_76 = tpu.memref_slice %arg7[%mul3A_55, %dma_start3A_75] : memref<80x128xi32, #tpu.memory_space<vmem>> -> memref<1x128xi32, #tpu.memory_space<vmem>>
      %dma_start3A_77 = tpu.memref_squeeze %dma_start3A_76 : memref<1x128xi32, #tpu.memory_space<vmem>> -> memref<128xi32, #tpu.memory_space<vmem>>
      %dma_start3A_78 = arith.constant 0 : i32
      %dma_start3A_79 = arith.constant 0 : i32
      %dma_start3A_80 = tpu.memref_slice %arg11[%dma_start3A_78, %dma_start3A_79] : memref<10240x64xf32, #tpu.memory_space<vmem_shared>> -> memref<10240x64xf32, #tpu.memory_space<vmem_shared>>
      tpu.enqueue_indirect_dma source(%dma_start3A_74 : memref<128x64xf32, #tpu.memory_space<vmem>>) target(%dma_start3A_80 : memref<10240x64xf32, #tpu.memory_space<vmem_shared>>) offsets(%dma_start3A_77 : memref<128xi32, #tpu.memory_space<vmem>>) semaphore(%arg14 : memref<!tpu.dma_semaphore, #tpu.memory_space<semaphore_mem>>) {add = true}
      %dma_wait3A_81 = arith.constant 1 : i32
      %dma_wait3A_82 = arith.constant 0 : i32
      %dma_wait3A_83 = arith.constant 0 : i32
      %dma_wait3A_84 = tpu.memref_slice %arg8[%dma_wait3A_81, %dma_wait3A_82, %dma_wait3A_83] : memref<2x128x64xf32, #tpu.memory_space<vmem>> -> memref<1x128x64xf32, #tpu.memory_space<vmem>>
      %dma_wait3A_85 = tpu.memref_squeeze %dma_wait3A_84 : memref<1x128x64xf32, #tpu.memory_space<vmem>> -> memref<128x64xf32, #tpu.memory_space<vmem>>
      %dma_wait3A_86 = arith.constant 0 : i32
      %dma_wait3A_87 = tpu.memref_slice %arg6[%add3A_59, %dma_wait3A_86] : memref<80x128xi32, #tpu.memory_space<vmem>> -> memref<1x128xi32, #tpu.memory_space<vmem>>
      %dma_wait3A_88 = tpu.memref_squeeze %dma_wait3A_87 : memref<1x128xi32, #tpu.memory_space<vmem>> -> memref<128xi32, #tpu.memory_space<vmem>>
      %dma_wait3A_89 = arith.constant 0 : i32
      %dma_wait3A_90 = arith.constant 0 : i32
      %dma_wait3A_91 = tpu.memref_slice %arg10[%dma_wait3A_89, %dma_wait3A_90] : memref<10240x64xf32, #tpu.memory_space<vmem_shared>> -> memref<10240x64xf32, #tpu.memory_space<vmem_shared>>
      tpu.wait_indirect_dma semaphore(%arg13 : memref<!tpu.dma_semaphore, #tpu.memory_space<semaphore_mem>>) src(%dma_wait3A_91 : memref<10240x64xf32, #tpu.memory_space<vmem_shared>>) dst(%dma_wait3A_85 : memref<128x64xf32, #tpu.memory_space<vmem>>)
      %dma_start3A_92 = arith.constant 1 : i32
      %dma_start3A_93 = arith.constant 0 : i32
      %dma_start3A_94 = arith.constant 0 : i32
      %dma_start3A_95 = tpu.memref_slice %arg8[%dma_start3A_92, %dma_start3A_93, %dma_start3A_94] : memref<2x128x64xf32, #tpu.memory_space<vmem>> -> memref<1x128x64xf32, #tpu.memory_space<vmem>>
      %dma_start3A_96 = tpu.memref_squeeze %dma_start3A_95 : memref<1x128x64xf32, #tpu.memory_space<vmem>> -> memref<128x64xf32, #tpu.memory_space<vmem>>
      %dma_start3A_97 = arith.constant 0 : i32
      %dma_start3A_98 = tpu.memref_slice %arg7[%add3A_59, %dma_start3A_97] : memref<80x128xi32, #tpu.memory_space<vmem>> -> memref<1x128xi32, #tpu.memory_space<vmem>>
      %dma_start3A_99 = tpu.memref_squeeze %dma_start3A_98 : memref<1x128xi32, #tpu.memory_space<vmem>> -> memref<128xi32, #tpu.memory_space<vmem>>
      %dma_start3A_100 = arith.constant 0 : i32
      %dma_start3A_101 = arith.constant 0 : i32
      %dma_start3A_102 = tpu.memref_slice %arg11[%dma_start3A_100, %dma_start3A_101] : memref<10240x64xf32, #tpu.memory_space<vmem_shared>> -> memref<10240x64xf32, #tpu.memory_space<vmem_shared>>
      tpu.enqueue_indirect_dma source(%dma_start3A_96 : memref<128x64xf32, #tpu.memory_space<vmem>>) target(%dma_start3A_102 : memref<10240x64xf32, #tpu.memory_space<vmem_shared>>) offsets(%dma_start3A_99 : memref<128xi32, #tpu.memory_space<vmem>>) semaphore(%arg15 : memref<!tpu.dma_semaphore, #tpu.memory_space<semaphore_mem>>) {add = true}
      %dma_wait3A_103 = arith.constant 0 : i32
      %dma_wait3A_104 = arith.constant 0 : i32
      %dma_wait3A_105 = arith.constant 0 : i32
      %dma_wait3A_106 = tpu.memref_slice %arg8[%dma_wait3A_103, %dma_wait3A_104, %dma_wait3A_105] : memref<2x128x64xf32, #tpu.memory_space<vmem>> -> memref<1x128x64xf32, #tpu.memory_space<vmem>>
      %dma_wait3A_107 = tpu.memref_squeeze %dma_wait3A_106 : memref<1x128x64xf32, #tpu.memory_space<vmem>> -> memref<128x64xf32, #tpu.memory_space<vmem>>
      %dma_wait3A_108 = arith.constant 0 : i32
      %dma_wait3A_109 = tpu.memref_slice %arg7[%mul3A_55, %dma_wait3A_108] : memref<80x128xi32, #tpu.memory_space<vmem>> -> memref<1x128xi32, #tpu.memory_space<vmem>>
      %dma_wait3A_110 = tpu.memref_squeeze %dma_wait3A_109 : memref<1x128xi32, #tpu.memory_space<vmem>> -> memref<128xi32, #tpu.memory_space<vmem>>
      %dma_wait3A_111 = arith.constant 0 : i32
      %dma_wait3A_112 = arith.constant 0 : i32
      %dma_wait3A_113 = tpu.memref_slice %arg11[%dma_wait3A_111, %dma_wait3A_112] : memref<10240x64xf32, #tpu.memory_space<vmem_shared>> -> memref<10240x64xf32, #tpu.memory_space<vmem_shared>>
      tpu.wait_indirect_dma semaphore(%arg14 : memref<!tpu.dma_semaphore, #tpu.memory_space<semaphore_mem>>) src(%dma_wait3A_107 : memref<128x64xf32, #tpu.memory_space<vmem>>) dst(%dma_wait3A_113 : memref<10240x64xf32, #tpu.memory_space<vmem_shared>>)
      %lt3A = arith.constant 39 : i32
      %lt3A_114 = arith.cmpi slt, %scan3A_53, %lt3A : i32
      %convert_element_type3A = arith.extui %lt3A_114 : i1 to i32
      %cond3A = arith.constant 0 : i32
      %cond3A_115 = arith.cmpi ne, %convert_element_type3A, %cond3A : i32
      scf.if %cond3A_115 {
        %add3A_132 = arith.constant 2 : i32
        %add3A_133 = arith.addi %mul3A_55, %add3A_132 : i32
        %dma_start3A_134 = arith.constant 0 : i32
        %dma_start3A_135 = arith.constant 0 : i32
        %dma_start3A_136 = arith.constant 0 : i32
        %dma_start3A_137 = tpu.memref_slice %arg8[%dma_start3A_134, %dma_start3A_135, %dma_start3A_136] : memref<2x128x64xf32, #tpu.memory_space<vmem>> -> memref<1x128x64xf32, #tpu.memory_space<vmem>>
        %dma_start3A_138 = tpu.memref_squeeze %dma_start3A_137 : memref<1x128x64xf32, #tpu.memory_space<vmem>> -> memref<128x64xf32, #tpu.memory_space<vmem>>
        %dma_start3A_139 = arith.constant 0 : i32
        %dma_start3A_140 = tpu.memref_slice %arg6[%add3A_133, %dma_start3A_139] : memref<80x128xi32, #tpu.memory_space<vmem>> -> memref<1x128xi32, #tpu.memory_space<vmem>>
        %dma_start3A_141 = tpu.memref_squeeze %dma_start3A_140 : memref<1x128xi32, #tpu.memory_space<vmem>> -> memref<128xi32, #tpu.memory_space<vmem>>
        %dma_start3A_142 = arith.constant 0 : i32
        %dma_start3A_143 = arith.constant 0 : i32
        %dma_start3A_144 = tpu.memref_slice %arg10[%dma_start3A_142, %dma_start3A_143] : memref<10240x64xf32, #tpu.memory_space<vmem_shared>> -> memref<10240x64xf32, #tpu.memory_space<vmem_shared>>
        tpu.enqueue_indirect_dma source(%dma_start3A_144 : memref<10240x64xf32, #tpu.memory_space<vmem_shared>>) target(%dma_start3A_138 : memref<128x64xf32, #tpu.memory_space<vmem>>) offsets(%dma_start3A_141 : memref<128xi32, #tpu.memory_space<vmem>>) semaphore(%arg12 : memref<!tpu.dma_semaphore, #tpu.memory_space<semaphore_mem>>)
      } else {
      }
      %dma_wait3A_116 = arith.constant 1 : i32
      %dma_wait3A_117 = arith.constant 0 : i32
      %dma_wait3A_118 = arith.constant 0 : i32
      %dma_wait3A_119 = tpu.memref_slice %arg8[%dma_wait3A_116, %dma_wait3A_117, %dma_wait3A_118] : memref<2x128x64xf32, #tpu.memory_space<vmem>> -> memref<1x128x64xf32, #tpu.memory_space<vmem>>
      %dma_wait3A_120 = tpu.memref_squeeze %dma_wait3A_119 : memref<1x128x64xf32, #tpu.memory_space<vmem>> -> memref<128x64xf32, #tpu.memory_space<vmem>>
      %dma_wait3A_121 = arith.constant 0 : i32
      %dma_wait3A_122 = tpu.memref_slice %arg7[%add3A_59, %dma_wait3A_121] : memref<80x128xi32, #tpu.memory_space<vmem>> -> memref<1x128xi32, #tpu.memory_space<vmem>>
      %dma_wait3A_123 = tpu.memref_squeeze %dma_wait3A_122 : memref<1x128xi32, #tpu.memory_space<vmem>> -> memref<128xi32, #tpu.memory_space<vmem>>
      %dma_wait3A_124 = arith.constant 0 : i32
      %dma_wait3A_125 = arith.constant 0 : i32
      %dma_wait3A_126 = tpu.memref_slice %arg11[%dma_wait3A_124, %dma_wait3A_125] : memref<10240x64xf32, #tpu.memory_space<vmem_shared>> -> memref<10240x64xf32, #tpu.memory_space<vmem_shared>>
      tpu.wait_indirect_dma semaphore(%arg15 : memref<!tpu.dma_semaphore, #tpu.memory_space<semaphore_mem>>) src(%dma_wait3A_120 : memref<128x64xf32, #tpu.memory_space<vmem>>) dst(%dma_wait3A_126 : memref<10240x64xf32, #tpu.memory_space<vmem_shared>>)
      %lt3A_127 = arith.constant 39 : i32
      %lt3A_128 = arith.cmpi slt, %scan3A_53, %lt3A_127 : i32
      %convert_element_type3A_129 = arith.extui %lt3A_128 : i1 to i32
      %cond3A_130 = arith.constant 0 : i32
      %cond3A_131 = arith.cmpi ne, %convert_element_type3A_129, %cond3A_130 : i32
      scf.if %cond3A_131 {
        %add3A_132 = arith.constant 2 : i32
        %add3A_133 = arith.addi %add3A_59, %add3A_132 : i32
        %dma_start3A_134 = arith.constant 1 : i32
        %dma_start3A_135 = arith.constant 0 : i32
        %dma_start3A_136 = arith.constant 0 : i32
        %dma_start3A_137 = tpu.memref_slice %arg8[%dma_start3A_134, %dma_start3A_135, %dma_start3A_136] : memref<2x128x64xf32, #tpu.memory_space<vmem>> -> memref<1x128x64xf32, #tpu.memory_space<vmem>>
        %dma_start3A_138 = tpu.memref_squeeze %dma_start3A_137 : memref<1x128x64xf32, #tpu.memory_space<vmem>> -> memref<128x64xf32, #tpu.memory_space<vmem>>
        %dma_start3A_139 = arith.constant 0 : i32
        %dma_start3A_140 = tpu.memref_slice %arg6[%add3A_133, %dma_start3A_139] : memref<80x128xi32, #tpu.memory_space<vmem>> -> memref<1x128xi32, #tpu.memory_space<vmem>>
        %dma_start3A_141 = tpu.memref_squeeze %dma_start3A_140 : memref<1x128xi32, #tpu.memory_space<vmem>> -> memref<128xi32, #tpu.memory_space<vmem>>
        %dma_start3A_142 = arith.constant 0 : i32
        %dma_start3A_143 = arith.constant 0 : i32
        %dma_start3A_144 = tpu.memref_slice %arg10[%dma_start3A_142, %dma_start3A_143] : memref<10240x64xf32, #tpu.memory_space<vmem_shared>> -> memref<10240x64xf32, #tpu.memory_space<vmem_shared>>
        tpu.enqueue_indirect_dma source(%dma_start3A_144 : memref<10240x64xf32, #tpu.memory_space<vmem_shared>>) target(%dma_start3A_138 : memref<128x64xf32, #tpu.memory_space<vmem>>) offsets(%dma_start3A_141 : memref<128xi32, #tpu.memory_space<vmem>>) semaphore(%arg13 : memref<!tpu.dma_semaphore, #tpu.memory_space<semaphore_mem>>)
      } else {
      }
    }
    %scan3A_45 = arith.constant 40 : i32
    %barrier3A_46 = arith.constant 0 : index
    tpu.barrier barrier_id(%barrier3A_46)
    %scan3A_47 = arith.constant 0 : i32
    %scan3A_48 = arith.constant 0 : i32
    %scan3A_49 = arith.constant 5 : i32
    %scan3A_50 = arith.addi %scan3A_48, %scan3A_49 : i32
    %scan3A_51 = arith.constant 1 : i32
    scf.for %scan3A_53 = %scan3A_48 to %scan3A_50 step %scan3A_51  : i32 {
      %mul3A_54 = arith.constant 640 : i32
      %mul3A_55 = arith.muli %arg1, %mul3A_54 : i32
      %mul3A_56 = arith.constant 128 : i32
      %mul3A_57 = arith.muli %scan3A_53, %mul3A_56 : i32
      %add3A_58 = arith.addi %mul3A_55, %mul3A_57 : i32
      %mul3A_59 = arith.constant 640 : i32
      %mul3A_60 = arith.muli %arg1, %mul3A_59 : i32
      %mul3A_61 = arith.constant 128 : i32
      %mul3A_62 = arith.muli %scan3A_53, %mul3A_61 : i32
      %add3A_63 = arith.addi %mul3A_60, %mul3A_62 : i32
      "tpu.region"() ({
        %run_scoped3A = tpu.sem_alloc : memref<!tpu.dma_semaphore, #tpu.memory_space<semaphore_mem>>
        %dma_start3A_64 = arith.constant 0 : i32
        %dma_start3A_65 = tpu.memref_slice %arg5[%arg0, %add3A_63, %dma_start3A_64] : memref<2x10240x64xf32, #tpu.memory_space<hbm>> -> memref<1x128x64xf32, #tpu.memory_space<hbm>>
        %dma_start3A_66 = tpu.memref_squeeze %dma_start3A_65 : memref<1x128x64xf32, #tpu.memory_space<hbm>> -> memref<128x64xf32, #tpu.memory_space<hbm>>
        %dma_start3A_67 = arith.constant 0 : i32
        %dma_start3A_68 = tpu.memref_slice %arg11[%add3A_58, %dma_start3A_67] : memref<10240x64xf32, #tpu.memory_space<vmem_shared>> -> memref<128x64xf32, #tpu.memory_space<vmem_shared>>
        tpu.enqueue_dma source(%dma_start3A_68 : memref<128x64xf32, #tpu.memory_space<vmem_shared>>) target(%dma_start3A_66 : memref<128x64xf32, #tpu.memory_space<hbm>>) target_semaphore(%run_scoped3A : memref<!tpu.dma_semaphore, #tpu.memory_space<semaphore_mem>>)
        %dma_wait3A = arith.constant 0 : i32
        %dma_wait3A_69 = tpu.memref_slice %arg5[%arg0, %add3A_63, %dma_wait3A] : memref<2x10240x64xf32, #tpu.memory_space<hbm>> -> memref<1x128x64xf32, #tpu.memory_space<hbm>>
        %dma_wait3A_70 = tpu.memref_squeeze %dma_wait3A_69 : memref<1x128x64xf32, #tpu.memory_space<hbm>> -> memref<128x64xf32, #tpu.memory_space<hbm>>
        %dma_wait3A_71 = arith.constant 0 : i32
        %dma_wait3A_72 = tpu.memref_slice %arg11[%add3A_58, %dma_wait3A_71] : memref<10240x64xf32, #tpu.memory_space<vmem_shared>> -> memref<128x64xf32, #tpu.memory_space<vmem_shared>>
        tpu.wait_dma2 semaphore(%run_scoped3A : memref<!tpu.dma_semaphore, #tpu.memory_space<semaphore_mem>>) src(%dma_wait3A_72 : memref<128x64xf32, #tpu.memory_space<vmem_shared>>) dst(%dma_wait3A_70 : memref<128x64xf32, #tpu.memory_space<hbm>>)
        tpu.yield
      }) : () -> ()
    }
    %scan3A_52 = arith.constant 5 : i32
    return
  }
}

#map = affine_map<(d0, d1) -> (0, 0, 0)>
#map1 = affine_map<(d0, d1) -> (0, 0)>
module attributes {stable_mosaic.version = 14 : i64} {
  func.func @_agg1_body(%arg0: i32, %arg1: i32, %arg2: memref<32x80x128xi32, #tpu.memory_space<hbm>>, %arg3: memref<32x80x128xi32, #tpu.memory_space<hbm>>, %arg4: memref<10240x64xf32, #tpu.memory_space<hbm>>, %arg5: memref<2x10240x64xf32, #tpu.memory_space<hbm>>, %arg6: memref<80x128xi32, #tpu.memory_space<vmem>>, %arg7: memref<80x128xi32, #tpu.memory_space<vmem>>, %arg8: memref<2x128x64xf32, #tpu.memory_space<vmem>>, %arg9: memref<32x64xf32, #tpu.memory_space<vmem>>, %arg10: memref<10240x64xf32, #tpu.memory_space<vmem_shared>>, %arg11: memref<10240x64xf32, #tpu.memory_space<vmem_shared>>, %arg12: memref<!tpu.dma_semaphore, #tpu.memory_space<semaphore_mem>>, %arg13: memref<!tpu.dma_semaphore, #tpu.memory_space<semaphore_mem>>, %arg14: memref<!tpu.dma_semaphore, #tpu.memory_space<semaphore_mem>>, %arg15: memref<!tpu.dma_semaphore, #tpu.memory_space<semaphore_mem>>) attributes {dimension_semantics = [#tpu.dimension_semantics<core_parallel>, #tpu.dimension_semantics<subcore_parallel>], iteration_bounds = array<i64: 2, 16>, scalar_prefetch = 0 : i64, scratch_operands = 10 : i64, tpu.core_type = #tpu.core_type<sc_vector_subcore>, window_params = [{transform_indices = #map}, {transform_indices = #map}, {transform_indices = #map1}, {transform_indices = #map}]} {
    %mul3A = arith.constant 2 : i32
    %mul3A_0 = arith.muli %arg1, %mul3A : i32
    %add3A = arith.addi %mul3A_0, %arg0 : i32
    %broadcast_in_dim3A = arith.constant 0.000000e+00 : f32
    %broadcast_in_dim3A_1 = vector.broadcast %broadcast_in_dim3A : f32 to vector<16xf32>
    %scan3A = arith.constant 0 : i32
    %scan3A_2 = arith.constant 0 : i32
    %scan3A_3 = arith.constant 32 : i32
    %scan3A_4 = arith.addi %scan3A_2, %scan3A_3 : i32
    %scan3A_5 = arith.constant 1 : i32
    scf.for %scan3A_53 = %scan3A_2 to %scan3A_4 step %scan3A_5  : i32 {
      %swap3A = arith.index_cast %scan3A_53 : i32 to index
      %swap3A_54 = arith.constant 0 : index
      %swap3A_55 = tpu.vector_load %arg9[%swap3A, %swap3A_54] {strides = array<i32>} : memref<32x64xf32, #tpu.memory_space<vmem>>, vector<1x16xf32>,
      %swap3A_56 = vector.shape_cast %swap3A_55 : vector<1x16xf32> to vector<16xf32>
      %swap3A_57 = vector.shape_cast %broadcast_in_dim3A_1 : vector<16xf32> to vector<1x16xf32>
      tpu.vector_store %arg9[%swap3A, %swap3A_54], %swap3A_57 {strides = array<i32>} : memref<32x64xf32, #tpu.memory_space<vmem>>, vector<1x16xf32>,
      %swap3A_58 = arith.index_cast %scan3A_53 : i32 to index
      %swap3A_59 = arith.constant 16 : index
      %swap3A_60 = tpu.vector_load %arg9[%swap3A_58, %swap3A_59] {strides = array<i32>} : memref<32x64xf32, #tpu.memory_space<vmem>>, vector<1x16xf32>,
      %swap3A_61 = vector.shape_cast %swap3A_60 : vector<1x16xf32> to vector<16xf32>
      %swap3A_62 = vector.shape_cast %broadcast_in_dim3A_1 : vector<16xf32> to vector<1x16xf32>
      tpu.vector_store %arg9[%swap3A_58, %swap3A_59], %swap3A_62 {strides = array<i32>} : memref<32x64xf32, #tpu.memory_space<vmem>>, vector<1x16xf32>,
      %swap3A_63 = arith.index_cast %scan3A_53 : i32 to index
      %swap3A_64 = arith.constant 32 : index
      %swap3A_65 = tpu.vector_load %arg9[%swap3A_63, %swap3A_64] {strides = array<i32>} : memref<32x64xf32, #tpu.memory_space<vmem>>, vector<1x16xf32>,
      %swap3A_66 = vector.shape_cast %swap3A_65 : vector<1x16xf32> to vector<16xf32>
      %swap3A_67 = vector.shape_cast %broadcast_in_dim3A_1 : vector<16xf32> to vector<1x16xf32>
      tpu.vector_store %arg9[%swap3A_63, %swap3A_64], %swap3A_67 {strides = array<i32>} : memref<32x64xf32, #tpu.memory_space<vmem>>, vector<1x16xf32>,
      %swap3A_68 = arith.index_cast %scan3A_53 : i32 to index
      %swap3A_69 = arith.constant 48 : index
      %swap3A_70 = tpu.vector_load %arg9[%swap3A_68, %swap3A_69] {strides = array<i32>} : memref<32x64xf32, #tpu.memory_space<vmem>>, vector<1x16xf32>,
      %swap3A_71 = vector.shape_cast %swap3A_70 : vector<1x16xf32> to vector<16xf32>
      %swap3A_72 = vector.shape_cast %broadcast_in_dim3A_1 : vector<16xf32> to vector<1x16xf32>
      tpu.vector_store %arg9[%swap3A_68, %swap3A_69], %swap3A_72 {strides = array<i32>} : memref<32x64xf32, #tpu.memory_space<vmem>>, vector<1x16xf32>,
    }
    %scan3A_6 = arith.constant 32 : i32
    "tpu.region"() ({
      %run_scoped3A = tpu.sem_alloc : memref<!tpu.dma_semaphore, #tpu.memory_space<semaphore_mem>>
      %dma_start3A_53 = arith.constant 0 : i32
      %dma_start3A_54 = arith.constant 0 : i32
      %dma_start3A_55 = tpu.memref_slice %arg2[%add3A, %dma_start3A_53, %dma_start3A_54] : memref<32x80x128xi32, #tpu.memory_space<hbm>> -> memref<1x80x128xi32, #tpu.memory_space<hbm>>
      %dma_start3A_56 = tpu.memref_squeeze %dma_start3A_55 : memref<1x80x128xi32, #tpu.memory_space<hbm>> -> memref<80x128xi32, #tpu.memory_space<hbm>>
      %dma_start3A_57 = arith.constant 0 : i32
      %dma_start3A_58 = arith.constant 0 : i32
      %dma_start3A_59 = tpu.memref_slice %arg2[%add3A, %dma_start3A_57, %dma_start3A_58] : memref<32x80x128xi32, #tpu.memory_space<hbm>> -> memref<1x80x128xi32, #tpu.memory_space<hbm>>
      %dma_start3A_60 = tpu.memref_squeeze %dma_start3A_59 : memref<1x80x128xi32, #tpu.memory_space<hbm>> -> memref<80x128xi32, #tpu.memory_space<hbm>>
      tpu.enqueue_dma source(%dma_start3A_60 : memref<80x128xi32, #tpu.memory_space<hbm>>) target(%arg6 : memref<80x128xi32, #tpu.memory_space<vmem>>) target_semaphore(%run_scoped3A : memref<!tpu.dma_semaphore, #tpu.memory_space<semaphore_mem>>)
      %dma_wait3A = arith.constant 0 : i32
      %dma_wait3A_61 = arith.constant 0 : i32
      %dma_wait3A_62 = tpu.memref_slice %arg2[%add3A, %dma_wait3A, %dma_wait3A_61] : memref<32x80x128xi32, #tpu.memory_space<hbm>> -> memref<1x80x128xi32, #tpu.memory_space<hbm>>
      %dma_wait3A_63 = tpu.memref_squeeze %dma_wait3A_62 : memref<1x80x128xi32, #tpu.memory_space<hbm>> -> memref<80x128xi32, #tpu.memory_space<hbm>>
      %dma_wait3A_64 = arith.constant 0 : i32
      %dma_wait3A_65 = arith.constant 0 : i32
      %dma_wait3A_66 = tpu.memref_slice %arg2[%add3A, %dma_wait3A_64, %dma_wait3A_65] : memref<32x80x128xi32, #tpu.memory_space<hbm>> -> memref<1x80x128xi32, #tpu.memory_space<hbm>>
      %dma_wait3A_67 = tpu.memref_squeeze %dma_wait3A_66 : memref<1x80x128xi32, #tpu.memory_space<hbm>> -> memref<80x128xi32, #tpu.memory_space<hbm>>
      tpu.wait_dma2 semaphore(%run_scoped3A : memref<!tpu.dma_semaphore, #tpu.memory_space<semaphore_mem>>) src(%dma_wait3A_67 : memref<80x128xi32, #tpu.memory_space<hbm>>) dst(%arg6 : memref<80x128xi32, #tpu.memory_space<vmem>>)
      tpu.yield
    }) : () -> ()
    "tpu.region"() ({
      %run_scoped3A = tpu.sem_alloc : memref<!tpu.dma_semaphore, #tpu.memory_space<semaphore_mem>>
      %dma_start3A_53 = arith.constant 0 : i32
      %dma_start3A_54 = arith.constant 0 : i32
      %dma_start3A_55 = tpu.memref_slice %arg3[%add3A, %dma_start3A_53, %dma_start3A_54] : memref<32x80x128xi32, #tpu.memory_space<hbm>> -> memref<1x80x128xi32, #tpu.memory_space<hbm>>
      %dma_start3A_56 = tpu.memref_squeeze %dma_start3A_55 : memref<1x80x128xi32, #tpu.memory_space<hbm>> -> memref<80x128xi32, #tpu.memory_space<hbm>>
      %dma_start3A_57 = arith.constant 0 : i32
      %dma_start3A_58 = arith.constant 0 : i32
      %dma_start3A_59 = tpu.memref_slice %arg3[%add3A, %dma_start3A_57, %dma_start3A_58] : memref<32x80x128xi32, #tpu.memory_space<hbm>> -> memref<1x80x128xi32, #tpu.memory_space<hbm>>
      %dma_start3A_60 = tpu.memref_squeeze %dma_start3A_59 : memref<1x80x128xi32, #tpu.memory_space<hbm>> -> memref<80x128xi32, #tpu.memory_space<hbm>>
      tpu.enqueue_dma source(%dma_start3A_60 : memref<80x128xi32, #tpu.memory_space<hbm>>) target(%arg7 : memref<80x128xi32, #tpu.memory_space<vmem>>) target_semaphore(%run_scoped3A : memref<!tpu.dma_semaphore, #tpu.memory_space<semaphore_mem>>)
      %dma_wait3A = arith.constant 0 : i32
      %dma_wait3A_61 = arith.constant 0 : i32
      %dma_wait3A_62 = tpu.memref_slice %arg3[%add3A, %dma_wait3A, %dma_wait3A_61] : memref<32x80x128xi32, #tpu.memory_space<hbm>> -> memref<1x80x128xi32, #tpu.memory_space<hbm>>
      %dma_wait3A_63 = tpu.memref_squeeze %dma_wait3A_62 : memref<1x80x128xi32, #tpu.memory_space<hbm>> -> memref<80x128xi32, #tpu.memory_space<hbm>>
      %dma_wait3A_64 = arith.constant 0 : i32
      %dma_wait3A_65 = arith.constant 0 : i32
      %dma_wait3A_66 = tpu.memref_slice %arg3[%add3A, %dma_wait3A_64, %dma_wait3A_65] : memref<32x80x128xi32, #tpu.memory_space<hbm>> -> memref<1x80x128xi32, #tpu.memory_space<hbm>>
      %dma_wait3A_67 = tpu.memref_squeeze %dma_wait3A_66 : memref<1x80x128xi32, #tpu.memory_space<hbm>> -> memref<80x128xi32, #tpu.memory_space<hbm>>
      tpu.wait_dma2 semaphore(%run_scoped3A : memref<!tpu.dma_semaphore, #tpu.memory_space<semaphore_mem>>) src(%dma_wait3A_67 : memref<80x128xi32, #tpu.memory_space<hbm>>) dst(%arg7 : memref<80x128xi32, #tpu.memory_space<vmem>>)
      tpu.yield
    }) : () -> ()
    %mul3A_7 = arith.constant 640 : i32
    %mul3A_8 = arith.muli %arg1, %mul3A_7 : i32
    %mul3A_9 = arith.constant 640 : i32
    %mul3A_10 = arith.muli %arg1, %mul3A_9 : i32
    "tpu.region"() ({
      %run_scoped3A = tpu.sem_alloc : memref<!tpu.dma_semaphore, #tpu.memory_space<semaphore_mem>>
      %dma_start3A_53 = arith.constant 0 : i32
      %dma_start3A_54 = tpu.memref_slice %arg10[%mul3A_10, %dma_start3A_53] : memref<10240x64xf32, #tpu.memory_space<vmem_shared>> -> memref<640x64xf32, #tpu.memory_space<vmem_shared>>
      %dma_start3A_55 = arith.constant 0 : i32
      %dma_start3A_56 = tpu.memref_slice %arg4[%mul3A_8, %dma_start3A_55] : memref<10240x64xf32, #tpu.memory_space<hbm>> -> memref<640x64xf32, #tpu.memory_space<hbm>>
      tpu.enqueue_dma source(%dma_start3A_56 : memref<640x64xf32, #tpu.memory_space<hbm>>) target(%dma_start3A_54 : memref<640x64xf32, #tpu.memory_space<vmem_shared>>) target_semaphore(%run_scoped3A : memref<!tpu.dma_semaphore, #tpu.memory_space<semaphore_mem>>)
      %dma_wait3A = arith.constant 0 : i32
      %dma_wait3A_57 = tpu.memref_slice %arg10[%mul3A_10, %dma_wait3A] : memref<10240x64xf32, #tpu.memory_space<vmem_shared>> -> memref<640x64xf32, #tpu.memory_space<vmem_shared>>
      %dma_wait3A_58 = arith.constant 0 : i32
      %dma_wait3A_59 = tpu.memref_slice %arg4[%mul3A_8, %dma_wait3A_58] : memref<10240x64xf32, #tpu.memory_space<hbm>> -> memref<640x64xf32, #tpu.memory_space<hbm>>
      tpu.wait_dma2 semaphore(%run_scoped3A : memref<!tpu.dma_semaphore, #tpu.memory_space<semaphore_mem>>) src(%dma_wait3A_59 : memref<640x64xf32, #tpu.memory_space<hbm>>) dst(%dma_wait3A_57 : memref<640x64xf32, #tpu.memory_space<vmem_shared>>)
      tpu.yield
    }) : () -> ()
    %scan3A_11 = arith.constant 0 : i32
    %scan3A_12 = arith.constant 0 : i32
    %scan3A_13 = arith.constant 20 : i32
    %scan3A_14 = arith.addi %scan3A_12, %scan3A_13 : i32
    %scan3A_15 = arith.constant 1 : i32
    scf.for %scan3A_53 = %scan3A_12 to %scan3A_14 step %scan3A_15  : i32 {
      %mul3A_54 = arith.constant 640 : i32
      %mul3A_55 = arith.muli %arg1, %mul3A_54 : i32
      %mul3A_56 = arith.constant 32 : i32
      %mul3A_57 = arith.muli %scan3A_53, %mul3A_56 : i32
      %add3A_58 = arith.addi %mul3A_55, %mul3A_57 : i32
      "tpu.region"() ({
        %run_scoped3A = tpu.sem_alloc : memref<!tpu.dma_semaphore, #tpu.memory_space<semaphore_mem>>
        %dma_start3A_59 = arith.constant 0 : i32
        %dma_start3A_60 = tpu.memref_slice %arg11[%add3A_58, %dma_start3A_59] : memref<10240x64xf32, #tpu.memory_space<vmem_shared>> -> memref<32x64xf32, #tpu.memory_space<vmem_shared>>
        %dma_start3A_61 = arith.constant 0 : i32
        %dma_start3A_62 = tpu.memref_slice %arg11[%add3A_58, %dma_start3A_61] : memref<10240x64xf32, #tpu.memory_space<vmem_shared>> -> memref<32x64xf32, #tpu.memory_space<vmem_shared>>
        tpu.enqueue_dma source(%arg9 : memref<32x64xf32, #tpu.memory_space<vmem>>) target(%dma_start3A_62 : memref<32x64xf32, #tpu.memory_space<vmem_shared>>) target_semaphore(%run_scoped3A : memref<!tpu.dma_semaphore, #tpu.memory_space<semaphore_mem>>)
        %dma_wait3A = arith.constant 0 : i32
        %dma_wait3A_63 = tpu.memref_slice %arg11[%add3A_58, %dma_wait3A] : memref<10240x64xf32, #tpu.memory_space<vmem_shared>> -> memref<32x64xf32, #tpu.memory_space<vmem_shared>>
        %dma_wait3A_64 = arith.constant 0 : i32
        %dma_wait3A_65 = tpu.memref_slice %arg11[%add3A_58, %dma_wait3A_64] : memref<10240x64xf32, #tpu.memory_space<vmem_shared>> -> memref<32x64xf32, #tpu.memory_space<vmem_shared>>
        tpu.wait_dma2 semaphore(%run_scoped3A : memref<!tpu.dma_semaphore, #tpu.memory_space<semaphore_mem>>) src(%arg9 : memref<32x64xf32, #tpu.memory_space<vmem>>) dst(%dma_wait3A_65 : memref<32x64xf32, #tpu.memory_space<vmem_shared>>)
        tpu.yield
      }) : () -> ()
    }
    %scan3A_16 = arith.constant 20 : i32
    %barrier3A = arith.constant 0 : index
    tpu.barrier barrier_id(%barrier3A)
    %dma_start3A = arith.constant 0 : i32
    %dma_start3A_17 = arith.constant 0 : i32
    %dma_start3A_18 = arith.constant 0 : i32
    %dma_start3A_19 = arith.constant 0 : i32
    %dma_start3A_20 = tpu.memref_slice %arg8[%dma_start3A_17, %dma_start3A_18, %dma_start3A_19] : memref<2x128x64xf32, #tpu.memory_space<vmem>> -> memref<1x128x64xf32, #tpu.memory_space<vmem>>
    %dma_start3A_21 = tpu.memref_squeeze %dma_start3A_20 : memref<1x128x64xf32, #tpu.memory_space<vmem>> -> memref<128x64xf32, #tpu.memory_space<vmem>>
    %dma_start3A_22 = arith.constant 0 : i32
    %dma_start3A_23 = tpu.memref_slice %arg6[%dma_start3A, %dma_start3A_22] : memref<80x128xi32, #tpu.memory_space<vmem>> -> memref<1x128xi32, #tpu.memory_space<vmem>>
    %dma_start3A_24 = tpu.memref_squeeze %dma_start3A_23 : memref<1x128xi32, #tpu.memory_space<vmem>> -> memref<128xi32, #tpu.memory_space<vmem>>
    %dma_start3A_25 = arith.constant 0 : i32
    %dma_start3A_26 = arith.constant 0 : i32
    %dma_start3A_27 = tpu.memref_slice %arg10[%dma_start3A_25, %dma_start3A_26] : memref<10240x64xf32, #tpu.memory_space<vmem_shared>> -> memref<10240x64xf32, #tpu.memory_space<vmem_shared>>
    tpu.enqueue_indirect_dma source(%dma_start3A_27 : memref<10240x64xf32, #tpu.memory_space<vmem_shared>>) target(%dma_start3A_21 : memref<128x64xf32, #tpu.memory_space<vmem>>) offsets(%dma_start3A_24 : memref<128xi32, #tpu.memory_space<vmem>>) semaphore(%arg12 : memref<!tpu.dma_semaphore, #tpu.memory_space<semaphore_mem>>)
    %dma_start3A_28 = arith.constant 1 : i32
    %dma_start3A_29 = arith.constant 1 : i32
    %dma_start3A_30 = arith.constant 0 : i32
    %dma_start3A_31 = arith.constant 0 : i32
    %dma_start3A_32 = tpu.memref_slice %arg8[%dma_start3A_29, %dma_start3A_30, %dma_start3A_31] : memref<2x128x64xf32, #tpu.memory_space<vmem>> -> memref<1x128x64xf32, #tpu.memory_space<vmem>>
    %dma_start3A_33 = tpu.memref_squeeze %dma_start3A_32 : memref<1x128x64xf32, #tpu.memory_space<vmem>> -> memref<128x64xf32, #tpu.memory_space<vmem>>
    %dma_start3A_34 = arith.constant 0 : i32
    %dma_start3A_35 = tpu.memref_slice %arg6[%dma_start3A_28, %dma_start3A_34] : memref<80x128xi32, #tpu.memory_space<vmem>> -> memref<1x128xi32, #tpu.memory_space<vmem>>
    %dma_start3A_36 = tpu.memref_squeeze %dma_start3A_35 : memref<1x128xi32, #tpu.memory_space<vmem>> -> memref<128xi32, #tpu.memory_space<vmem>>
    %dma_start3A_37 = arith.constant 0 : i32
    %dma_start3A_38 = arith.constant 0 : i32
    %dma_start3A_39 = tpu.memref_slice %arg10[%dma_start3A_37, %dma_start3A_38] : memref<10240x64xf32, #tpu.memory_space<vmem_shared>> -> memref<10240x64xf32, #tpu.memory_space<vmem_shared>>
    tpu.enqueue_indirect_dma source(%dma_start3A_39 : memref<10240x64xf32, #tpu.memory_space<vmem_shared>>) target(%dma_start3A_33 : memref<128x64xf32, #tpu.memory_space<vmem>>) offsets(%dma_start3A_36 : memref<128xi32, #tpu.memory_space<vmem>>) semaphore(%arg13 : memref<!tpu.dma_semaphore, #tpu.memory_space<semaphore_mem>>)
    %scan3A_40 = arith.constant 0 : i32
    %scan3A_41 = arith.constant 0 : i32
    %scan3A_42 = arith.constant 40 : i32
    %scan3A_43 = arith.addi %scan3A_41, %scan3A_42 : i32
    %scan3A_44 = arith.constant 1 : i32
    scf.for %scan3A_53 = %scan3A_41 to %scan3A_43 step %scan3A_44  : i32 {
      %mul3A_54 = arith.constant 2 : i32
      %mul3A_55 = arith.muli %mul3A_54, %scan3A_53 : i32
      %mul3A_56 = arith.constant 2 : i32
      %mul3A_57 = arith.muli %mul3A_56, %scan3A_53 : i32
      %add3A_58 = arith.constant 1 : i32
      %add3A_59 = arith.addi %mul3A_57, %add3A_58 : i32
      %dma_wait3A = arith.constant 0 : i32
      %dma_wait3A_60 = arith.constant 0 : i32
      %dma_wait3A_61 = arith.constant 0 : i32
      %dma_wait3A_62 = tpu.memref_slice %arg8[%dma_wait3A, %dma_wait3A_60, %dma_wait3A_61] : memref<2x128x64xf32, #tpu.memory_space<vmem>> -> memref<1x128x64xf32, #tpu.memory_space<vmem>>
      %dma_wait3A_63 = tpu.memref_squeeze %dma_wait3A_62 : memref<1x128x64xf32, #tpu.memory_space<vmem>> -> memref<128x64xf32, #tpu.memory_space<vmem>>
      %dma_wait3A_64 = arith.constant 0 : i32
      %dma_wait3A_65 = tpu.memref_slice %arg6[%mul3A_55, %dma_wait3A_64] : memref<80x128xi32, #tpu.memory_space<vmem>> -> memref<1x128xi32, #tpu.memory_space<vmem>>
      %dma_wait3A_66 = tpu.memref_squeeze %dma_wait3A_65 : memref<1x128xi32, #tpu.memory_space<vmem>> -> memref<128xi32, #tpu.memory_space<vmem>>
      %dma_wait3A_67 = arith.constant 0 : i32
      %dma_wait3A_68 = arith.constant 0 : i32
      %dma_wait3A_69 = tpu.memref_slice %arg10[%dma_wait3A_67, %dma_wait3A_68] : memref<10240x64xf32, #tpu.memory_space<vmem_shared>> -> memref<10240x64xf32, #tpu.memory_space<vmem_shared>>
      tpu.wait_indirect_dma semaphore(%arg12 : memref<!tpu.dma_semaphore, #tpu.memory_space<semaphore_mem>>) src(%dma_wait3A_69 : memref<10240x64xf32, #tpu.memory_space<vmem_shared>>) dst(%dma_wait3A_63 : memref<128x64xf32, #tpu.memory_space<vmem>>)
      %dma_start3A_70 = arith.constant 0 : i32
      %dma_start3A_71 = arith.constant 0 : i32
      %dma_start3A_72 = arith.constant 0 : i32
      %dma_start3A_73 = tpu.memref_slice %arg8[%dma_start3A_70, %dma_start3A_71, %dma_start3A_72] : memref<2x128x64xf32, #tpu.memory_space<vmem>> -> memref<1x128x64xf32, #tpu.memory_space<vmem>>
      %dma_start3A_74 = tpu.memref_squeeze %dma_start3A_73 : memref<1x128x64xf32, #tpu.memory_space<vmem>> -> memref<128x64xf32, #tpu.memory_space<vmem>>
      %dma_start3A_75 = arith.constant 0 : i32
      %dma_start3A_76 = tpu.memref_slice %arg7[%mul3A_55, %dma_start3A_75] : memref<80x128xi32, #tpu.memory_space<vmem>> -> memref<1x128xi32, #tpu.memory_space<vmem>>
      %dma_start3A_77 = tpu.memref_squeeze %dma_start3A_76 : memref<1x128xi32, #tpu.memory_space<vmem>> -> memref<128xi32, #tpu.memory_space<vmem>>
      %dma_start3A_78 = arith.constant 0 : i32
      %dma_start3A_79 = arith.constant 0 : i32
      %dma_start3A_80 = tpu.memref_slice %arg11[%dma_start3A_78, %dma_start3A_79] : memref<10240x64xf32, #tpu.memory_space<vmem_shared>> -> memref<10240x64xf32, #tpu.memory_space<vmem_shared>>
      tpu.enqueue_indirect_dma source(%dma_start3A_74 : memref<128x64xf32, #tpu.memory_space<vmem>>) target(%dma_start3A_80 : memref<10240x64xf32, #tpu.memory_space<vmem_shared>>) offsets(%dma_start3A_77 : memref<128xi32, #tpu.memory_space<vmem>>) semaphore(%arg14 : memref<!tpu.dma_semaphore, #tpu.memory_space<semaphore_mem>>) {add = true}
      %dma_wait3A_81 = arith.constant 1 : i32
      %dma_wait3A_82 = arith.constant 0 : i32
      %dma_wait3A_83 = arith.constant 0 : i32
      %dma_wait3A_84 = tpu.memref_slice %arg8[%dma_wait3A_81, %dma_wait3A_82, %dma_wait3A_83] : memref<2x128x64xf32, #tpu.memory_space<vmem>> -> memref<1x128x64xf32, #tpu.memory_space<vmem>>
      %dma_wait3A_85 = tpu.memref_squeeze %dma_wait3A_84 : memref<1x128x64xf32, #tpu.memory_space<vmem>> -> memref<128x64xf32, #tpu.memory_space<vmem>>
      %dma_wait3A_86 = arith.constant 0 : i32
      %dma_wait3A_87 = tpu.memref_slice %arg6[%add3A_59, %dma_wait3A_86] : memref<80x128xi32, #tpu.memory_space<vmem>> -> memref<1x128xi32, #tpu.memory_space<vmem>>
      %dma_wait3A_88 = tpu.memref_squeeze %dma_wait3A_87 : memref<1x128xi32, #tpu.memory_space<vmem>> -> memref<128xi32, #tpu.memory_space<vmem>>
      %dma_wait3A_89 = arith.constant 0 : i32
      %dma_wait3A_90 = arith.constant 0 : i32
      %dma_wait3A_91 = tpu.memref_slice %arg10[%dma_wait3A_89, %dma_wait3A_90] : memref<10240x64xf32, #tpu.memory_space<vmem_shared>> -> memref<10240x64xf32, #tpu.memory_space<vmem_shared>>
      tpu.wait_indirect_dma semaphore(%arg13 : memref<!tpu.dma_semaphore, #tpu.memory_space<semaphore_mem>>) src(%dma_wait3A_91 : memref<10240x64xf32, #tpu.memory_space<vmem_shared>>) dst(%dma_wait3A_85 : memref<128x64xf32, #tpu.memory_space<vmem>>)
      %dma_start3A_92 = arith.constant 1 : i32
      %dma_start3A_93 = arith.constant 0 : i32
      %dma_start3A_94 = arith.constant 0 : i32
      %dma_start3A_95 = tpu.memref_slice %arg8[%dma_start3A_92, %dma_start3A_93, %dma_start3A_94] : memref<2x128x64xf32, #tpu.memory_space<vmem>> -> memref<1x128x64xf32, #tpu.memory_space<vmem>>
      %dma_start3A_96 = tpu.memref_squeeze %dma_start3A_95 : memref<1x128x64xf32, #tpu.memory_space<vmem>> -> memref<128x64xf32, #tpu.memory_space<vmem>>
      %dma_start3A_97 = arith.constant 0 : i32
      %dma_start3A_98 = tpu.memref_slice %arg7[%add3A_59, %dma_start3A_97] : memref<80x128xi32, #tpu.memory_space<vmem>> -> memref<1x128xi32, #tpu.memory_space<vmem>>
      %dma_start3A_99 = tpu.memref_squeeze %dma_start3A_98 : memref<1x128xi32, #tpu.memory_space<vmem>> -> memref<128xi32, #tpu.memory_space<vmem>>
      %dma_start3A_100 = arith.constant 0 : i32
      %dma_start3A_101 = arith.constant 0 : i32
      %dma_start3A_102 = tpu.memref_slice %arg11[%dma_start3A_100, %dma_start3A_101] : memref<10240x64xf32, #tpu.memory_space<vmem_shared>> -> memref<10240x64xf32, #tpu.memory_space<vmem_shared>>
      tpu.enqueue_indirect_dma source(%dma_start3A_96 : memref<128x64xf32, #tpu.memory_space<vmem>>) target(%dma_start3A_102 : memref<10240x64xf32, #tpu.memory_space<vmem_shared>>) offsets(%dma_start3A_99 : memref<128xi32, #tpu.memory_space<vmem>>) semaphore(%arg15 : memref<!tpu.dma_semaphore, #tpu.memory_space<semaphore_mem>>) {add = true}
      %dma_wait3A_103 = arith.constant 0 : i32
      %dma_wait3A_104 = arith.constant 0 : i32
      %dma_wait3A_105 = arith.constant 0 : i32
      %dma_wait3A_106 = tpu.memref_slice %arg8[%dma_wait3A_103, %dma_wait3A_104, %dma_wait3A_105] : memref<2x128x64xf32, #tpu.memory_space<vmem>> -> memref<1x128x64xf32, #tpu.memory_space<vmem>>
      %dma_wait3A_107 = tpu.memref_squeeze %dma_wait3A_106 : memref<1x128x64xf32, #tpu.memory_space<vmem>> -> memref<128x64xf32, #tpu.memory_space<vmem>>
      %dma_wait3A_108 = arith.constant 0 : i32
      %dma_wait3A_109 = tpu.memref_slice %arg7[%mul3A_55, %dma_wait3A_108] : memref<80x128xi32, #tpu.memory_space<vmem>> -> memref<1x128xi32, #tpu.memory_space<vmem>>
      %dma_wait3A_110 = tpu.memref_squeeze %dma_wait3A_109 : memref<1x128xi32, #tpu.memory_space<vmem>> -> memref<128xi32, #tpu.memory_space<vmem>>
      %dma_wait3A_111 = arith.constant 0 : i32
      %dma_wait3A_112 = arith.constant 0 : i32
      %dma_wait3A_113 = tpu.memref_slice %arg11[%dma_wait3A_111, %dma_wait3A_112] : memref<10240x64xf32, #tpu.memory_space<vmem_shared>> -> memref<10240x64xf32, #tpu.memory_space<vmem_shared>>
      tpu.wait_indirect_dma semaphore(%arg14 : memref<!tpu.dma_semaphore, #tpu.memory_space<semaphore_mem>>) src(%dma_wait3A_107 : memref<128x64xf32, #tpu.memory_space<vmem>>) dst(%dma_wait3A_113 : memref<10240x64xf32, #tpu.memory_space<vmem_shared>>)
      %lt3A = arith.constant 39 : i32
      %lt3A_114 = arith.cmpi slt, %scan3A_53, %lt3A : i32
      %convert_element_type3A = arith.extui %lt3A_114 : i1 to i32
      %cond3A = arith.constant 0 : i32
      %cond3A_115 = arith.cmpi ne, %convert_element_type3A, %cond3A : i32
      scf.if %cond3A_115 {
        %add3A_132 = arith.constant 2 : i32
        %add3A_133 = arith.addi %mul3A_55, %add3A_132 : i32
        %dma_start3A_134 = arith.constant 0 : i32
        %dma_start3A_135 = arith.constant 0 : i32
        %dma_start3A_136 = arith.constant 0 : i32
        %dma_start3A_137 = tpu.memref_slice %arg8[%dma_start3A_134, %dma_start3A_135, %dma_start3A_136] : memref<2x128x64xf32, #tpu.memory_space<vmem>> -> memref<1x128x64xf32, #tpu.memory_space<vmem>>
        %dma_start3A_138 = tpu.memref_squeeze %dma_start3A_137 : memref<1x128x64xf32, #tpu.memory_space<vmem>> -> memref<128x64xf32, #tpu.memory_space<vmem>>
        %dma_start3A_139 = arith.constant 0 : i32
        %dma_start3A_140 = tpu.memref_slice %arg6[%add3A_133, %dma_start3A_139] : memref<80x128xi32, #tpu.memory_space<vmem>> -> memref<1x128xi32, #tpu.memory_space<vmem>>
        %dma_start3A_141 = tpu.memref_squeeze %dma_start3A_140 : memref<1x128xi32, #tpu.memory_space<vmem>> -> memref<128xi32, #tpu.memory_space<vmem>>
        %dma_start3A_142 = arith.constant 0 : i32
        %dma_start3A_143 = arith.constant 0 : i32
        %dma_start3A_144 = tpu.memref_slice %arg10[%dma_start3A_142, %dma_start3A_143] : memref<10240x64xf32, #tpu.memory_space<vmem_shared>> -> memref<10240x64xf32, #tpu.memory_space<vmem_shared>>
        tpu.enqueue_indirect_dma source(%dma_start3A_144 : memref<10240x64xf32, #tpu.memory_space<vmem_shared>>) target(%dma_start3A_138 : memref<128x64xf32, #tpu.memory_space<vmem>>) offsets(%dma_start3A_141 : memref<128xi32, #tpu.memory_space<vmem>>) semaphore(%arg12 : memref<!tpu.dma_semaphore, #tpu.memory_space<semaphore_mem>>)
      } else {
      }
      %dma_wait3A_116 = arith.constant 1 : i32
      %dma_wait3A_117 = arith.constant 0 : i32
      %dma_wait3A_118 = arith.constant 0 : i32
      %dma_wait3A_119 = tpu.memref_slice %arg8[%dma_wait3A_116, %dma_wait3A_117, %dma_wait3A_118] : memref<2x128x64xf32, #tpu.memory_space<vmem>> -> memref<1x128x64xf32, #tpu.memory_space<vmem>>
      %dma_wait3A_120 = tpu.memref_squeeze %dma_wait3A_119 : memref<1x128x64xf32, #tpu.memory_space<vmem>> -> memref<128x64xf32, #tpu.memory_space<vmem>>
      %dma_wait3A_121 = arith.constant 0 : i32
      %dma_wait3A_122 = tpu.memref_slice %arg7[%add3A_59, %dma_wait3A_121] : memref<80x128xi32, #tpu.memory_space<vmem>> -> memref<1x128xi32, #tpu.memory_space<vmem>>
      %dma_wait3A_123 = tpu.memref_squeeze %dma_wait3A_122 : memref<1x128xi32, #tpu.memory_space<vmem>> -> memref<128xi32, #tpu.memory_space<vmem>>
      %dma_wait3A_124 = arith.constant 0 : i32
      %dma_wait3A_125 = arith.constant 0 : i32
      %dma_wait3A_126 = tpu.memref_slice %arg11[%dma_wait3A_124, %dma_wait3A_125] : memref<10240x64xf32, #tpu.memory_space<vmem_shared>> -> memref<10240x64xf32, #tpu.memory_space<vmem_shared>>
      tpu.wait_indirect_dma semaphore(%arg15 : memref<!tpu.dma_semaphore, #tpu.memory_space<semaphore_mem>>) src(%dma_wait3A_120 : memref<128x64xf32, #tpu.memory_space<vmem>>) dst(%dma_wait3A_126 : memref<10240x64xf32, #tpu.memory_space<vmem_shared>>)
      %lt3A_127 = arith.constant 39 : i32
      %lt3A_128 = arith.cmpi slt, %scan3A_53, %lt3A_127 : i32
      %convert_element_type3A_129 = arith.extui %lt3A_128 : i1 to i32
      %cond3A_130 = arith.constant 0 : i32
      %cond3A_131 = arith.cmpi ne, %convert_element_type3A_129, %cond3A_130 : i32
      scf.if %cond3A_131 {
        %add3A_132 = arith.constant 2 : i32
        %add3A_133 = arith.addi %add3A_59, %add3A_132 : i32
        %dma_start3A_134 = arith.constant 1 : i32
        %dma_start3A_135 = arith.constant 0 : i32
        %dma_start3A_136 = arith.constant 0 : i32
        %dma_start3A_137 = tpu.memref_slice %arg8[%dma_start3A_134, %dma_start3A_135, %dma_start3A_136] : memref<2x128x64xf32, #tpu.memory_space<vmem>> -> memref<1x128x64xf32, #tpu.memory_space<vmem>>
        %dma_start3A_138 = tpu.memref_squeeze %dma_start3A_137 : memref<1x128x64xf32, #tpu.memory_space<vmem>> -> memref<128x64xf32, #tpu.memory_space<vmem>>
        %dma_start3A_139 = arith.constant 0 : i32
        %dma_start3A_140 = tpu.memref_slice %arg6[%add3A_133, %dma_start3A_139] : memref<80x128xi32, #tpu.memory_space<vmem>> -> memref<1x128xi32, #tpu.memory_space<vmem>>
        %dma_start3A_141 = tpu.memref_squeeze %dma_start3A_140 : memref<1x128xi32, #tpu.memory_space<vmem>> -> memref<128xi32, #tpu.memory_space<vmem>>
        %dma_start3A_142 = arith.constant 0 : i32
        %dma_start3A_143 = arith.constant 0 : i32
        %dma_start3A_144 = tpu.memref_slice %arg10[%dma_start3A_142, %dma_start3A_143] : memref<10240x64xf32, #tpu.memory_space<vmem_shared>> -> memref<10240x64xf32, #tpu.memory_space<vmem_shared>>
        tpu.enqueue_indirect_dma source(%dma_start3A_144 : memref<10240x64xf32, #tpu.memory_space<vmem_shared>>) target(%dma_start3A_138 : memref<128x64xf32, #tpu.memory_space<vmem>>) offsets(%dma_start3A_141 : memref<128xi32, #tpu.memory_space<vmem>>) semaphore(%arg13 : memref<!tpu.dma_semaphore, #tpu.memory_space<semaphore_mem>>)
      } else {
      }
    }
    %scan3A_45 = arith.constant 40 : i32
    %barrier3A_46 = arith.constant 0 : index
    tpu.barrier barrier_id(%barrier3A_46)
    %scan3A_47 = arith.constant 0 : i32
    %scan3A_48 = arith.constant 0 : i32
    %scan3A_49 = arith.constant 5 : i32
    %scan3A_50 = arith.addi %scan3A_48, %scan3A_49 : i32
    %scan3A_51 = arith.constant 1 : i32
    scf.for %scan3A_53 = %scan3A_48 to %scan3A_50 step %scan3A_51  : i32 {
      %mul3A_54 = arith.constant 640 : i32
      %mul3A_55 = arith.muli %arg1, %mul3A_54 : i32
      %mul3A_56 = arith.constant 128 : i32
      %mul3A_57 = arith.muli %scan3A_53, %mul3A_56 : i32
      %add3A_58 = arith.addi %mul3A_55, %mul3A_57 : i32
      %mul3A_59 = arith.constant 640 : i32
      %mul3A_60 = arith.muli %arg1, %mul3A_59 : i32
      %mul3A_61 = arith.constant 128 : i32
      %mul3A_62 = arith.muli %scan3A_53, %mul3A_61 : i32
      %add3A_63 = arith.addi %mul3A_60, %mul3A_62 : i32
      "tpu.region"() ({
        %run_scoped3A = tpu.sem_alloc : memref<!tpu.dma_semaphore, #tpu.memory_space<semaphore_mem>>
        %dma_start3A_64 = arith.constant 0 : i32
        %dma_start3A_65 = tpu.memref_slice %arg5[%arg0, %add3A_63, %dma_start3A_64] : memref<2x10240x64xf32, #tpu.memory_space<hbm>> -> memref<1x128x64xf32, #tpu.memory_space<hbm>>
        %dma_start3A_66 = tpu.memref_squeeze %dma_start3A_65 : memref<1x128x64xf32, #tpu.memory_space<hbm>> -> memref<128x64xf32, #tpu.memory_space<hbm>>
        %dma_start3A_67 = arith.constant 0 : i32
        %dma_start3A_68 = tpu.memref_slice %arg11[%add3A_58, %dma_start3A_67] : memref<10240x64xf32, #tpu.memory_space<vmem_shared>> -> memref<128x64xf32, #tpu.memory_space<vmem_shared>>
        tpu.enqueue_dma source(%dma_start3A_68 : memref<128x64xf32, #tpu.memory_space<vmem_shared>>) target(%dma_start3A_66 : memref<128x64xf32, #tpu.memory_space<hbm>>) target_semaphore(%run_scoped3A : memref<!tpu.dma_semaphore, #tpu.memory_space<semaphore_mem>>)
        %dma_wait3A = arith.constant 0 : i32
        %dma_wait3A_69 = tpu.memref_slice %arg5[%arg0, %add3A_63, %dma_wait3A] : memref<2x10240x64xf32, #tpu.memory_space<hbm>> -> memref<1x128x64xf32, #tpu.memory_space<hbm>>
        %dma_wait3A_70 = tpu.memref_squeeze %dma_wait3A_69 : memref<1x128x64xf32, #tpu.memory_space<hbm>> -> memref<128x64xf32, #tpu.memory_space<hbm>>
        %dma_wait3A_71 = arith.constant 0 : i32
        %dma_wait3A_72 = tpu.memref_slice %arg11[%add3A_58, %dma_wait3A_71] : memref<10240x64xf32, #tpu.memory_space<vmem_shared>> -> memref<128x64xf32, #tpu.memory_space<vmem_shared>>
        tpu.wait_dma2 semaphore(%run_scoped3A : memref<!tpu.dma_semaphore, #tpu.memory_space<semaphore_mem>>) src(%dma_wait3A_72 : memref<128x64xf32, #tpu.memory_space<vmem_shared>>) dst(%dma_wait3A_70 : memref<128x64xf32, #tpu.memory_space<hbm>>)
        tpu.yield
      }) : () -> ()
    }
    %scan3A_52 = arith.constant 5 : i32
    return
  }
}

module attributes {stable_mosaic.version = 14 : i64} {
  func.func @_tc_a1_body(%arg0: i32, %arg1: memref<1024x128xf32, #tpu.memory_space<vmem>>, %arg2: memref<128x128xf32, #tpu.memory_space<vmem>>, %arg3: memref<1024x128xf32, #tpu.memory_space<vmem>>) attributes {dimension_semantics = [#tpu.dimension_semantics<arbitrary>], iteration_bounds = array<i64: 10>, scalar_prefetch = 0 : i64, scratch_operands = 0 : i64, tpu.core_type = #tpu.core_type<tc>, window_params = [{transform_indices = @transform_0, window_bounds = array<i64: 1024, 128>}, {pipeline_mode = #tpu.pipeline_mode<synchronous>, transform_indices = @transform_1, window_bounds = array<i64: 128, 128>}, {transform_indices = @transform_2, window_bounds = array<i64: 1024, 128>}]} {
    %get3A = arith.constant 0 : index
    %get3A_0 = arith.constant 0 : index
    %get3A_1 = vector.load %arg1[%get3A, %get3A_0] : memref<1024x128xf32, #tpu.memory_space<vmem>>, vector<1024x128xf32>
    %get3A_2 = arith.constant 0 : index
    %get3A_3 = arith.constant 0 : index
    %get3A_4 = vector.load %arg2[%get3A_2, %get3A_3] : memref<128x128xf32, #tpu.memory_space<vmem>>, vector<128x128xf32>
    %dot_general3A = arith.constant dense<0.000000e+00> : vector<1024x128xf32>
    %dot_general3A_5 = tpu.matmul %get3A_1, %get3A_4, %dot_general3A {dimension_numbers = #tpu.dot_dimension_numbers<[1], [0], [0], [1], [0, 0, 1, 1], [], []>, transpose_lhs_hint = false} : vector<1024x128xf32>, vector<128x128xf32>, vector<1024x128xf32> -> vector<1024x128xf32>
    %swap3A = arith.constant 0 : index
    %swap3A_6 = arith.constant 0 : index
    %swap3A_7 = vector.load %arg3[%swap3A, %swap3A_6] : memref<1024x128xf32, #tpu.memory_space<vmem>>, vector<1024x128xf32>
    tpu.vector_store %arg3[%swap3A, %swap3A_6], %dot_general3A_5 {strides = array<i32>} : memref<1024x128xf32, #tpu.memory_space<vmem>>, vector<1024x128xf32>,
    return
  }
  func.func @transform_0(%arg0: i32) -> (i32, i32) {
    %c0_i32 = arith.constant 0 : i32
    %c0_i32_0 = arith.constant 0 : i32
    return %arg0, %c0_i32 : i32, i32
  }
  func.func @transform_1(%arg0: i32) -> (i32, i32) {
    %c0_i32 = arith.constant 0 : i32
    %c0_i32_0 = arith.constant 0 : i32
    %c0_i32_1 = arith.constant 0 : i32
    return %c0_i32, %c0_i32_0 : i32, i32
  }
  func.func @transform_2(%arg0: i32) -> (i32, i32) {
    %c0_i32 = arith.constant 0 : i32
    %c0_i32_0 = arith.constant 0 : i32
    return %arg0, %c0_i32 : i32, i32
  }
}

module attributes {stable_mosaic.version = 14 : i64} {
  func.func @_tc_a2_body(%arg0: i32, %arg1: memref<1024x1xf32, #tpu.memory_space<vmem>>, %arg2: memref<1024x1xf32, #tpu.memory_space<vmem>>, %arg3: memref<1024x128xf32, #tpu.memory_space<vmem>>, %arg4: memref<1024x64xf32, #tpu.memory_space<vmem>>, %arg5: memref<1024x64xf32, #tpu.memory_space<vmem>>, %arg6: memref<1024x1xf32, #tpu.memory_space<vmem>>) attributes {dimension_semantics = [#tpu.dimension_semantics<arbitrary>], iteration_bounds = array<i64: 10>, scalar_prefetch = 0 : i64, scratch_operands = 0 : i64, tpu.core_type = #tpu.core_type<tc>, window_params = [{transform_indices = @transform_0, window_bounds = array<i64: 1024, 1>}, {transform_indices = @transform_1, window_bounds = array<i64: 1024, 1>}, {transform_indices = @transform_2, window_bounds = array<i64: 1024, 128>}, {transform_indices = @transform_3, window_bounds = array<i64: 1024, 64>}, {transform_indices = @transform_4, window_bounds = array<i64: 1024, 64>}, {transform_indices = @transform_5, window_bounds = array<i64: 1024, 1>}]} {
    %get3A = arith.constant 0 : index
    %get3A_0 = arith.constant 0 : index
    %get3A_1 = vector.load %arg1[%get3A, %get3A_0] : memref<1024x1xf32, #tpu.memory_space<vmem>>, vector<1024x1xf32>
    %get3A_2 = arith.constant 0 : index
    %get3A_3 = arith.constant 0 : index
    %get3A_4 = vector.load %arg2[%get3A_2, %get3A_3] : memref<1024x1xf32, #tpu.memory_space<vmem>>, vector<1024x1xf32>
    %add3A = arith.addf %get3A_1, %get3A_4 : vector<1024x1xf32>
    %add3A_5 = arith.constant 1.000000e+00 : f32
    %add3A_6 = vector.broadcast %add3A_5 : f32 to vector<1024x1xf32>
    %add3A_7 = arith.addf %add3A, %add3A_6 : vector<1024x1xf32>
    %rsqrt3A = math.rsqrt %add3A_7 : vector<1024x1xf32>
    %get3A_8 = arith.constant 0 : index
    %get3A_9 = arith.constant 0 : index
    %get3A_10 = vector.load %arg3[%get3A_8, %get3A_9] : memref<1024x128xf32, #tpu.memory_space<vmem>>, vector<1024x128xf32>
    %mul3A = vector.broadcast %rsqrt3A : vector<1024x1xf32> to vector<1024x128xf32>
    %mul3A_11 = arith.mulf %get3A_10, %mul3A : vector<1024x128xf32>
    %slice3A = vector.extract_strided_slice %mul3A_11 {offsets = [0, 0], sizes = [1024, 64], strides = [1, 1]} : vector<1024x128xf32> to vector<1024x64xf32>
    %swap3A = arith.constant 0 : index
    %swap3A_12 = arith.constant 0 : index
    %swap3A_13 = vector.load %arg4[%swap3A, %swap3A_12] : memref<1024x64xf32, #tpu.memory_space<vmem>>, vector<1024x64xf32>
    tpu.vector_store %arg4[%swap3A, %swap3A_12], %slice3A {strides = array<i32>} : memref<1024x64xf32, #tpu.memory_space<vmem>>, vector<1024x64xf32>,
    %slice3A_14 = vector.extract_strided_slice %mul3A_11 {offsets = [0, 64], sizes = [1024, 64], strides = [1, 1]} : vector<1024x128xf32> to vector<1024x64xf32>
    %swap3A_15 = arith.constant 0 : index
    %swap3A_16 = arith.constant 0 : index
    %swap3A_17 = vector.load %arg5[%swap3A_15, %swap3A_16] : memref<1024x64xf32, #tpu.memory_space<vmem>>, vector<1024x64xf32>
    tpu.vector_store %arg5[%swap3A_15, %swap3A_16], %slice3A_14 {strides = array<i32>} : memref<1024x64xf32, #tpu.memory_space<vmem>>, vector<1024x64xf32>,
    %swap3A_18 = arith.constant 0 : index
    %swap3A_19 = arith.constant 0 : index
    %swap3A_20 = vector.load %arg6[%swap3A_18, %swap3A_19] : memref<1024x1xf32, #tpu.memory_space<vmem>>, vector<1024x1xf32>
    tpu.vector_store %arg6[%swap3A_18, %swap3A_19], %rsqrt3A {strides = array<i32>} : memref<1024x1xf32, #tpu.memory_space<vmem>>, vector<1024x1xf32>,
    return
  }
  func.func @transform_0(%arg0: i32) -> (i32, i32) {
    %c0_i32 = arith.constant 0 : i32
    %c0_i32_0 = arith.constant 0 : i32
    return %arg0, %c0_i32 : i32, i32
  }
  func.func @transform_1(%arg0: i32) -> (i32, i32) {
    %c0_i32 = arith.constant 0 : i32
    %c0_i32_0 = arith.constant 0 : i32
    return %arg0, %c0_i32 : i32, i32
  }
  func.func @transform_2(%arg0: i32) -> (i32, i32) {
    %c0_i32 = arith.constant 0 : i32
    %c0_i32_0 = arith.constant 0 : i32
    return %arg0, %c0_i32 : i32, i32
  }
  func.func @transform_3(%arg0: i32) -> (i32, i32) {
    %c0_i32 = arith.constant 0 : i32
    %c0_i32_0 = arith.constant 0 : i32
    return %arg0, %c0_i32 : i32, i32
  }
  func.func @transform_4(%arg0: i32) -> (i32, i32) {
    %c0_i32 = arith.constant 0 : i32
    %c0_i32_0 = arith.constant 0 : i32
    return %arg0, %c0_i32 : i32, i32
  }
  func.func @transform_5(%arg0: i32) -> (i32, i32) {
    %c0_i32 = arith.constant 0 : i32
    %c0_i32_0 = arith.constant 0 : i32
    return %arg0, %c0_i32 : i32, i32
  }
}

module attributes {stable_mosaic.version = 14 : i64} {
  func.func @_tc_b1_body(%arg0: i32, %arg1: memref<1024x1xf32, #tpu.memory_space<vmem>>, %arg2: memref<1024x64xf32, #tpu.memory_space<vmem>>, %arg3: memref<1x1024x64xf32, #tpu.memory_space<vmem>>, %arg4: memref<1x1024x64xf32, #tpu.memory_space<vmem>>, %arg5: memref<1x64xf32, #tpu.memory_space<vmem>>, %arg6: memref<64x64xf32, #tpu.memory_space<vmem>>, %arg7: memref<1024x64xf32, #tpu.memory_space<vmem>>) attributes {dimension_semantics = [#tpu.dimension_semantics<arbitrary>], iteration_bounds = array<i64: 10>, scalar_prefetch = 0 : i64, scratch_operands = 0 : i64, tpu.core_type = #tpu.core_type<tc>, window_params = [{transform_indices = @transform_0, window_bounds = array<i64: 1024, 1>}, {transform_indices = @transform_1, window_bounds = array<i64: 1024, 64>}, {transform_indices = @transform_2, window_bounds = array<i64: 1, 1024, 64>}, {transform_indices = @transform_3, window_bounds = array<i64: 1, 1024, 64>}, {pipeline_mode = #tpu.pipeline_mode<synchronous>, transform_indices = @transform_4, window_bounds = array<i64: 1, 64>}, {pipeline_mode = #tpu.pipeline_mode<synchronous>, transform_indices = @transform_5, window_bounds = array<i64: 64, 64>}, {transform_indices = @transform_6, window_bounds = array<i64: 1024, 64>}]} {
    %get3A = arith.constant 0 : index
    %get3A_0 = arith.constant 0 : index
    %get3A_1 = arith.constant 0 : index
    %get3A_2 = vector.load %arg3[%get3A, %get3A_0, %get3A_1] : memref<1x1024x64xf32, #tpu.memory_space<vmem>>, vector<1x1024x64xf32>
    %get3A_3 = vector.shape_cast %get3A_2 : vector<1x1024x64xf32> to vector<1024x64xf32>
    %get3A_4 = arith.constant 0 : index
    %get3A_5 = arith.constant 0 : index
    %get3A_6 = arith.constant 0 : index
    %get3A_7 = vector.load %arg4[%get3A_4, %get3A_5, %get3A_6] : memref<1x1024x64xf32, #tpu.memory_space<vmem>>, vector<1x1024x64xf32>
    %get3A_8 = vector.shape_cast %get3A_7 : vector<1x1024x64xf32> to vector<1024x64xf32>
    %add3A = arith.addf %get3A_3, %get3A_8 : vector<1024x64xf32>
    %get3A_9 = arith.constant 0 : index
    %get3A_10 = arith.constant 0 : index
    %get3A_11 = vector.load %arg2[%get3A_9, %get3A_10] : memref<1024x64xf32, #tpu.memory_space<vmem>>, vector<1024x64xf32>
    %add3A_12 = arith.addf %add3A, %get3A_11 : vector<1024x64xf32>
    %get3A_13 = arith.constant 0 : index
    %get3A_14 = arith.constant 0 : index
    %get3A_15 = vector.load %arg1[%get3A_13, %get3A_14] : memref<1024x1xf32, #tpu.memory_space<vmem>>, vector<1024x1xf32>
    %mul3A = vector.broadcast %get3A_15 : vector<1024x1xf32> to vector<1024x64xf32>
    %mul3A_16 = arith.mulf %add3A_12, %mul3A : vector<1024x64xf32>
    %get3A_17 = arith.constant 0 : index
    %get3A_18 = arith.constant 0 : index
    %get3A_19 = vector.load %arg5[%get3A_17, %get3A_18] : memref<1x64xf32, #tpu.memory_space<vmem>>, vector<1x64xf32>
    %add3A_20 = vector.broadcast %get3A_19 : vector<1x64xf32> to vector<1024x64xf32>
    %add3A_21 = arith.addf %mul3A_16, %add3A_20 : vector<1024x64xf32>
    %max3A = arith.constant 0.000000e+00 : f32
    %max3A_22 = vector.broadcast %max3A : f32 to vector<1024x64xf32>
    %max3A_23 = arith.maximumf %add3A_21, %max3A_22 : vector<1024x64xf32>
    %get3A_24 = arith.constant 0 : index
    %get3A_25 = arith.constant 0 : index
    %get3A_26 = vector.load %arg6[%get3A_24, %get3A_25] : memref<64x64xf32, #tpu.memory_space<vmem>>, vector<64x64xf32>
    %dot_general3A = arith.constant dense<0.000000e+00> : vector<1024x64xf32>
    %dot_general3A_27 = tpu.matmul %max3A_23, %get3A_26, %dot_general3A {dimension_numbers = #tpu.dot_dimension_numbers<[1], [0], [0], [1], [0, 0, 1, 1], [], []>, transpose_lhs_hint = false} : vector<1024x64xf32>, vector<64x64xf32>, vector<1024x64xf32> -> vector<1024x64xf32>
    %swap3A = arith.constant 0 : index
    %swap3A_28 = arith.constant 0 : index
    %swap3A_29 = vector.load %arg7[%swap3A, %swap3A_28] : memref<1024x64xf32, #tpu.memory_space<vmem>>, vector<1024x64xf32>
    tpu.vector_store %arg7[%swap3A, %swap3A_28], %dot_general3A_27 {strides = array<i32>} : memref<1024x64xf32, #tpu.memory_space<vmem>>, vector<1024x64xf32>,
    return
  }
  func.func @transform_0(%arg0: i32) -> (i32, i32) {
    %c0_i32 = arith.constant 0 : i32
    %c0_i32_0 = arith.constant 0 : i32
    return %arg0, %c0_i32 : i32, i32
  }
  func.func @transform_1(%arg0: i32) -> (i32, i32) {
    %c0_i32 = arith.constant 0 : i32
    %c0_i32_0 = arith.constant 0 : i32
    return %arg0, %c0_i32 : i32, i32
  }
  func.func @transform_2(%arg0: i32) -> (i32, i32, i32) {
    %c0_i32 = arith.constant 0 : i32
    %c0_i32_0 = arith.constant 0 : i32
    %c0_i32_1 = arith.constant 0 : i32
    return %c0_i32, %arg0, %c0_i32_0 : i32, i32, i32
  }
  func.func @transform_3(%arg0: i32) -> (i32, i32, i32) {
    %c1_i32 = arith.constant 1 : i32
    %c0_i32 = arith.constant 0 : i32
    %c0_i32_0 = arith.constant 0 : i32
    return %c1_i32, %arg0, %c0_i32 : i32, i32, i32
  }
  func.func @transform_4(%arg0: i32) -> (i32, i32) {
    %c0_i32 = arith.constant 0 : i32
    %c0_i32_0 = arith.constant 0 : i32
    %c0_i32_1 = arith.constant 0 : i32
    return %c0_i32, %c0_i32_0 : i32, i32
  }
  func.func @transform_5(%arg0: i32) -> (i32, i32) {
    %c0_i32 = arith.constant 0 : i32
    %c0_i32_0 = arith.constant 0 : i32
    %c0_i32_1 = arith.constant 0 : i32
    return %c0_i32, %c0_i32_0 : i32, i32
  }
  func.func @transform_6(%arg0: i32) -> (i32, i32) {
    %c0_i32 = arith.constant 0 : i32
    %c0_i32_0 = arith.constant 0 : i32
    return %arg0, %c0_i32 : i32, i32
  }
}

module attributes {stable_mosaic.version = 14 : i64} {
  func.func @_tc_b2_body(%arg0: i32, %arg1: memref<1024x1xf32, #tpu.memory_space<vmem>>, %arg2: memref<1024x64xf32, #tpu.memory_space<vmem>>, %arg3: memref<1x1024x64xf32, #tpu.memory_space<vmem>>, %arg4: memref<1x1024x64xf32, #tpu.memory_space<vmem>>, %arg5: memref<1x64xf32, #tpu.memory_space<vmem>>, %arg6: memref<64x64xf32, #tpu.memory_space<vmem>>, %arg7: memref<1024x64xf32, #tpu.memory_space<vmem>>, %arg8: memref<1024x64xf32, #tpu.memory_space<vmem>>) attributes {dimension_semantics = [#tpu.dimension_semantics<arbitrary>], iteration_bounds = array<i64: 10>, scalar_prefetch = 0 : i64, scratch_operands = 0 : i64, tpu.core_type = #tpu.core_type<tc>, window_params = [{transform_indices = @transform_0, window_bounds = array<i64: 1024, 1>}, {transform_indices = @transform_1, window_bounds = array<i64: 1024, 64>}, {transform_indices = @transform_2, window_bounds = array<i64: 1, 1024, 64>}, {transform_indices = @transform_3, window_bounds = array<i64: 1, 1024, 64>}, {pipeline_mode = #tpu.pipeline_mode<synchronous>, transform_indices = @transform_4, window_bounds = array<i64: 1, 64>}, {pipeline_mode = #tpu.pipeline_mode<synchronous>, transform_indices = @transform_5, window_bounds = array<i64: 64, 64>}, {transform_indices = @transform_6, window_bounds = array<i64: 1024, 64>}, {transform_indices = @transform_7, window_bounds = array<i64: 1024, 64>}]} {
    %get3A = arith.constant 0 : index
    %get3A_0 = arith.constant 0 : index
    %get3A_1 = vector.load %arg1[%get3A, %get3A_0] : memref<1024x1xf32, #tpu.memory_space<vmem>>, vector<1024x1xf32>
    %get3A_2 = arith.constant 0 : index
    %get3A_3 = arith.constant 0 : index
    %get3A_4 = arith.constant 0 : index
    %get3A_5 = vector.load %arg3[%get3A_2, %get3A_3, %get3A_4] : memref<1x1024x64xf32, #tpu.memory_space<vmem>>, vector<1x1024x64xf32>
    %get3A_6 = vector.shape_cast %get3A_5 : vector<1x1024x64xf32> to vector<1024x64xf32>
    %get3A_7 = arith.constant 0 : index
    %get3A_8 = arith.constant 0 : index
    %get3A_9 = arith.constant 0 : index
    %get3A_10 = vector.load %arg4[%get3A_7, %get3A_8, %get3A_9] : memref<1x1024x64xf32, #tpu.memory_space<vmem>>, vector<1x1024x64xf32>
    %get3A_11 = vector.shape_cast %get3A_10 : vector<1x1024x64xf32> to vector<1024x64xf32>
    %add3A = arith.addf %get3A_6, %get3A_11 : vector<1024x64xf32>
    %get3A_12 = arith.constant 0 : index
    %get3A_13 = arith.constant 0 : index
    %get3A_14 = vector.load %arg2[%get3A_12, %get3A_13] : memref<1024x64xf32, #tpu.memory_space<vmem>>, vector<1024x64xf32>
    %add3A_15 = arith.addf %add3A, %get3A_14 : vector<1024x64xf32>
    %mul3A = vector.broadcast %get3A_1 : vector<1024x1xf32> to vector<1024x64xf32>
    %mul3A_16 = arith.mulf %add3A_15, %mul3A : vector<1024x64xf32>
    %get3A_17 = arith.constant 0 : index
    %get3A_18 = arith.constant 0 : index
    %get3A_19 = vector.load %arg5[%get3A_17, %get3A_18] : memref<1x64xf32, #tpu.memory_space<vmem>>, vector<1x64xf32>
    %add3A_20 = vector.broadcast %get3A_19 : vector<1x64xf32> to vector<1024x64xf32>
    %add3A_21 = arith.addf %mul3A_16, %add3A_20 : vector<1024x64xf32>
    %max3A = arith.constant 0.000000e+00 : f32
    %max3A_22 = vector.broadcast %max3A : f32 to vector<1024x64xf32>
    %max3A_23 = arith.maximumf %add3A_21, %max3A_22 : vector<1024x64xf32>
    %get3A_24 = arith.constant 0 : index
    %get3A_25 = arith.constant 0 : index
    %get3A_26 = vector.load %arg7[%get3A_24, %get3A_25] : memref<1024x64xf32, #tpu.memory_space<vmem>>, vector<1024x64xf32>
    %get3A_27 = arith.constant 0 : index
    %get3A_28 = arith.constant 0 : index
    %get3A_29 = vector.load %arg6[%get3A_27, %get3A_28] : memref<64x64xf32, #tpu.memory_space<vmem>>, vector<64x64xf32>
    %dot_general3A = arith.constant dense<0.000000e+00> : vector<1024x64xf32>
    %dot_general3A_30 = tpu.matmul %max3A_23, %get3A_29, %dot_general3A {dimension_numbers = #tpu.dot_dimension_numbers<[1], [0], [0], [1], [0, 0, 1, 1], [], []>, transpose_lhs_hint = false} : vector<1024x64xf32>, vector<64x64xf32>, vector<1024x64xf32> -> vector<1024x64xf32>
    %add3A_31 = arith.addf %get3A_26, %dot_general3A_30 : vector<1024x64xf32>
    %mul3A_32 = vector.broadcast %get3A_1 : vector<1024x1xf32> to vector<1024x64xf32>
    %mul3A_33 = arith.mulf %add3A_31, %mul3A_32 : vector<1024x64xf32>
    %swap3A = arith.constant 0 : index
    %swap3A_34 = arith.constant 0 : index
    %swap3A_35 = vector.load %arg8[%swap3A, %swap3A_34] : memref<1024x64xf32, #tpu.memory_space<vmem>>, vector<1024x64xf32>
    tpu.vector_store %arg8[%swap3A, %swap3A_34], %mul3A_33 {strides = array<i32>} : memref<1024x64xf32, #tpu.memory_space<vmem>>, vector<1024x64xf32>,
    return
  }
  func.func @transform_0(%arg0: i32) -> (i32, i32) {
    %c0_i32 = arith.constant 0 : i32
    %c0_i32_0 = arith.constant 0 : i32
    return %arg0, %c0_i32 : i32, i32
  }
  func.func @transform_1(%arg0: i32) -> (i32, i32) {
    %c0_i32 = arith.constant 0 : i32
    %c0_i32_0 = arith.constant 0 : i32
    return %arg0, %c0_i32 : i32, i32
  }
  func.func @transform_2(%arg0: i32) -> (i32, i32, i32) {
    %c0_i32 = arith.constant 0 : i32
    %c0_i32_0 = arith.constant 0 : i32
    %c0_i32_1 = arith.constant 0 : i32
    return %c0_i32, %arg0, %c0_i32_0 : i32, i32, i32
  }
  func.func @transform_3(%arg0: i32) -> (i32, i32, i32) {
    %c1_i32 = arith.constant 1 : i32
    %c0_i32 = arith.constant 0 : i32
    %c0_i32_0 = arith.constant 0 : i32
    return %c1_i32, %arg0, %c0_i32 : i32, i32, i32
  }
  func.func @transform_4(%arg0: i32) -> (i32, i32) {
    %c0_i32 = arith.constant 0 : i32
    %c0_i32_0 = arith.constant 0 : i32
    %c0_i32_1 = arith.constant 0 : i32
    return %c0_i32, %c0_i32_0 : i32, i32
  }
  func.func @transform_5(%arg0: i32) -> (i32, i32) {
    %c0_i32 = arith.constant 0 : i32
    %c0_i32_0 = arith.constant 0 : i32
    %c0_i32_1 = arith.constant 0 : i32
    return %c0_i32, %c0_i32_0 : i32, i32
  }
  func.func @transform_6(%arg0: i32) -> (i32, i32) {
    %c0_i32 = arith.constant 0 : i32
    %c0_i32_0 = arith.constant 0 : i32
    return %arg0, %c0_i32 : i32, i32
  }
  func.func @transform_7(%arg0: i32) -> (i32, i32) {
    %c0_i32 = arith.constant 0 : i32
    %c0_i32_0 = arith.constant 0 : i32
    return %arg0, %c0_i32 : i32, i32
  }
}

module attributes {stable_mosaic.version = 14 : i64} {
  func.func @_tc_c_body(%arg0: i32, %arg1: memref<400x1xf32, #tpu.memory_space<vmem>>, %arg2: memref<400x64xf32, #tpu.memory_space<vmem>>, %arg3: memref<1x400x64xf32, #tpu.memory_space<vmem>>, %arg4: memref<1x400x64xf32, #tpu.memory_space<vmem>>, %arg5: memref<1x64xf32, #tpu.memory_space<vmem>>, %arg6: memref<400x64xf32, #tpu.memory_space<vmem>>) attributes {dimension_semantics = [#tpu.dimension_semantics<arbitrary>], iteration_bounds = array<i64: 25>, scalar_prefetch = 0 : i64, scratch_operands = 0 : i64, tpu.core_type = #tpu.core_type<tc>, window_params = [{transform_indices = @transform_0, window_bounds = array<i64: 400, 1>}, {transform_indices = @transform_1, window_bounds = array<i64: 400, 64>}, {transform_indices = @transform_2, window_bounds = array<i64: 1, 400, 64>}, {transform_indices = @transform_3, window_bounds = array<i64: 1, 400, 64>}, {pipeline_mode = #tpu.pipeline_mode<synchronous>, transform_indices = @transform_4, window_bounds = array<i64: 1, 64>}, {transform_indices = @transform_5, window_bounds = array<i64: 400, 64>}]} {
    %get3A = arith.constant 0 : index
    %get3A_0 = arith.constant 0 : index
    %get3A_1 = arith.constant 0 : index
    %get3A_2 = vector.load %arg3[%get3A, %get3A_0, %get3A_1] : memref<1x400x64xf32, #tpu.memory_space<vmem>>, vector<1x400x64xf32>
    %get3A_3 = vector.shape_cast %get3A_2 : vector<1x400x64xf32> to vector<400x64xf32>
    %get3A_4 = arith.constant 0 : index
    %get3A_5 = arith.constant 0 : index
    %get3A_6 = arith.constant 0 : index
    %get3A_7 = vector.load %arg4[%get3A_4, %get3A_5, %get3A_6] : memref<1x400x64xf32, #tpu.memory_space<vmem>>, vector<1x400x64xf32>
    %get3A_8 = vector.shape_cast %get3A_7 : vector<1x400x64xf32> to vector<400x64xf32>
    %add3A = arith.addf %get3A_3, %get3A_8 : vector<400x64xf32>
    %get3A_9 = arith.constant 0 : index
    %get3A_10 = arith.constant 0 : index
    %get3A_11 = vector.load %arg2[%get3A_9, %get3A_10] : memref<400x64xf32, #tpu.memory_space<vmem>>, vector<400x64xf32>
    %add3A_12 = arith.addf %add3A, %get3A_11 : vector<400x64xf32>
    %get3A_13 = arith.constant 0 : index
    %get3A_14 = arith.constant 0 : index
    %get3A_15 = vector.load %arg1[%get3A_13, %get3A_14] : memref<400x1xf32, #tpu.memory_space<vmem>>, vector<400x1xf32>
    %mul3A = vector.broadcast %get3A_15 : vector<400x1xf32> to vector<400x64xf32>
    %mul3A_16 = arith.mulf %add3A_12, %mul3A : vector<400x64xf32>
    %get3A_17 = arith.constant 0 : index
    %get3A_18 = arith.constant 0 : index
    %get3A_19 = vector.load %arg5[%get3A_17, %get3A_18] : memref<1x64xf32, #tpu.memory_space<vmem>>, vector<1x64xf32>
    %add3A_20 = vector.broadcast %get3A_19 : vector<1x64xf32> to vector<400x64xf32>
    %add3A_21 = arith.addf %mul3A_16, %add3A_20 : vector<400x64xf32>
    %logistic3A = arith.negf %add3A_21 : vector<400x64xf32>
    %logistic3A_22 = math.exp %logistic3A : vector<400x64xf32>
    %logistic3A_23 = arith.constant 1.000000e+00 : f32
    %logistic3A_24 = vector.broadcast %logistic3A_23 : f32 to vector<400x64xf32>
    %logistic3A_25 = arith.addf %logistic3A_24, %logistic3A_22 : vector<400x64xf32>
    %logistic3A_26 = arith.divf %logistic3A_24, %logistic3A_25 : vector<400x64xf32>
    %swap3A = arith.constant 0 : index
    %swap3A_27 = arith.constant 0 : index
    %swap3A_28 = vector.load %arg6[%swap3A, %swap3A_27] : memref<400x64xf32, #tpu.memory_space<vmem>>, vector<400x64xf32>
    tpu.vector_store %arg6[%swap3A, %swap3A_27], %logistic3A_26 {strides = array<i32>} : memref<400x64xf32, #tpu.memory_space<vmem>>, vector<400x64xf32>,
    return
  }
  func.func @transform_0(%arg0: i32) -> (i32, i32) {
    %c0_i32 = arith.constant 0 : i32
    %c0_i32_0 = arith.constant 0 : i32
    return %arg0, %c0_i32 : i32, i32
  }
  func.func @transform_1(%arg0: i32) -> (i32, i32) {
    %c0_i32 = arith.constant 0 : i32
    %c0_i32_0 = arith.constant 0 : i32
    return %arg0, %c0_i32 : i32, i32
  }
  func.func @transform_2(%arg0: i32) -> (i32, i32, i32) {
    %c0_i32 = arith.constant 0 : i32
    %c0_i32_0 = arith.constant 0 : i32
    %c0_i32_1 = arith.constant 0 : i32
    return %c0_i32, %arg0, %c0_i32_0 : i32, i32, i32
  }
  func.func @transform_3(%arg0: i32) -> (i32, i32, i32) {
    %c1_i32 = arith.constant 1 : i32
    %c0_i32 = arith.constant 0 : i32
    %c0_i32_0 = arith.constant 0 : i32
    return %c1_i32, %arg0, %c0_i32 : i32, i32, i32
  }
  func.func @transform_4(%arg0: i32) -> (i32, i32) {
    %c0_i32 = arith.constant 0 : i32
    %c0_i32_0 = arith.constant 0 : i32
    %c0_i32_1 = arith.constant 0 : i32
    return %c0_i32, %c0_i32_0 : i32, i32
  }
  func.func @transform_5(%arg0: i32) -> (i32, i32) {
    %c0_i32 = arith.constant 0 : i32
    %c0_i32_0 = arith.constant 0 : i32
    return %arg0, %c0_i32 : i32, i32
  }
}

</mosaic_0001>

<sc_bundles>
// kernel: _run.11.cloned.1.call-start
scs
__scs_entry_jumppad:
0x0: {  	(pc) =	sbr.rel $0x88, $3  }
0x1: {  	(tag) =	ssettag $0x0;
	lr =	simm.s32 $0x1  }
0x2: {  	[smem:$0x3F9B] =	sst lr;
	_ =	strace $0xD0000000  }
0x3: {  	_ = 	snop  }
0x4: {  	_ = 	snop  }
0x5: {  	_ = 	snop  }
0x6: {  	_ = 	snop  }
0x7: {  	_ = 	snop  }
__scs_overlays_trampoline_lowered:
0x8: {  	[smem:$0x3FAA] =	sst s0  }
0x9: {  	[smem:$0x3FAB] =	sst s1  }
0xa: {  	[smem:$0x3FAC] =	sst s2  }
0xb: {  	[smem:$0x3FAD] =	sst s3  }
0xc: {  	[smem:$0x3FAE] =	sst s4  }
0xd: {  	[smem:$0x3FAF] =	sst s5  }
0xe: {  	[smem:$0x3FB0] =	sst s6  }
0xf: {  	[smem:$0x3FB1] =	sst s7  }
0x10: {  	[smem:$0x3FB2] =	sst s8  }
0x11: {  	[smem:$0x3FB3] =	sst s9;
	s0 =	simm.s32 @!p0 $0x0  }
0x12: {  	s1 =	sld [smem:$0x3F99];
	s0 =	simm.s32 @p0 $0x1  }
0x13: {  	[smem:$0x3FB4] =	sst s0;
	s0 =	simm.s32 @!p1 $0x0  }
0x14: {  	s2 =	sld [smem:$0x3F98];
	s0 =	simm.s32 @p1 $0x1  }
0x15: {  	[smem:$0x3FB5] =	sst s0;
	s0 =	simm.s32 @!p2 $0x0  }
0x16: {  	s3 =	sld [smem:$0x3FDB];
	s0 =	simm.s32 @p2 $0x1  }
0x17: {  	s4 =	simm.s32 $0x1BF5;
	[smem:$0x3FB7] =	sst s0  }
0x18: {  	s0 =	sld [smem:$0x3F9A];
	_ =	swait.ge [sflag:s4], $0x0  }
0x19: {  	s7 =	sld [smem:$0x3F9B]  }
0x1a: {  	s8 =	sadd.s32 $0xFFFFE003, lr  }
0x1b: {  	s9 =	sadd.s32 $0xFFFFFEF7, lr;
	s5 =	simm.s32 $0xFFFFFFFF;
	p2 =	slt.u32 s8, $0xFFFFF086  }
0x1c: {  	p1 =	slt.u32 s9, $0xF7A;
	s5 =	simm.s32 @!p2 $0x0  }
0x1d: {  	s5 =	simm.s32 @p1 $0x1;
	p0 =	seq.s32 s7, s2  }
0x1e: {  	s7 =	smul.u32 @!p0 $0xF7A, s2;
	p2 =	seq.s32 @!p0 s5, $0x0  }
0x1f: {  	s9 =	smul.u32 $0xF7A, s1;
	s8 =	simm.s32 @!p0 $0x1BF5;
	p2 =	por !p2, p0  }
0x20: {  	[sflag:s8] =	ssyncset.s32 @!p0 $0xFFFFF086;
	s6 =	sadd.s32 @!p0 s3, s7;
	s7 =	simm.s32 @!p0 $0x108  }
0x21: {  	s3 =	sadd.s32 s3, s9;
	s6 =	sadd.s32 @!p0 $0x88, s6;
	s7 =	simm.s32 @p2 $0x1082  }
0x22: {  	[simem:s7], [sflag:s8] =	dma.local @!p0 [hbm:s6], $0xF7A  }
0x23: {  	s9 =	sor.u32 $0xD0000000, s2;
	s6 =	simm.s32 $0x108;
	_ =	swait.ge @!p0 [sflag:s8], $0x0  }
0x24: {  	s3 =	sadd.s32 $0x88, s3;
	s6 =	simm.s32 @!p1 $0x1082;
	[sflag:s4] =	ssyncset.s32 $0xFFFFF086  }
0x25: {  	[simem:s6], [sflag:s4] =	dma.local [hbm:s3], $0xF7A  }
0x26: {  	[smem:$0x3F9B] =	sst s1;
	(tag) =	ssettag s2;
	_ =	strace s9  }
0x27: {  	s1 =	sld [smem:$0x3FAB]  }
0x28: {  	s2 =	sld [smem:$0x3FAC]  }
0x29: {  	s4 =	sld [smem:$0x3FAE]  }
0x2a: {  	p0 =	seq.s32 s5, $0x0;
	s5 =	sld [smem:$0x3FAF]  }
0x2b: {  	s6 =	sld [smem:$0x3FB0]  }
0x2c: {  	s7 =	sld [smem:$0x3FB1]  }
0x2d: {  	s3 =	simm.s32 $0x108;
	s8 =	sld [smem:$0x3FB2]  }
0x2e: {  	s3 =	simm.s32 @!p0 $0x1082;
	s9 =	sld [smem:$0x3FB3]  }
0x2f: {  	lr =	sadd.s32 s0, s3;
	s0 =	sld [smem:$0x3FAA]  }
0x30: {  	s3 =	sld [smem:$0x3FAD]  }
0x31: {  	[smem:$0x3FB6] =	sst s10  }
0x32: {  	s10 =	sld [smem:$0x3FB4];
	_ =	sdelay $0x3  }
0x33: {  	p0 =	seq.s32 s10, $0x1;
	s10 =	sld [smem:$0x3FB6];
	_ =	sdelay $0x3  }
0x34: {  	[smem:$0x3FB6] =	sst s10  }
0x35: {  	s10 =	sld [smem:$0x3FB5];
	_ =	sdelay $0x3  }
0x36: {  	p1 =	seq.s32 s10, $0x1;
	s10 =	sld [smem:$0x3FB6];
	_ =	sdelay $0x3  }
0x37: {  	[smem:$0x3FB6] =	sst s10  }
0x38: {  	s10 =	sld [smem:$0x3FB7]  }
0x39: {  	_ = 	snop;
	(pc) =	sbr.ind lr, $3  }
0x3a: {  	_ = 	snop  }
0x3b: {  	_ = 	snop  }
0x3c: {  	p2 =	seq.s32 s10, $0x1;
	s10 =	sld [smem:$0x3FB6]  }
0x3d: {  	_ =	shalt  }
0x3e: {  	_ =	shalt  }
0x3f: {  	_ =	shalt  }
0x40: {  	_ =	shalt  }
0x41: {  	_ =	shalt  }
0x42: {  	_ =	shalt  }
0x43: {  	_ =	shalt  }
0x44: {  	_ =	shalt  }
0x45: {  	_ =	shalt  }
0x46: {  	_ =	shalt  }
0x47: {  	_ =	shalt  }
0x48: {  	_ =	shalt  }
0x49: {  	_ =	shalt  }
0x4a: {  	_ =	shalt  }
0x4b: {  	_ =	shalt  }
0x4c: {  	_ =	shalt  }
0x4d: {  	_ =	shalt  }
0x4e: {  	_ =	shalt  }
0x4f: {  	_ =	shalt  }
0x50: {  	_ =	shalt  }
0x51: {  	_ =	shalt  }
0x52: {  	_ =	shalt  }
0x53: {  	_ =	shalt  }
0x54: {  	_ =	shalt  }
0x55: {  	_ =	shalt  }
0x56: {  	_ =	shalt  }
0x57: {  	_ =	shalt  }
0x58: {  	_ =	shalt  }
0x59: {  	_ =	shalt  }
0x5a: {  	_ =	shalt  }
0x5b: {  	_ =	shalt  }
0x5c: {  	_ =	shalt  }
0x5d: {  	_ =	shalt  }
0x5e: {  	_ =	shalt  }
0x5f: {  	_ =	shalt  }
0x60: {  	_ =	shalt  }
0x61: {  	_ =	shalt  }
0x62: {  	_ =	shalt  }
0x63: {  	_ =	shalt  }
0x64: {  	_ =	shalt  }
0x65: {  	_ =	shalt  }
0x66: {  	_ =	shalt  }
0x67: {  	_ =	shalt  }
0x68: {  	_ =	shalt  }
0x69: {  	_ =	shalt  }
0x6a: {  	_ =	shalt  }
0x6b: {  	_ =	shalt  }
0x6c: {  	_ =	shalt  }
0x6d: {  	_ =	shalt  }
0x6e: {  	_ =	shalt  }
0x6f: {  	_ =	shalt  }
0x70: {  	_ =	shalt  }
0x71: {  	_ =	shalt  }
0x72: {  	_ =	shalt  }
0x73: {  	_ =	shalt  }
0x74: {  	_ =	shalt  }
0x75: {  	_ =	shalt  }
0x76: {  	_ =	shalt  }
0x77: {  	_ =	shalt  }
0x78: {  	_ =	shalt  }
0x79: {  	_ =	shalt  }
0x7a: {  	_ =	shalt  }
0x7b: {  	_ =	shalt  }
0x7c: {  	_ =	shalt  }
0x7d: {  	_ =	shalt  }
0x7e: {  	_ =	shalt  }
0x7f: {  	_ =	shalt  }
0x80: {  	_ =	shalt  }
0x81: {  	_ =	shalt  }
0x82: {  	_ =	shalt  }
0x83: {  	_ =	shalt  }
0x84: {  	_ =	shalt  }
0x85: {  	_ =	shalt  }
0x86: {  	_ =	shalt  }
0x87: {  	_ =	shalt  }
.Lfunc_end0:
.L_simem_size_0:
called_computation_lowered:
.L_overlay_start_0:
0x88: {  	s2 =	sld [smem:$0x3FD9]  }
0x89: {  	s3 =	sld [smem:$0x3FFE];
	_ =	sdelay $0x1  }
0x8a: {  	s1 =	srdreg.scid  }
0x8b: {  	s0 =	sand.u32 $0x1, s1  }
0x8c: {  	s17 =	sshll.u32 s0, $0xA;
	s2 =	sadd.s32 s3, s2  }
0x8d: {  	s2 =	sadd.s32 s2, s17  }
0x8e: {  	[smem:$0x3FC2] =	sst s2  }
0x8f: {  	_ = 	snop  }
0x90: {  	s2 =	sld [smem:$0x3FD0];
	(tm) =	ssettm $0x1  }
0x91: {  	s18 =	sld [smem:$0x3FFB];
	_ =	sdelay $0x3  }
0x92: {  	_ =	strace s18  }
0x93: {  	s3 =	sld [smem:$0x3FFC];
	_ =	sdelay $0x3  }
0x94: {  	_ =	strace s3  }
0x95: {  	s3 =	sld [smem:$0x3FFD];
	_ =	sdelay $0x3  }
0x96: {  	_ =	strace s3  }
0x97: {  	_ =	strace $0x8FFFFFFF  }
0x98: {  	s19 =	sld [smem:$0x3FDB];
	_ =	sdelay $0x1  }
0x99: {  	s4 =	simm.s32 $_scs_section_size  }
0x9a: {  	s5 =	simm.s32 $_size__tile_overlayer_lowered;
	s6 =	simm.s32 $_tile_overlayer_lowered  }
0x9b: {  	s22 =	simm.s32 $0x1BFF;
	s21 =	sshll.u32 s6, $0x1;
	s3 =	sadd.s32 s4, s19  }
0x9c: {  	s7 =	simm.s32 $0x0;
	s20 =	sshll.u32 s5, $0x1;
	s5 =	sadd.s32 s21, s3  }
0x9d: {  	[timem:s7], [sflag:s22] =	dma.local [hbm:s5], s20  }
0x9e: {  	_ =	swait.ge [sflag:s22], s20  }
0x9f: {  	s4 =	ssub.s32 $0x0, s20;
	[sflag:s22] =	ssyncset.done $0x0  }
0xa0: {  	[sflag:s22] =	ssyncadd.s32 s4;
	_ =	sdelay $0x1  }
0xa1: {  	s23 =	simm.s32 $0x1B8B  }
0xa2: {  	_ =	swait.ge [sflag:s23], $0x1  }
0xa3: {  	[sflag:s23] =	ssyncset.done $0x0  }
0xa4: {  	s25 =	simm.s32 $0x1B8E;
	s24 =	sld [smem:$0x3FFE];
	[sflag:s23] =	ssyncadd.s32 $0xFFFFFFFF  }
0xa5: {  	s26 =	simm.s32 $execute0_lowered;
	[smem:$0x3FD2] =	sst s25  }
0xa6: {  	s5 =	sshll.u32 s26, $0x1;
	_ =	strace $0x80000046;
	[dreg:$0x1] =	wrdreg $0xFFFFFFFF  }
0xa7: {  	s28 =	simm.s32 $_size_execute0_lowered;
	s3 =	sadd.s32 s3, s5;
	[dreg:$0x0] =	wrdreg $0x0  }
0xa8: {  	s5 =	sshll.u32 s28, $0x1;
	[dreg:$0x2] =	wrdreg s3  }
0xa9: {  	[dreg:$0x3] =	wrdreg s5  }
0xaa: {  	[dreg:$0x4] =	wrdreg $0xC0  }
0xab: {  	_ =	task [dreg:s7], $0x5FFFF  }
0xac: {  	[dreg:$0x1] =	wrdreg $0xFFFFFFFF  }
0xad: {  	[dreg:$0x0] =	wrdreg $0x60  }
0xae: {  	[dreg:$0x2] =	wrdreg s2  }
0xaf: {  	[dreg:$0x3] =	wrdreg s24  }
0xb0: {  	[dreg:$0x4] =	wrdreg $0x29000  }
0xb1: {  	[dreg:$0x5] =	wrdreg $0x9  }
0xb2: {  	_ =	task.clear_ibuf [dreg:s7], $0x6FFFF;
	_ =	strace $0x90000046  }
0xb3: {  	s29 =	simm.s32 $0x9;
	_ =	strace $0x80000048  }
0xb4: {  	_ =	swait.ge [sflag:s29], $0x1  }
0xb5: {  	[sflag:s29] =	ssyncadd.s32 $0xFFFFFFFF  }
0xb6: {  	_ =	strace $0x90000048  }
0xb7: {  	_ =	sfence  }
0xb8: {  	s30 =	sld [smem:$0x0];
	_ =	sdelay $0x2  }
0xb9: {  	s31 =	sshll.u32 s1, $0xD;
	s1 =	sshrl.u32 s1, $0x2  }
0xba: {  	s3 =	sand.u32 $0x4000, s31;
	s1 =	sadd.s32 s1, s30  }
0xbb: {  	s0 =	sor.u32 s3, s0;
	s1 =	sshll.u32 s1, $0x11  }
0xbc: {  	s0 =	sor.u32 s1, s0  }
0xbd: {  	s0 =	sadd.s32 $0x8F2B, s0  }
0xbe: {  	[sflag:s0] =	ssyncadd.remote.s32 $0x1  }
0xbf: {  	_ =	sfence.sel $0xFFFF  }
0xc0: {  	[dreg:$0x0] =	wrdreg $0xFFFFFFFF;
	(pc) =	sbr.abs _section_cstart, $3  }
0xc1: {  	[dreg:$0x1] =	wrdreg $0xFFFFFFFF  }
0xc2: {  	_ =	task.clear_ibuf [dreg:s7], $0x2FFFF;
	_ =	strace $0x9FFFFFFF  }
0xc3: {  	(tm) =	ssettm $0x7FFFFFFF  }
tec
execute0_lowered:
.L_overlay_start_1:
0x0: {  	(tag) =	ssettag $0x1  }
0x1: {  	s5 =	rddreg [dreg:$0x0]  }
0x2: {  	s4 =	rddreg [dreg:$0x1]  }
0x3: {  	s1 =	rddreg [dreg:$0x2];
	s2 =	srdreg.scid  }
0x4: {  	s0 =	rddreg [dreg:$0x3];
	s3 =	simm.s32 $0x0;
	s12 =	simm.s32 $0x2800  }
0x5: {  	s13 =	simm.s32 $0x1;
	s14 =	simm.s32 $0x80;
	s6 =	sand.u32 $0x1, s2  }
0x6: {  	s15 =	simm.s32 $0x2880;
	s2 =	stileid.u32;
	s7 =	smul.u32 $0x2800, s6  }
0x7: {  	s18 =	simm.s32 $0x0;
	[smem:$0x7FF] =	sst s3;
	s8 =	smul.u32 $0x280, s2  }
0x8: {  	_ =	strace $0x80000047;
	s9 =	sshll.u32 s2, $0x1;
	s10 =	smul.u32 $0xA00, s2  }
0x9: {  	s16 =	sshll.u32 s2, $0x6;
	s9 =	sor.u32 s6, s9;
	s6 =	ssub.s32 $0x2, s6  }
0xa: {  	s16 =	sor.u32 $0x1C01, s16;
	s7 =	sadd.s32 s8, s7;
	s9 =	smul.u32 $0x500, s9  }
0xb: {  	s31 =	sshrl.u32 s6, $0x1;
	s10 =	sshrl.u32 s10, $0x2;
	s17 =	sadd.s32 s8, s1  }
0xc: {  	s7 =	sshrl.u32 s7, $0x3;
	s11 =	ssub.s32 s6, s31;
	s17 =	sshrl.u32 s17, $0x3  }
0xd: {  	s7 =	sadd.s32 s7, s4;
	s4 =	sadd.s32 s10, s1;
	s5 =	sadd.s32 s5, s9  }
0xe: {  	s6 =	sadd.s32 $0x1C00, s7;
	s7 =	smax.u32 s11, $0x1;
	s8 =	sadd.s32 $0x80, s4  }
0xf: {  	v0 =	vimm.f32 $0.0e+00;
	v1 =	vimm.f32 $1.000000000e+00;
	s9 =	sadd.s32 $0x100, s4;
	s10 =	sadd.s32 $0x180, s4;
	s11 =	sadd.s32 $0x200, s4  }
.LBB2_1:
0x10: {  	[tilespmem:$0x2800] =	vst v0  }
0x11: {  	[tilespmem:$0x2880] =	vst v1  }
0x12: {  	[tilespmem:$0x2810] =	vst v0  }
0x13: {  	[tilespmem:$0x2890] =	vst v1  }
0x14: {  	[tilespmem:$0x2820] =	vst v0  }
0x15: {  	[tilespmem:$0x28A0] =	vst v1  }
0x16: {  	[tilespmem:$0x2830] =	vst v0  }
0x17: {  	[tilespmem:$0x28B0] =	vst v1  }
0x18: {  	[tilespmem:$0x2840] =	vst v0  }
0x19: {  	[tilespmem:$0x28C0] =	vst v1  }
0x1a: {  	[tilespmem:$0x2850] =	vst v0  }
0x1b: {  	[tilespmem:$0x28D0] =	vst v1  }
0x1c: {  	[tilespmem:$0x2860] =	vst v0  }
0x1d: {  	[tilespmem:$0x28E0] =	vst v1  }
0x1e: {  	[tilespmem:$0x2870] =	vst v0  }
0x1f: {  	[tilespmem:$0x28F0] =	vst v1  }
0x20: {  	[spmem:s4] =	stream.linear.scatter [tilespmem:s12], [sflag:$0x1], $0x80, $0x38;
	[tilespmem:$0x2B80] =	vst v63  }
0x21: {  	_ =	swait.ge [sflag:s13], $0x80  }
0x22: {  	[sflag:s13] =	ssyncset.done $0x0  }
0x23: {  	[sflag:s13] =	ssyncadd.s32 $0xFFFFFF80  }
0x24: {  	[spmem:s8] =	stream.linear.scatter [tilespmem:s12], [sflag:$0x1], $0x80, $0x38;
	[tilespmem:$0x2B80] =	vst v63  }
0x25: {  	_ =	swait.ge [sflag:s13], $0x80  }
0x26: {  	[sflag:s13] =	ssyncset.done $0x0  }
0x27: {  	[sflag:s13] =	ssyncadd.s32 $0xFFFFFF80  }
0x28: {  	[spmem:s9] =	stream.linear.scatter [tilespmem:s12], [sflag:$0x1], $0x80, $0x38;
	[tilespmem:$0x2B80] =	vst v63  }
0x29: {  	_ =	swait.ge [sflag:s13], $0x80  }
0x2a: {  	[sflag:s13] =	ssyncset.done $0x0  }
0x2b: {  	[sflag:s13] =	ssyncadd.s32 $0xFFFFFF80  }
0x2c: {  	[spmem:s10] =	stream.linear.scatter [tilespmem:s12], [sflag:$0x1], $0x80, $0x38;
	[tilespmem:$0x2B80] =	vst v63  }
0x2d: {  	_ =	swait.ge [sflag:s13], $0x80  }
0x2e: {  	[sflag:s13] =	ssyncset.done $0x0  }
0x2f: {  	[sflag:s13] =	ssyncadd.s32 $0xFFFFFF80  }
0x30: {  	[spmem:s11] =	stream.linear.scatter [tilespmem:s12], [sflag:$0x1], $0x80, $0x38;
	[tilespmem:$0x2B80] =	vst v63  }
0x31: {  	_ =	swait.ge [sflag:s13], $0x80  }
0x32: {  	[sflag:s13] =	ssyncset.done $0x0  }
0x33: {  	[sflag:s13] =	ssyncadd.s32 $0xFFFFFF80  }
0x34: {  	[tilespmem:s3], [sflag:$0x1] =	stream.linear.gather [hbm4b:s5+s3], $0x2800, $0x38;
	[tilespmem:$0x2B80] =	vst v63  }
0x35: {  	_ =	swait.ge [sflag:s13], $0x2800  }
0x36: {  	[sflag:s13] =	ssyncset.done $0x0  }
0x37: {  	[sflag:s13] =	ssyncadd.s32 $0xFFFFD800  }
0x38: {  	s19 =	simm.s32 $0x0;
	[bflag:$0x0] =	sbarrier.arrive $0xFFFF  }
0x39: {  	[spmem:s1] =	stream.indirect.scatter.add.f32 [tilespmem:s15], [sflag:$0x1], $0x1, s19, s14, $0xb8;
	[tilespmem:$0x2B80] =	vst v63  }
0x3a: {  	_ =	swait.ge [sflag:s13], $0x80  }
0x3b: {  	s19 =	simm.s32 $0x200;
	[sflag:s13] =	ssyncset.done $0x0  }
.LBB2_2:
0x3c: {  	s20 =	sshra.s32 s19, $0x2;
	[sflag:s13] =	ssyncadd.s32 $0xFFFFFF80;
	p0 =	sne.s32 s19, $0x9E00  }
0x3d: {  	[spmem:s1] =	stream.indirect.scatter.add.f32 [tilespmem:s15], [sflag:$0x1], $0x1, s20, s14, $0xb8;
	[tilespmem:$0x2B80] =	vst v63  }
.Ltmp0:
0x3e: {  	_ = 	snop;
	(pc) =	sbr.rel @p0 .LBB2_2-.Ltmp0, $4  }
0x3f: {  	_ = 	snop  }
0x40: {  	s19 =	sadd.s32 $0x200, s19  }
0x41: {  	_ =	swait.ge [sflag:s13], $0x80  }
0x42: {  	[sflag:s13] =	ssyncset.done $0x0  }
0x43: {  	s18 =	sadd.s32 $0x1, s18  }
0x44: {  	[sflag:s13] =	ssyncadd.s32 $0xFFFFFF80;
	p0 =	sne.s32 s18, s7  }
.Ltmp1:
0x45: {  	[bflag:$0x0] =	sbarrier.arrive $0xFFFF;
	(pc) =	sbr.rel @p0 .LBB2_1-.Ltmp1, $4  }
0x46: {  	[hbm:s6], [sflag:s16] =	dma.local [spmem:s17], $0x50  }
0x47: {  	_ =	swait.ge [sflag:s13], $0x50  }
0x48: {  	[sflag:s13] =	ssyncset.done $0x0  }
0x49: {  	[sflag:s13] =	ssyncadd.s32 $0xFFFFFFB0  }
0x4a: {  	_ =	sfence.sel $0x180000  }
0x4b: {  	[bflag:$0x0] =	sbarrier.arrive $0xFFFF  }
0x4c: {  	p0 =	sne.s32 s2, $0x0;
	_ =	strace $0x90000047  }
0x4d: {  	s0 =	sadd.s32 @!p0 $0x100000, s0;
	[bflag:$0x2] =	sbarrier.arrive $0xFFFF  }
0x4e: {  	[sflag:s0] =	ssyncadd.tile.s32 @!p0 $0x1;
	_ =	shalt  }
.Lfunc_end2:
_tile_overlayer_lowered:
.L_overlay_start_2:
0x4f: {  	(tag) =	ssettag $0x2  }
0x50: {  	s0 =	rddreg [dreg:$0x0];
	s2 =	stileid.u32  }
0x51: {  	s1 =	rddreg [dreg:$0x1];
	p0 =	sne.s32 s2, $0x0  }
0x52: {  	s3 =	rddreg [dreg:$0x2];
	[bflag:$0x3] =	sbarrier.arrive $0xFFFF;
	s2 =	simm.s32 @!p0 $0x1C01  }
0x53: {  	[timem:s3], [sflag:s2] =	dma.local @!p0 [hbm:s0], s1  }
0x54: {  	s0 =	simm.s32 @!p0 $0x1  }
0x55: {  	_ =	swait.ge @!p0 [sflag:s0], s1  }
0x56: {  	s1 =	ssub.s32 @!p0 $0x0, s1;
	[sflag:s0] =	ssyncset.done @!p0 $0x0  }
0x57: {  	[sflag:s0] =	ssyncadd.s32 @!p0 s1  }
0x58: {  	[bflag:$0x3] =	sbarrier.arrive $0xFFFF  }
0x59: {  	_ =	shalt  }

// kernel: _run.14.cloned.1.call-start
scs
__scs_entry_jumppad:
0x0: {  	(pc) =	sbr.rel $0x88, $3  }
0x1: {  	(tag) =	ssettag $0x0;
	lr =	simm.s32 $0x1  }
0x2: {  	[smem:$0x3F9B] =	sst lr;
	_ =	strace $0xD0000000  }
0x3: {  	_ = 	snop  }
0x4: {  	_ = 	snop  }
0x5: {  	_ = 	snop  }
0x6: {  	_ = 	snop  }
0x7: {  	_ = 	snop  }
__scs_overlays_trampoline_lowered:
0x8: {  	[smem:$0x3FAA] =	sst s0  }
0x9: {  	[smem:$0x3FAB] =	sst s1  }
0xa: {  	[smem:$0x3FAC] =	sst s2  }
0xb: {  	[smem:$0x3FAD] =	sst s3  }
0xc: {  	[smem:$0x3FAE] =	sst s4  }
0xd: {  	[smem:$0x3FAF] =	sst s5  }
0xe: {  	[smem:$0x3FB0] =	sst s6  }
0xf: {  	[smem:$0x3FB1] =	sst s7  }
0x10: {  	[smem:$0x3FB2] =	sst s8  }
0x11: {  	[smem:$0x3FB3] =	sst s9;
	s0 =	simm.s32 @!p0 $0x0  }
0x12: {  	s1 =	sld [smem:$0x3F99];
	s0 =	simm.s32 @p0 $0x1  }
0x13: {  	[smem:$0x3FB4] =	sst s0;
	s0 =	simm.s32 @!p1 $0x0  }
0x14: {  	s2 =	sld [smem:$0x3F98];
	s0 =	simm.s32 @p1 $0x1  }
0x15: {  	[smem:$0x3FB5] =	sst s0;
	s0 =	simm.s32 @!p2 $0x0  }
0x16: {  	s3 =	sld [smem:$0x3FDB];
	s0 =	simm.s32 @p2 $0x1  }
0x17: {  	s4 =	simm.s32 $0x1BF5;
	[smem:$0x3FB7] =	sst s0  }
0x18: {  	s0 =	sld [smem:$0x3F9A];
	_ =	swait.ge [sflag:s4], $0x0  }
0x19: {  	s7 =	sld [smem:$0x3F9B]  }
0x1a: {  	s8 =	sadd.s32 $0xFFFFE003, lr  }
0x1b: {  	s9 =	sadd.s32 $0xFFFFFEF7, lr;
	s5 =	simm.s32 $0xFFFFFFFF;
	p2 =	slt.u32 s8, $0xFFFFF086  }
0x1c: {  	p1 =	slt.u32 s9, $0xF7A;
	s5 =	simm.s32 @!p2 $0x0  }
0x1d: {  	s5 =	simm.s32 @p1 $0x1;
	p0 =	seq.s32 s7, s2  }
0x1e: {  	s7 =	smul.u32 @!p0 $0xF7A, s2;
	p2 =	seq.s32 @!p0 s5, $0x0  }
0x1f: {  	s9 =	smul.u32 $0xF7A, s1;
	s8 =	simm.s32 @!p0 $0x1BF5;
	p2 =	por !p2, p0  }
0x20: {  	[sflag:s8] =	ssyncset.s32 @!p0 $0xFFFFF086;
	s6 =	sadd.s32 @!p0 s3, s7;
	s7 =	simm.s32 @!p0 $0x108  }
0x21: {  	s3 =	sadd.s32 s3, s9;
	s6 =	sadd.s32 @!p0 $0x88, s6;
	s7 =	simm.s32 @p2 $0x1082  }
0x22: {  	[simem:s7], [sflag:s8] =	dma.local @!p0 [hbm:s6], $0xF7A  }
0x23: {  	s9 =	sor.u32 $0xD0000000, s2;
	s6 =	simm.s32 $0x108;
	_ =	swait.ge @!p0 [sflag:s8], $0x0  }
0x24: {  	s3 =	sadd.s32 $0x88, s3;
	s6 =	simm.s32 @!p1 $0x1082;
	[sflag:s4] =	ssyncset.s32 $0xFFFFF086  }
0x25: {  	[simem:s6], [sflag:s4] =	dma.local [hbm:s3], $0xF7A  }
0x26: {  	[smem:$0x3F9B] =	sst s1;
	(tag) =	ssettag s2;
	_ =	strace s9  }
0x27: {  	s1 =	sld [smem:$0x3FAB]  }
0x28: {  	s2 =	sld [smem:$0x3FAC]  }
0x29: {  	s4 =	sld [smem:$0x3FAE]  }
0x2a: {  	p0 =	seq.s32 s5, $0x0;
	s5 =	sld [smem:$0x3FAF]  }
0x2b: {  	s6 =	sld [smem:$0x3FB0]  }
0x2c: {  	s7 =	sld [smem:$0x3FB1]  }
0x2d: {  	s3 =	simm.s32 $0x108;
	s8 =	sld [smem:$0x3FB2]  }
0x2e: {  	s3 =	simm.s32 @!p0 $0x1082;
	s9 =	sld [smem:$0x3FB3]  }
0x2f: {  	lr =	sadd.s32 s0, s3;
	s0 =	sld [smem:$0x3FAA]  }
0x30: {  	s3 =	sld [smem:$0x3FAD]  }
0x31: {  	[smem:$0x3FB6] =	sst s10  }
0x32: {  	s10 =	sld [smem:$0x3FB4];
	_ =	sdelay $0x3  }
0x33: {  	p0 =	seq.s32 s10, $0x1;
	s10 =	sld [smem:$0x3FB6];
	_ =	sdelay $0x3  }
0x34: {  	[smem:$0x3FB6] =	sst s10  }
0x35: {  	s10 =	sld [smem:$0x3FB5];
	_ =	sdelay $0x3  }
0x36: {  	p1 =	seq.s32 s10, $0x1;
	s10 =	sld [smem:$0x3FB6];
	_ =	sdelay $0x3  }
0x37: {  	[smem:$0x3FB6] =	sst s10  }
0x38: {  	s10 =	sld [smem:$0x3FB7]  }
0x39: {  	_ = 	snop;
	(pc) =	sbr.ind lr, $3  }
0x3a: {  	_ = 	snop  }
0x3b: {  	_ = 	snop  }
0x3c: {  	p2 =	seq.s32 s10, $0x1;
	s10 =	sld [smem:$0x3FB6]  }
0x3d: {  	_ =	shalt  }
0x3e: {  	_ =	shalt  }
0x3f: {  	_ =	shalt  }
0x40: {  	_ =	shalt  }
0x41: {  	_ =	shalt  }
0x42: {  	_ =	shalt  }
0x43: {  	_ =	shalt  }
0x44: {  	_ =	shalt  }
0x45: {  	_ =	shalt  }
0x46: {  	_ =	shalt  }
0x47: {  	_ =	shalt  }
0x48: {  	_ =	shalt  }
0x49: {  	_ =	shalt  }
0x4a: {  	_ =	shalt  }
0x4b: {  	_ =	shalt  }
0x4c: {  	_ =	shalt  }
0x4d: {  	_ =	shalt  }
0x4e: {  	_ =	shalt  }
0x4f: {  	_ =	shalt  }
0x50: {  	_ =	shalt  }
0x51: {  	_ =	shalt  }
0x52: {  	_ =	shalt  }
0x53: {  	_ =	shalt  }
0x54: {  	_ =	shalt  }
0x55: {  	_ =	shalt  }
0x56: {  	_ =	shalt  }
0x57: {  	_ =	shalt  }
0x58: {  	_ =	shalt  }
0x59: {  	_ =	shalt  }
0x5a: {  	_ =	shalt  }
0x5b: {  	_ =	shalt  }
0x5c: {  	_ =	shalt  }
0x5d: {  	_ =	shalt  }
0x5e: {  	_ =	shalt  }
0x5f: {  	_ =	shalt  }
0x60: {  	_ =	shalt  }
0x61: {  	_ =	shalt  }
0x62: {  	_ =	shalt  }
0x63: {  	_ =	shalt  }
0x64: {  	_ =	shalt  }
0x65: {  	_ =	shalt  }
0x66: {  	_ =	shalt  }
0x67: {  	_ =	shalt  }
0x68: {  	_ =	shalt  }
0x69: {  	_ =	shalt  }
0x6a: {  	_ =	shalt  }
0x6b: {  	_ =	shalt  }
0x6c: {  	_ =	shalt  }
0x6d: {  	_ =	shalt  }
0x6e: {  	_ =	shalt  }
0x6f: {  	_ =	shalt  }
0x70: {  	_ =	shalt  }
0x71: {  	_ =	shalt  }
0x72: {  	_ =	shalt  }
0x73: {  	_ =	shalt  }
0x74: {  	_ =	shalt  }
0x75: {  	_ =	shalt  }
0x76: {  	_ =	shalt  }
0x77: {  	_ =	shalt  }
0x78: {  	_ =	shalt  }
0x79: {  	_ =	shalt  }
0x7a: {  	_ =	shalt  }
0x7b: {  	_ =	shalt  }
0x7c: {  	_ =	shalt  }
0x7d: {  	_ =	shalt  }
0x7e: {  	_ =	shalt  }
0x7f: {  	_ =	shalt  }
0x80: {  	_ =	shalt  }
0x81: {  	_ =	shalt  }
0x82: {  	_ =	shalt  }
0x83: {  	_ =	shalt  }
0x84: {  	_ =	shalt  }
0x85: {  	_ =	shalt  }
0x86: {  	_ =	shalt  }
0x87: {  	_ =	shalt  }
.Lfunc_end0:
.L_simem_size_0:
called_computation.1_lowered:
.L_overlay_start_0:
0x88: {  	s2 =	sld [smem:$0x3FD9]  }
0x89: {  	s3 =	sld [smem:$0x3FFE];
	_ =	sdelay $0x1  }
0x8a: {  	s1 =	srdreg.scid  }
0x8b: {  	s0 =	sand.u32 $0x1, s1  }
0x8c: {  	s17 =	sshll.u32 s0, $0xA;
	s2 =	sadd.s32 s3, s2  }
0x8d: {  	s2 =	sadd.s32 s2, s17  }
0x8e: {  	[smem:$0x3FC2] =	sst s2  }
0x8f: {  	_ = 	snop  }
0x90: {  	s2 =	sld [smem:$0x3FD0];
	(tm) =	ssettm $0x1  }
0x91: {  	s18 =	sld [smem:$0x3FFB];
	_ =	sdelay $0x3  }
0x92: {  	_ =	strace s18  }
0x93: {  	s3 =	sld [smem:$0x3FFC];
	_ =	sdelay $0x3  }
0x94: {  	_ =	strace s3  }
0x95: {  	s3 =	sld [smem:$0x3FFD];
	_ =	sdelay $0x3  }
0x96: {  	_ =	strace s3  }
0x97: {  	_ =	strace $0x8FFFFFFF  }
0x98: {  	s19 =	sld [smem:$0x3FDB];
	_ =	sdelay $0x1  }
0x99: {  	s4 =	simm.s32 $_scs_section_size  }
0x9a: {  	s5 =	simm.s32 $_size__tile_overlayer_lowered;
	s6 =	simm.s32 $_tile_overlayer_lowered  }
0x9b: {  	s22 =	simm.s32 $0x1BFF;
	s21 =	sshll.u32 s6, $0x1;
	s3 =	sadd.s32 s4, s19  }
0x9c: {  	s7 =	simm.s32 $0x0;
	s20 =	sshll.u32 s5, $0x1;
	s5 =	sadd.s32 s21, s3  }
0x9d: {  	[timem:s7], [sflag:s22] =	dma.local [hbm:s5], s20  }
0x9e: {  	_ =	swait.ge [sflag:s22], s20  }
0x9f: {  	s4 =	ssub.s32 $0x0, s20;
	[sflag:s22] =	ssyncset.done $0x0  }
0xa0: {  	[sflag:s22] =	ssyncadd.s32 s4;
	_ =	sdelay $0x1  }
0xa1: {  	s23 =	simm.s32 $0x1B8B  }
0xa2: {  	_ =	swait.ge [sflag:s23], $0x1  }
0xa3: {  	[sflag:s23] =	ssyncset.done $0x0  }
0xa4: {  	s25 =	simm.s32 $0x1B8E;
	s24 =	sld [smem:$0x3FFE];
	[sflag:s23] =	ssyncadd.s32 $0xFFFFFFFF  }
0xa5: {  	s26 =	simm.s32 $execute0_lowered;
	[smem:$0x3FD2] =	sst s25  }
0xa6: {  	s5 =	sshll.u32 s26, $0x1;
	_ =	strace $0x80000049;
	[dreg:$0x1] =	wrdreg $0xFFFFFFFF  }
0xa7: {  	s28 =	simm.s32 $_size_execute0_lowered;
	s3 =	sadd.s32 s3, s5;
	[dreg:$0x0] =	wrdreg $0x0  }
0xa8: {  	s5 =	sshll.u32 s28, $0x1;
	[dreg:$0x2] =	wrdreg s3  }
0xa9: {  	[dreg:$0x3] =	wrdreg s5  }
0xaa: {  	[dreg:$0x4] =	wrdreg $0xC0  }
0xab: {  	_ =	task [dreg:s7], $0x5FFFF  }
0xac: {  	[dreg:$0x1] =	wrdreg $0xFFFFFFFF  }
0xad: {  	[dreg:$0x0] =	wrdreg $0x60  }
0xae: {  	[dreg:$0x2] =	wrdreg s24  }
0xaf: {  	[dreg:$0x3] =	wrdreg s2  }
0xb0: {  	[dreg:$0x4] =	wrdreg $0x98000  }
0xb1: {  	[dreg:$0x5] =	wrdreg $0x138000  }
0xb2: {  	[dreg:$0x6] =	wrdreg $0x9  }
0xb3: {  	_ =	task.clear_ibuf [dreg:s7], $0x7FFFF;
	_ =	strace $0x90000049  }
0xb4: {  	s29 =	simm.s32 $0x9;
	_ =	strace $0x8000004B  }
0xb5: {  	_ =	swait.ge [sflag:s29], $0x1  }
0xb6: {  	[sflag:s29] =	ssyncadd.s32 $0xFFFFFFFF  }
0xb7: {  	_ =	strace $0x9000004B  }
0xb8: {  	_ =	sfence  }
0xb9: {  	s30 =	sld [smem:$0x0];
	_ =	sdelay $0x2  }
0xba: {  	s31 =	sshll.u32 s1, $0xD;
	s1 =	sshrl.u32 s1, $0x2  }
0xbb: {  	s3 =	sand.u32 $0x4000, s31;
	s1 =	sadd.s32 s1, s30  }
0xbc: {  	s0 =	sor.u32 s3, s0;
	s1 =	sshll.u32 s1, $0x11  }
0xbd: {  	s0 =	sor.u32 s1, s0  }
0xbe: {  	s0 =	sadd.s32 $0x8F2B, s0  }
0xbf: {  	[sflag:s0] =	ssyncadd.remote.s32 $0x1  }
0xc0: {  	_ =	sfence.sel $0xFFFF  }
0xc1: {  	[dreg:$0x0] =	wrdreg $0xFFFFFFFF;
	(pc) =	sbr.abs _section_cstart, $3  }
0xc2: {  	[dreg:$0x1] =	wrdreg $0xFFFFFFFF  }
0xc3: {  	_ =	task.clear_ibuf [dreg:s7], $0x2FFFF;
	_ =	strace $0x9FFFFFFF  }
0xc4: {  	(tm) =	ssettm $0x7FFFFFFF  }
0xc5: {  	_ =	shalt  }
tec
execute0_lowered:
.L_overlay_start_1:
0x0: {  	(tag) =	ssettag $0x1  }
0x1: {  	s0 =	rddreg [dreg:$0x0];
	s1 =	srdreg.scid  }
0x2: {  	s11 =	stileid.u32;
	s5 =	rddreg [dreg:$0x1]  }
0x3: {  	s2 =	rddreg [dreg:$0x2];
	s7 =	smul.u32 $0xA000, s11  }
0x4: {  	s1 =	sand.u32 $0x1, s1;
	s3 =	sshll.u32 s11, $0x1;
	s11 =	smul.u32 $0x28000, s11  }
0x5: {  	s4 =	sor.u32 s1, s3;
	s10 =	ssub.s32 $0x2, s1;
	s1 =	smul.u32 $0xA0000, s1  }
0x6: {  	s3 =	rddreg [dreg:$0x3];
	s6 =	smul.u32 $0x500, s4;
	s4 =	simm.s32 $0x0  }
0x7: {  	s9 =	sshrl.u32 s7, $0x3;
	s12 =	sshrl.u32 s10, $0x1;
	s14 =	sshrl.u32 s11, $0x2  }
0x8: {  	s19 =	sadd.s32 $0x2000, s7;
	s25 =	sadd.s32 $0x4000, s7;
	s26 =	sadd.s32 $0x6000, s7  }
0x9: {  	s13 =	sadd.s32 $0x8000, s7;
	[smem:$0x7FF] =	sst s4;
	s9 =	sadd.s32 s9, s0  }
0xa: {  	s10 =	ssub.s32 s10, s12;
	s15 =	sadd.s32 s1, s7;
	s22 =	sadd.s32 s1, s19  }
0xb: {  	s19 =	sadd.s32 s19, s3;
	_ =	strace $0x8000004A;
	s8 =	sadd.s32 s6, s0  }
0xc: {  	s0 =	sadd.s32 $0x34600, s0;
	s5 =	sadd.s32 s5, s6;
	s16 =	sadd.s32 $0x1C00, s9  }
0xd: {  	s17 =	sshrl.u32 s15, $0x3;
	s18 =	smax.u32 s10, $0x1;
	s9 =	sshrl.u32 s22, $0x3  }
0xe: {  	s15 =	sadd.s32 s1, s26;
	s22 =	sadd.s32 s13, s3;
	[dreg:$0x6] =	wrdreg s5  }
0xf: {  	s8 =	sadd.s32 $0x2A600, s8;
	s5 =	sadd.s32 s7, s2;
	[dreg:$0x7] =	wrdreg s16  }
0x10: {  	s6 =	sadd.s32 s0, s17;
	[dreg:$0x9] =	wrdreg s18;
	s9 =	sadd.s32 s0, s9  }
0x11: {  	s12 =	sshrl.u32 s15, $0x3;
	s18 =	sadd.s32 s7, s3;
	[dreg:$0x5] =	wrdreg s8  }
0x12: {  	s15 =	simm.s32 $0x80;
	s8 =	sadd.s32 s14, s3;
	[dreg:$0x8] =	wrdreg s6  }
0x13: {  	[dreg:$0xe] =	wrdreg s9;
	s14 =	sadd.s32 s1, s25;
	s1 =	sadd.s32 s1, s13  }
0x14: {  	s16 =	sadd.s32 s0, s12;
	s5 =	sshrl.u32 s5, $0x3;
	s13 =	simm.s32 $0x5  }
0x15: {  	s20 =	sadd.s32 $0x800, s8;
	s21 =	sadd.s32 $0x1000, s8;
	s23 =	sadd.s32 $0x1800, s8  }
0x16: {  	s24 =	sadd.s32 $0x2000, s8;
	s11 =	sshrl.u32 s14, $0x3;
	[dreg:$0x10] =	wrdreg s16  }
0x17: {  	s1 =	sshrl.u32 s1, $0x3;
	s17 =	sadd.s32 $0x2800, s8;
	[dreg:$0x13] =	wrdreg s5  }
0x18: {  	s28 =	sadd.s32 $0x3800, s8;
	s29 =	sadd.s32 $0x4000, s8;
	s30 =	sadd.s32 $0x4800, s8  }
0x19: {  	s31 =	sadd.s32 $0x5000, s8;
	s5 =	sadd.s32 $0x6800, s8;
	s6 =	sadd.s32 $0x7000, s8  }
0x1a: {  	s7 =	sadd.s32 $0x7800, s8;
	s9 =	sadd.s32 $0x8000, s8;
	[dreg:$0xa] =	wrdreg s20  }
0x1b: {  	s10 =	sadd.s32 $0x8800, s8;
	s12 =	sadd.s32 $0x9800, s8;
	[dreg:$0xb] =	wrdreg s21  }
0x1c: {  	s14 =	simm.s32 $0x9000;
	s16 =	simm.s32 $0x5000;
	[dreg:$0xc] =	wrdreg s23  }
0x1d: {  	[dreg:$0xd] =	wrdreg s24;
	s11 =	sadd.s32 s0, s11;
	s0 =	sadd.s32 s0, s1  }
0x1e: {  	[dreg:$0x12] =	wrdreg s17;
	s20 =	sadd.s32 s25, s3;
	s21 =	sadd.s32 s26, s3  }
0x1f: {  	s23 =	sshrl.u32 s19, $0x3;
	s26 =	sshrl.u32 s22, $0x3;
	[dreg:$0xf] =	wrdreg s11  }
0x20: {  	s1 =	sadd.s32 $0x5800, s8;
	s17 =	simm.s32 $0x7000;
	[dreg:$0x11] =	wrdreg s0  }
0x21: {  	s19 =	simm.s32 $0x2;
	s0 =	sshrl.u32 s18, $0x3;
	[dreg:$0x15] =	wrdreg s23  }
0x22: {  	s24 =	sshrl.u32 s20, $0x3;
	s25 =	sshrl.u32 s21, $0x3;
	[dreg:$0x18] =	wrdreg s26  }
0x23: {  	s26 =	sadd.s32 $0x3000, s8;
	s11 =	sadd.s32 $0x9000, s8;
	[dreg:$0x14] =	wrdreg s0  }
0x24: {  	s18 =	simm.s32 $0x1;
	s20 =	simm.s32 $0x3;
	[dreg:$0x16] =	wrdreg s24  }
0x25: {  	v0 =	vimm.f32 $0.0e+00;
	s21 =	simm.s32 $0x4;
	[dreg:$0x17] =	wrdreg s25;
	s0 =	sadd.s32 $0x6000, s8  }
.LBB2_1:
0x26: {  	s23 =	simm.s32 $0x100;
	s22 =	simm.s32 $0x0  }
.LBB2_2:
0x27: {  	p0 =	sne.s32 s23, $0x1F00;
	[tilespmem:s22+$0x9030] =	vst v0;
	s24 =	smov.u32 s23;
	s23 =	sadd.s32 $0x100, s23  }
.Ltmp0:
0x28: {  	[tilespmem:s22+$0x9020] =	vst v0;
	(pc) =	sbr.rel @p0 .LBB2_2-.Ltmp0, $3  }
0x29: {  	[tilespmem:s22+$0x9000] =	vst v0  }
0x2a: {  	[tilespmem:s22+$0x9010] =	vst v0;
	_ =	sdelay $0x1  }
0x2b: {  	s22 =	sshra.s32 s24, $0x2  }
0x2c: {  	[tilespmem:s22+$0x9030] =	vst v0  }
0x2d: {  	[tilespmem:s22+$0x9020] =	vst v0  }
0x2e: {  	[tilespmem:s22+$0x9000] =	vst v0  }
0x2f: {  	[tilespmem:s22+$0x9010] =	vst v0;
	s23 =	simm.s32 $0x0;
	s24 =	rddreg [dreg:$0x5]  }
0x30: {  	[tilespmem:s23], [sflag:$0x5] =	stream.linear.gather [hbm4b:s24+s23], $0x2800, $0x38;
	[tilespmem:$0x1D800] =	vst v63  }
0x31: {  	_ =	swait.ge [sflag:s13], $0x2800  }
0x32: {  	[sflag:s13] =	ssyncset.done $0x0  }
0x33: {  	s24 =	simm.s32 $0x2800;
	s25 =	rddreg [dreg:$0x6];
	[sflag:s13] =	ssyncadd.s32 $0xFFFFD800  }
0x34: {  	[tilespmem:s24], [sflag:$0x5] =	stream.linear.gather [hbm4b:s25+s23], $0x2800, $0x38;
	[tilespmem:$0x1D800] =	vst v63  }
0x35: {  	s24 =	stileid.u32;
	_ =	swait.ge [sflag:s13], $0x2800  }
0x36: {  	s22 =	sshll.u32 s24, $0x6;
	[sflag:s13] =	ssyncset.done $0x0;
	s24 =	rddreg [dreg:$0x7]  }
0x37: {  	s22 =	sor.u32 $0x1C05, s22;
	s25 =	rddreg [dreg:$0x13];
	[sflag:s13] =	ssyncadd.s32 $0xFFFFD800  }
0x38: {  	[spmem:s25], [sflag:s22] =	dma.local [hbm:s24], $0x1400  }
0x39: {  	_ =	swait.ge [sflag:s13], $0x1400  }
0x3a: {  	[sflag:s13] =	ssyncset.done $0x0  }
0x3b: {  	[sflag:s13] =	ssyncadd.s32 $0xFFFFEC00  }
0x3c: {  	[spmem:s8] =	stream.linear.scatter [tilespmem:s14], [sflag:$0x5], $0x800, $0x38;
	[tilespmem:$0x1D800] =	vst v63  }
0x3d: {  	_ =	swait.ge [sflag:s13], $0x800  }
0x3e: {  	[sflag:s13] =	ssyncset.done $0x0  }
0x3f: {  	s25 =	rddreg [dreg:$0xa];
	[sflag:s13] =	ssyncadd.s32 $0xFFFFF800  }
0x40: {  	[spmem:s25] =	stream.linear.scatter [tilespmem:s14], [sflag:$0x5], $0x800, $0x38;
	[tilespmem:$0x1D800] =	vst v63  }
0x41: {  	_ =	swait.ge [sflag:s13], $0x800  }
0x42: {  	[sflag:s13] =	ssyncset.done $0x0  }
0x43: {  	s25 =	rddreg [dreg:$0xb];
	[sflag:s13] =	ssyncadd.s32 $0xFFFFF800  }
0x44: {  	[spmem:s25] =	stream.linear.scatter [tilespmem:s14], [sflag:$0x5], $0x800, $0x38;
	[tilespmem:$0x1D800] =	vst v63  }
0x45: {  	_ =	swait.ge [sflag:s13], $0x800  }
0x46: {  	[sflag:s13] =	ssyncset.done $0x0  }
0x47: {  	s25 =	rddreg [dreg:$0xc];
	[sflag:s13] =	ssyncadd.s32 $0xFFFFF800  }
0x48: {  	[spmem:s25] =	stream.linear.scatter [tilespmem:s14], [sflag:$0x5], $0x800, $0x38;
	[tilespmem:$0x1D800] =	vst v63  }
0x49: {  	_ =	swait.ge [sflag:s13], $0x800  }
0x4a: {  	[sflag:s13] =	ssyncset.done $0x0  }
0x4b: {  	s25 =	rddreg [dreg:$0xd];
	[sflag:s13] =	ssyncadd.s32 $0xFFFFF800  }
0x4c: {  	[spmem:s25] =	stream.linear.scatter [tilespmem:s14], [sflag:$0x5], $0x800, $0x38;
	[tilespmem:$0x1D800] =	vst v63  }
0x4d: {  	_ =	swait.ge [sflag:s13], $0x800  }
0x4e: {  	[sflag:s13] =	ssyncset.done $0x0  }
0x4f: {  	s25 =	rddreg [dreg:$0x12];
	[sflag:s13] =	ssyncadd.s32 $0xFFFFF800  }
0x50: {  	[spmem:s25] =	stream.linear.scatter [tilespmem:s14], [sflag:$0x5], $0x800, $0x38;
	[tilespmem:$0x1D800] =	vst v63  }
0x51: {  	_ =	swait.ge [sflag:s13], $0x800  }
0x52: {  	[sflag:s13] =	ssyncset.done $0x0  }
0x53: {  	[sflag:s13] =	ssyncadd.s32 $0xFFFFF800  }
0x54: {  	[spmem:s26] =	stream.linear.scatter [tilespmem:s14], [sflag:$0x5], $0x800, $0x38;
	[tilespmem:$0x1D800] =	vst v63  }
0x55: {  	_ =	swait.ge [sflag:s13], $0x800  }
0x56: {  	[sflag:s13] =	ssyncset.done $0x0  }
0x57: {  	[sflag:s13] =	ssyncadd.s32 $0xFFFFF800  }
0x58: {  	[spmem:s28] =	stream.linear.scatter [tilespmem:s14], [sflag:$0x5], $0x800, $0x38;
	[tilespmem:$0x1D800] =	vst v63  }
0x59: {  	_ =	swait.ge [sflag:s13], $0x800  }
0x5a: {  	[sflag:s13] =	ssyncset.done $0x0  }
0x5b: {  	[sflag:s13] =	ssyncadd.s32 $0xFFFFF800  }
0x5c: {  	[spmem:s29] =	stream.linear.scatter [tilespmem:s14], [sflag:$0x5], $0x800, $0x38;
	[tilespmem:$0x1D800] =	vst v63  }
0x5d: {  	_ =	swait.ge [sflag:s13], $0x800  }
0x5e: {  	[sflag:s13] =	ssyncset.done $0x0  }
0x5f: {  	[sflag:s13] =	ssyncadd.s32 $0xFFFFF800  }
0x60: {  	[spmem:s30] =	stream.linear.scatter [tilespmem:s14], [sflag:$0x5], $0x800, $0x38;
	[tilespmem:$0x1D800] =	vst v63  }
0x61: {  	_ =	swait.ge [sflag:s13], $0x800  }
0x62: {  	[sflag:s13] =	ssyncset.done $0x0  }
0x63: {  	[sflag:s13] =	ssyncadd.s32 $0xFFFFF800  }
0x64: {  	[spmem:s31] =	stream.linear.scatter [tilespmem:s14], [sflag:$0x5], $0x800, $0x38;
	[tilespmem:$0x1D800] =	vst v63  }
0x65: {  	_ =	swait.ge [sflag:s13], $0x800  }
0x66: {  	[sflag:s13] =	ssyncset.done $0x0  }
0x67: {  	[sflag:s13] =	ssyncadd.s32 $0xFFFFF800  }
0x68: {  	[spmem:s1] =	stream.linear.scatter [tilespmem:s14], [sflag:$0x5], $0x800, $0x38;
	[tilespmem:$0x1D800] =	vst v63  }
0x69: {  	_ =	swait.ge [sflag:s13], $0x800  }
0x6a: {  	[sflag:s13] =	ssyncset.done $0x0  }
0x6b: {  	[sflag:s13] =	ssyncadd.s32 $0xFFFFF800  }
0x6c: {  	[spmem:s0] =	stream.linear.scatter [tilespmem:s14], [sflag:$0x5], $0x800, $0x38;
	[tilespmem:$0x1D800] =	vst v63  }
0x6d: {  	_ =	swait.ge [sflag:s13], $0x800  }
0x6e: {  	[sflag:s13] =	ssyncset.done $0x0  }
0x6f: {  	[sflag:s13] =	ssyncadd.s32 $0xFFFFF800  }
0x70: {  	[spmem:s5] =	stream.linear.scatter [tilespmem:s14], [sflag:$0x5], $0x800, $0x38;
	[tilespmem:$0x1D800] =	vst v63  }
0x71: {  	_ =	swait.ge [sflag:s13], $0x800  }
0x72: {  	[sflag:s13] =	ssyncset.done $0x0  }
0x73: {  	[sflag:s13] =	ssyncadd.s32 $0xFFFFF800  }
0x74: {  	[spmem:s6] =	stream.linear.scatter [tilespmem:s14], [sflag:$0x5], $0x800, $0x38;
	[tilespmem:$0x1D800] =	vst v63  }
0x75: {  	_ =	swait.ge [sflag:s13], $0x800  }
0x76: {  	[sflag:s13] =	ssyncset.done $0x0  }
0x77: {  	[sflag:s13] =	ssyncadd.s32 $0xFFFFF800  }
0x78: {  	[spmem:s7] =	stream.linear.scatter [tilespmem:s14], [sflag:$0x5], $0x800, $0x38;
	[tilespmem:$0x1D800] =	vst v63  }
0x79: {  	_ =	swait.ge [sflag:s13], $0x800  }
0x7a: {  	[sflag:s13] =	ssyncset.done $0x0  }
0x7b: {  	[sflag:s13] =	ssyncadd.s32 $0xFFFFF800  }
0x7c: {  	[spmem:s9] =	stream.linear.scatter [tilespmem:s14], [sflag:$0x5], $0x800, $0x38;
	[tilespmem:$0x1D800] =	vst v63  }
0x7d: {  	_ =	swait.ge [sflag:s13], $0x800  }
0x7e: {  	[sflag:s13] =	ssyncset.done $0x0  }
0x7f: {  	[sflag:s13] =	ssyncadd.s32 $0xFFFFF800  }
0x80: {  	[spmem:s10] =	stream.linear.scatter [tilespmem:s14], [sflag:$0x5], $0x800, $0x38;
	[tilespmem:$0x1D800] =	vst v63  }
0x81: {  	_ =	swait.ge [sflag:s13], $0x800  }
0x82: {  	[sflag:s13] =	ssyncset.done $0x0  }
0x83: {  	[sflag:s13] =	ssyncadd.s32 $0xFFFFF800  }
0x84: {  	[spmem:s11] =	stream.linear.scatter [tilespmem:s14], [sflag:$0x5], $0x800, $0x38;
	[tilespmem:$0x1D800] =	vst v63  }
0x85: {  	_ =	swait.ge [sflag:s13], $0x800  }
0x86: {  	[sflag:s13] =	ssyncset.done $0x0  }
0x87: {  	[sflag:s13] =	ssyncadd.s32 $0xFFFFF800  }
0x88: {  	[spmem:s12] =	stream.linear.scatter [tilespmem:s14], [sflag:$0x5], $0x800, $0x38;
	[tilespmem:$0x1D800] =	vst v63  }
0x89: {  	_ =	swait.ge [sflag:s13], $0x800  }
0x8a: {  	[sflag:s13] =	ssyncset.done $0x0  }
0x8b: {  	[sflag:s13] =	ssyncadd.s32 $0xFFFFF800  }
0x8c: {  	[bflag:$0x0] =	sbarrier.arrive $0xFFFF  }
0x8d: {  	[tilespmem:s16], [sflag:$0x1] =	stream.indirect.gather [spmem:s2], $0x40, s23, s15, $0xb8;
	[tilespmem:$0x1D800] =	vst v63  }
0x8e: {  	_ = 	snop  }
0x8f: {  	[tilespmem:s17], [sflag:$0x2] =	stream.indirect.gather [spmem:s2], $0x40, s15, s15, $0xb8;
	[tilespmem:$0x1D800] =	vst v63  }
0x90: {  	_ =	swait.ge [sflag:s18], $0x2000  }
0x91: {  	[sflag:s18] =	ssyncset.done $0x0  }
0x92: {  	s25 =	simm.s32 $0x2800;
	[sflag:s18] =	ssyncadd.s32 $0xFFFFE000  }
0x93: {  	[spmem:s3] =	stream.indirect.scatter.add.f32 [tilespmem:s16], [sflag:$0x3], $0x40, s25, s15, $0xb8;
	[tilespmem:$0x1D800] =	vst v63  }
0x94: {  	_ =	swait.ge [sflag:s19], $0x2000  }
0x95: {  	[sflag:s19] =	ssyncset.done $0x0  }
0x96: {  	s24 =	simm.s32 $0x2880;
	[sflag:s19] =	ssyncadd.s32 $0xFFFFE000  }
0x97: {  	[spmem:s3] =	stream.indirect.scatter.add.f32 [tilespmem:s17], [sflag:$0x4], $0x40, s24, s15, $0xb8;
	[tilespmem:$0x1D800] =	vst v63  }
0x98: {  	_ =	swait.ge [sflag:s20], $0x2000  }
0x99: {  	[sflag:s20] =	ssyncset.done $0x0  }
0x9a: {  	s25 =	simm.s32 $0x100;
	[sflag:s20] =	ssyncadd.s32 $0xFFFFE000  }
0x9b: {  	[tilespmem:s16], [sflag:$0x1] =	stream.indirect.gather [spmem:s2], $0x40, s25, s15, $0xb8;
	[tilespmem:$0x1D800] =	vst v63  }
0x9c: {  	_ =	swait.ge [sflag:s21], $0x2000  }
0x9d: {  	[sflag:s21] =	ssyncset.done $0x0  }
0x9e: {  	s23 =	simm.s32 $0x400;
	s24 =	simm.s32 $0x180;
	[sflag:s21] =	ssyncadd.s32 $0xFFFFE000  }
.LBB2_4:
0x9f: {  	[tilespmem:s17], [sflag:$0x2] =	stream.indirect.gather [spmem:s2], $0x40, s24, s15, $0xb8;
	[tilespmem:$0x1D800] =	vst v63  }
0xa0: {  	s24 =	smov.u32 s23  }
0xa1: {  	p0 =	sne.s32 s23, $0x9800;
	s23 =	sadd.s32 $0x400, s23;
	_ =	swait.ge [sflag:s18], $0x2000  }
0xa2: {  	s24 =	sshra.s32 s24, $0x2;
	[sflag:s18] =	ssyncset.done $0x0  }
0xa3: {  	s25 =	sadd.s32 $0x2800, s24;
	[sflag:s18] =	ssyncadd.s32 $0xFFFFE000  }
0xa4: {  	[spmem:s3] =	stream.indirect.scatter.add.f32 [tilespmem:s16], [sflag:$0x3], $0x40, s25, s15, $0xb8;
	[tilespmem:$0x1D800] =	vst v63  }
0xa5: {  	_ =	swait.ge [sflag:s19], $0x2000  }
0xa6: {  	[sflag:s19] =	ssyncset.done $0x0  }
0xa7: {  	s25 =	sadd.s32 $0x2880, s24;
	[sflag:s19] =	ssyncadd.s32 $0xFFFFE000  }
0xa8: {  	[spmem:s3] =	stream.indirect.scatter.add.f32 [tilespmem:s17], [sflag:$0x4], $0x40, s25, s15, $0xb8;
	[tilespmem:$0x1D800] =	vst v63  }
0xa9: {  	_ =	swait.ge [sflag:s20], $0x2000  }
0xaa: {  	[sflag:s20] =	ssyncset.done $0x0  }
.Ltmp1:
0xab: {  	s25 =	sadd.s32 $0x100, s24;
	[sflag:s20] =	ssyncadd.s32 $0xFFFFE000;
	(pc) =	sbr.rel @p0 .LBB2_4-.Ltmp1, $4  }
0xac: {  	[tilespmem:s16], [sflag:$0x1] =	stream.indirect.gather [spmem:s2], $0x40, s25, s15, $0xb8;
	[tilespmem:$0x1D800] =	vst v63  }
0xad: {  	_ =	swait.ge [sflag:s21], $0x2000  }
0xae: {  	[sflag:s21] =	ssyncset.done $0x0  }
0xaf: {  	s24 =	sadd.s32 $0x180, s24;
	[sflag:s21] =	ssyncadd.s32 $0xFFFFE000  }
0xb0: {  	[tilespmem:s17], [sflag:$0x2] =	stream.indirect.gather [spmem:s2], $0x40, s24, s15, $0xb8;
	[tilespmem:$0x1D800] =	vst v63  }
0xb1: {  	_ =	swait.ge [sflag:s18], $0x2000  }
0xb2: {  	[sflag:s18] =	ssyncset.done $0x0  }
0xb3: {  	s23 =	simm.s32 $0x4F00;
	[sflag:s18] =	ssyncadd.s32 $0xFFFFE000  }
0xb4: {  	[spmem:s3] =	stream.indirect.scatter.add.f32 [tilespmem:s16], [sflag:$0x3], $0x40, s23, s15, $0xb8;
	[tilespmem:$0x1D800] =	vst v63  }
0xb5: {  	_ =	swait.ge [sflag:s19], $0x2000  }
0xb6: {  	[sflag:s19] =	ssyncset.done $0x0  }
0xb7: {  	s25 =	simm.s32 $0x4F80;
	[sflag:s19] =	ssyncadd.s32 $0xFFFFE000  }
0xb8: {  	[spmem:s3] =	stream.indirect.scatter.add.f32 [tilespmem:s17], [sflag:$0x4], $0x40, s25, s15, $0xb8;
	[tilespmem:$0x1D800] =	vst v63  }
0xb9: {  	_ =	swait.ge [sflag:s20], $0x2000  }
0xba: {  	[sflag:s20] =	ssyncset.done $0x0  }
0xbb: {  	[sflag:s20] =	ssyncadd.s32 $0xFFFFE000  }
0xbc: {  	_ =	swait.ge [sflag:s21], $0x2000  }
0xbd: {  	[sflag:s21] =	ssyncset.done $0x0  }
0xbe: {  	[sflag:s21] =	ssyncadd.s32 $0xFFFFE000  }
0xbf: {  	[bflag:$0x0] =	sbarrier.arrive $0xFFFF  }
0xc0: {  	s24 =	rddreg [dreg:$0x8]  }
0xc1: {  	s25 =	rddreg [dreg:$0x14]  }
0xc2: {  	[hbm:s24], [sflag:s22] =	dma.local [spmem:s25], $0x400  }
0xc3: {  	_ =	swait.ge [sflag:s13], $0x400  }
0xc4: {  	[sflag:s13] =	ssyncset.done $0x0;
	s24 =	rddreg [dreg:$0xe]  }
0xc5: {  	s25 =	rddreg [dreg:$0x15];
	[sflag:s13] =	ssyncadd.s32 $0xFFFFFC00  }
0xc6: {  	[hbm:s24], [sflag:s22] =	dma.local [spmem:s25], $0x400  }
0xc7: {  	_ =	swait.ge [sflag:s13], $0x400  }
0xc8: {  	[sflag:s13] =	ssyncset.done $0x0;
	s24 =	rddreg [dreg:$0xf]  }
0xc9: {  	s25 =	rddreg [dreg:$0x16];
	[sflag:s13] =	ssyncadd.s32 $0xFFFFFC00  }
0xca: {  	[hbm:s24], [sflag:s22] =	dma.local [spmem:s25], $0x400  }
0xcb: {  	_ =	swait.ge [sflag:s13], $0x400  }
0xcc: {  	[sflag:s13] =	ssyncset.done $0x0;
	s24 =	rddreg [dreg:$0x10]  }
0xcd: {  	s25 =	rddreg [dreg:$0x17];
	[sflag:s13] =	ssyncadd.s32 $0xFFFFFC00  }
0xce: {  	[hbm:s24], [sflag:s22] =	dma.local [spmem:s25], $0x400  }
0xcf: {  	_ =	swait.ge [sflag:s13], $0x400  }
0xd0: {  	[sflag:s13] =	ssyncset.done $0x0;
	s24 =	rddreg [dreg:$0x11]  }
0xd1: {  	s25 =	rddreg [dreg:$0x18];
	[sflag:s13] =	ssyncadd.s32 $0xFFFFFC00  }
0xd2: {  	[hbm:s24], [sflag:s22] =	dma.local [spmem:s25], $0x400  }
0xd3: {  	_ =	swait.ge [sflag:s13], $0x400  }
0xd4: {  	s4 =	sadd.s32 $0x1, s4;
	s25 =	rddreg [dreg:$0x9]  }
0xd5: {  	p0 =	sne.s32 s4, s25  }
.Ltmp2:
0xd6: {  	_ = 	snop;
	(pc) =	sbr.rel @p0 .LBB2_1-.Ltmp2, $3  }
0xd7: {  	_ =	sdelay $0x1  }
0xd8: {  	[sflag:s13] =	ssyncset.done $0x0  }
0xd9: {  	[sflag:s13] =	ssyncadd.s32 $0xFFFFFC00  }
0xda: {  	_ =	sfence.sel $0x180000  }
0xdb: {  	[bflag:$0x0] =	sbarrier.arrive $0xFFFF  }
0xdc: {  	_ =	strace $0x9000004A  }
0xdd: {  	s0 =	stileid.u32;
	[bflag:$0x2] =	sbarrier.arrive $0xFFFF  }
0xde: {  	p0 =	sne.s32 s0, $0x0;
	s0 =	rddreg [dreg:$0x4]  }
0xdf: {  	s0 =	sadd.s32 @!p0 $0x100000, s0  }
0xe0: {  	[sflag:s0] =	ssyncadd.tile.s32 @!p0 $0x1;
	_ =	shalt  }
.Lfunc_end2:
_tile_overlayer_lowered:
.L_overlay_start_2:
0xe1: {  	(tag) =	ssettag $0x2  }
0xe2: {  	s0 =	rddreg [dreg:$0x0];
	s2 =	stileid.u32  }
0xe3: {  	s1 =	rddreg [dreg:$0x1];
	p0 =	sne.s32 s2, $0x0  }
0xe4: {  	s3 =	rddreg [dreg:$0x2];
	[bflag:$0x3] =	sbarrier.arrive $0xFFFF;
	s2 =	simm.s32 @!p0 $0x1C05  }
0xe5: {  	[timem:s3], [sflag:s2] =	dma.local @!p0 [hbm:s0], s1  }
0xe6: {  	s0 =	simm.s32 @!p0 $0x5  }
0xe7: {  	_ =	swait.ge @!p0 [sflag:s0], s1  }
0xe8: {  	s1 =	ssub.s32 @!p0 $0x0, s1;
	[sflag:s0] =	ssyncset.done @!p0 $0x0  }
0xe9: {  	[sflag:s0] =	ssyncadd.s32 @!p0 s1  }
0xea: {  	[bflag:$0x3] =	sbarrier.arrive $0xFFFF  }
0xeb: {  	_ =	shalt  }

// kernel: _run.17.cloned.1.call-start
scs
__scs_entry_jumppad:
0x0: {  	(pc) =	sbr.rel $0x88, $3  }
0x1: {  	(tag) =	ssettag $0x0;
	lr =	simm.s32 $0x1  }
0x2: {  	[smem:$0x3F9B] =	sst lr;
	_ =	strace $0xD0000000  }
0x3: {  	_ = 	snop  }
0x4: {  	_ = 	snop  }
0x5: {  	_ = 	snop  }
0x6: {  	_ = 	snop  }
0x7: {  	_ = 	snop  }
__scs_overlays_trampoline_lowered:
0x8: {  	[smem:$0x3FAA] =	sst s0  }
0x9: {  	[smem:$0x3FAB] =	sst s1  }
0xa: {  	[smem:$0x3FAC] =	sst s2  }
0xb: {  	[smem:$0x3FAD] =	sst s3  }
0xc: {  	[smem:$0x3FAE] =	sst s4  }
0xd: {  	[smem:$0x3FAF] =	sst s5  }
0xe: {  	[smem:$0x3FB0] =	sst s6  }
0xf: {  	[smem:$0x3FB1] =	sst s7  }
0x10: {  	[smem:$0x3FB2] =	sst s8  }
0x11: {  	[smem:$0x3FB3] =	sst s9;
	s0 =	simm.s32 @!p0 $0x0  }
0x12: {  	s1 =	sld [smem:$0x3F99];
	s0 =	simm.s32 @p0 $0x1  }
0x13: {  	[smem:$0x3FB4] =	sst s0;
	s0 =	simm.s32 @!p1 $0x0  }
0x14: {  	s2 =	sld [smem:$0x3F98];
	s0 =	simm.s32 @p1 $0x1  }
0x15: {  	[smem:$0x3FB5] =	sst s0;
	s0 =	simm.s32 @!p2 $0x0  }
0x16: {  	s3 =	sld [smem:$0x3FDB];
	s0 =	simm.s32 @p2 $0x1  }
0x17: {  	s4 =	simm.s32 $0x1BF5;
	[smem:$0x3FB7] =	sst s0  }
0x18: {  	s0 =	sld [smem:$0x3F9A];
	_ =	swait.ge [sflag:s4], $0x0  }
0x19: {  	s7 =	sld [smem:$0x3F9B]  }
0x1a: {  	s8 =	sadd.s32 $0xFFFFE003, lr  }
0x1b: {  	s9 =	sadd.s32 $0xFFFFFEF7, lr;
	s5 =	simm.s32 $0xFFFFFFFF;
	p2 =	slt.u32 s8, $0xFFFFF086  }
0x1c: {  	p1 =	slt.u32 s9, $0xF7A;
	s5 =	simm.s32 @!p2 $0x0  }
0x1d: {  	s5 =	simm.s32 @p1 $0x1;
	p0 =	seq.s32 s7, s2  }
0x1e: {  	s7 =	smul.u32 @!p0 $0xF7A, s2;
	p2 =	seq.s32 @!p0 s5, $0x0  }
0x1f: {  	s9 =	smul.u32 $0xF7A, s1;
	s8 =	simm.s32 @!p0 $0x1BF5;
	p2 =	por !p2, p0  }
0x20: {  	[sflag:s8] =	ssyncset.s32 @!p0 $0xFFFFF086;
	s6 =	sadd.s32 @!p0 s3, s7;
	s7 =	simm.s32 @!p0 $0x108  }
0x21: {  	s3 =	sadd.s32 s3, s9;
	s6 =	sadd.s32 @!p0 $0x88, s6;
	s7 =	simm.s32 @p2 $0x1082  }
0x22: {  	[simem:s7], [sflag:s8] =	dma.local @!p0 [hbm:s6], $0xF7A  }
0x23: {  	s9 =	sor.u32 $0xD0000000, s2;
	s6 =	simm.s32 $0x108;
	_ =	swait.ge @!p0 [sflag:s8], $0x0  }
0x24: {  	s3 =	sadd.s32 $0x88, s3;
	s6 =	simm.s32 @!p1 $0x1082;
	[sflag:s4] =	ssyncset.s32 $0xFFFFF086  }
0x25: {  	[simem:s6], [sflag:s4] =	dma.local [hbm:s3], $0xF7A  }
0x26: {  	[smem:$0x3F9B] =	sst s1;
	(tag) =	ssettag s2;
	_ =	strace s9  }
0x27: {  	s1 =	sld [smem:$0x3FAB]  }
0x28: {  	s2 =	sld [smem:$0x3FAC]  }
0x29: {  	s4 =	sld [smem:$0x3FAE]  }
0x2a: {  	p0 =	seq.s32 s5, $0x0;
	s5 =	sld [smem:$0x3FAF]  }
0x2b: {  	s6 =	sld [smem:$0x3FB0]  }
0x2c: {  	s7 =	sld [smem:$0x3FB1]  }
0x2d: {  	s3 =	simm.s32 $0x108;
	s8 =	sld [smem:$0x3FB2]  }
0x2e: {  	s3 =	simm.s32 @!p0 $0x1082;
	s9 =	sld [smem:$0x3FB3]  }
0x2f: {  	lr =	sadd.s32 s0, s3;
	s0 =	sld [smem:$0x3FAA]  }
0x30: {  	s3 =	sld [smem:$0x3FAD]  }
0x31: {  	[smem:$0x3FB6] =	sst s10  }
0x32: {  	s10 =	sld [smem:$0x3FB4];
	_ =	sdelay $0x3  }
0x33: {  	p0 =	seq.s32 s10, $0x1;
	s10 =	sld [smem:$0x3FB6];
	_ =	sdelay $0x3  }
0x34: {  	[smem:$0x3FB6] =	sst s10  }
0x35: {  	s10 =	sld [smem:$0x3FB5];
	_ =	sdelay $0x3  }
0x36: {  	p1 =	seq.s32 s10, $0x1;
	s10 =	sld [smem:$0x3FB6];
	_ =	sdelay $0x3  }
0x37: {  	[smem:$0x3FB6] =	sst s10  }
0x38: {  	s10 =	sld [smem:$0x3FB7]  }
0x39: {  	_ = 	snop;
	(pc) =	sbr.ind lr, $3  }
0x3a: {  	_ = 	snop  }
0x3b: {  	_ = 	snop  }
0x3c: {  	p2 =	seq.s32 s10, $0x1;
	s10 =	sld [smem:$0x3FB6]  }
0x3d: {  	_ =	shalt  }
0x3e: {  	_ =	shalt  }
0x3f: {  	_ =	shalt  }
0x40: {  	_ =	shalt  }
0x41: {  	_ =	shalt  }
0x42: {  	_ =	shalt  }
0x43: {  	_ =	shalt  }
0x44: {  	_ =	shalt  }
0x45: {  	_ =	shalt  }
0x46: {  	_ =	shalt  }
0x47: {  	_ =	shalt  }
0x48: {  	_ =	shalt  }
0x49: {  	_ =	shalt  }
0x4a: {  	_ =	shalt  }
0x4b: {  	_ =	shalt  }
0x4c: {  	_ =	shalt  }
0x4d: {  	_ =	shalt  }
0x4e: {  	_ =	shalt  }
0x4f: {  	_ =	shalt  }
0x50: {  	_ =	shalt  }
0x51: {  	_ =	shalt  }
0x52: {  	_ =	shalt  }
0x53: {  	_ =	shalt  }
0x54: {  	_ =	shalt  }
0x55: {  	_ =	shalt  }
0x56: {  	_ =	shalt  }
0x57: {  	_ =	shalt  }
0x58: {  	_ =	shalt  }
0x59: {  	_ =	shalt  }
0x5a: {  	_ =	shalt  }
0x5b: {  	_ =	shalt  }
0x5c: {  	_ =	shalt  }
0x5d: {  	_ =	shalt  }
0x5e: {  	_ =	shalt  }
0x5f: {  	_ =	shalt  }
0x60: {  	_ =	shalt  }
0x61: {  	_ =	shalt  }
0x62: {  	_ =	shalt  }
0x63: {  	_ =	shalt  }
0x64: {  	_ =	shalt  }
0x65: {  	_ =	shalt  }
0x66: {  	_ =	shalt  }
0x67: {  	_ =	shalt  }
0x68: {  	_ =	shalt  }
0x69: {  	_ =	shalt  }
0x6a: {  	_ =	shalt  }
0x6b: {  	_ =	shalt  }
0x6c: {  	_ =	shalt  }
0x6d: {  	_ =	shalt  }
0x6e: {  	_ =	shalt  }
0x6f: {  	_ =	shalt  }
0x70: {  	_ =	shalt  }
0x71: {  	_ =	shalt  }
0x72: {  	_ =	shalt  }
0x73: {  	_ =	shalt  }
0x74: {  	_ =	shalt  }
0x75: {  	_ =	shalt  }
0x76: {  	_ =	shalt  }
0x77: {  	_ =	shalt  }
0x78: {  	_ =	shalt  }
0x79: {  	_ =	shalt  }
0x7a: {  	_ =	shalt  }
0x7b: {  	_ =	shalt  }
0x7c: {  	_ =	shalt  }
0x7d: {  	_ =	shalt  }
0x7e: {  	_ =	shalt  }
0x7f: {  	_ =	shalt  }
0x80: {  	_ =	shalt  }
0x81: {  	_ =	shalt  }
0x82: {  	_ =	shalt  }
0x83: {  	_ =	shalt  }
0x84: {  	_ =	shalt  }
0x85: {  	_ =	shalt  }
0x86: {  	_ =	shalt  }
0x87: {  	_ =	shalt  }
.Lfunc_end0:
.L_simem_size_0:
called_computation.2_lowered:
.L_overlay_start_0:
0x88: {  	s2 =	sld [smem:$0x3FD9]  }
0x89: {  	s3 =	sld [smem:$0x3FFE];
	_ =	sdelay $0x1  }
0x8a: {  	s1 =	srdreg.scid  }
0x8b: {  	s0 =	sand.u32 $0x1, s1  }
0x8c: {  	s17 =	sshll.u32 s0, $0xA;
	s2 =	sadd.s32 s3, s2  }
0x8d: {  	s2 =	sadd.s32 s2, s17  }
0x8e: {  	[smem:$0x3FC2] =	sst s2  }
0x8f: {  	_ = 	snop  }
0x90: {  	s18 =	sld [smem:$0x3FD0];
	(tm) =	ssettm $0x1  }
0x91: {  	s19 =	sld [smem:$0x3FFB];
	_ =	sdelay $0x3  }
0x92: {  	_ =	strace s19  }
0x93: {  	s2 =	sld [smem:$0x3FFC];
	_ =	sdelay $0x3  }
0x94: {  	_ =	strace s2  }
0x95: {  	s2 =	sld [smem:$0x3FFD];
	_ =	sdelay $0x3  }
0x96: {  	_ =	strace s2  }
0x97: {  	_ =	strace $0x8FFFFFFF  }
0x98: {  	s20 =	sld [smem:$0x3FDB];
	_ =	sdelay $0x1  }
0x99: {  	s4 =	simm.s32 $_scs_section_size  }
0x9a: {  	s5 =	simm.s32 $_size__tile_overlayer_lowered;
	s6 =	simm.s32 $_tile_overlayer_lowered  }
0x9b: {  	s7 =	simm.s32 $0x1BFF;
	s21 =	sshll.u32 s6, $0x1;
	s4 =	sadd.s32 s4, s20  }
0x9c: {  	s22 =	simm.s32 $0x0;
	s5 =	sshll.u32 s5, $0x1;
	s6 =	sadd.s32 s21, s4  }
0x9d: {  	[timem:s22], [sflag:s7] =	dma.local [hbm:s6], s5  }
0x9e: {  	_ =	swait.ge [sflag:s7], s5  }
0x9f: {  	s5 =	ssub.s32 $0x0, s5;
	[sflag:s7] =	ssyncset.done $0x0  }
0xa0: {  	[sflag:s7] =	ssyncadd.s32 s5;
	_ =	sdelay $0x1  }
0xa1: {  	s23 =	simm.s32 $0x1B8B  }
0xa2: {  	_ =	swait.ge [sflag:s23], $0x1  }
0xa3: {  	[sflag:s23] =	ssyncset.done $0x0  }
0xa4: {  	[sflag:s23] =	ssyncadd.s32 $0xFFFFFFFF  }
0xa5: {  	s5 =	sld [smem:$0x0]  }
0xa6: {  	s6 =	sand.u32 $0xFFFFFFFE, s1  }
0xa7: {  	p0 =	sne.s32 s1, s6  }
0xa8: {  	s6 =	sshll.u32 @p0 s6, $0xE  }
0xa9: {  	s6 =	sadd.s32 @p0 $0x11B8D, s6;
	s7 =	sshll.u32 @p0 s5, $0x11  }
0xaa: {  	s6 =	sor.u32 @p0 s7, s6  }
0xab: {  	[sflag:s6] =	ssyncadd.remote.s32 @p0 $0x1;
	_ =	sdelay $0x1  }
0xac: {  	s6 =	simm.s32 @p0 $0x1B8D  }
0xad: {  	_ =	swait.eq @p0 [sflag:s6], $0x1  }
0xae: {  	[sflag:s6] =	ssyncadd.s32 @p0 $0xFFFFFFFF  }
0xaf: {  	s7 =	sshll.u32 @!p0 s1, $0xE  }
0xb0: {  	s7 =	sor.u32 @!p0 $0x4000, s7;
	s6 =	simm.s32 @!p0 $0x1B8D  }
0xb1: {  	s5 =	sshll.u32 @!p0 s5, $0x11;
	s7 =	sadd.s32 @!p0 $0x11B8D, s7;
	_ =	swait.eq @!p0 [sflag:s6], $0x1  }
0xb2: {  	s5 =	sor.u32 @!p0 s5, s7;
	[sflag:s6] =	ssyncadd.s32 @!p0 $0xFFFFFFFF  }
0xb3: {  	s25 =	simm.s32 $0x1B8E;
	s24 =	sld [smem:$0x3FFE];
	[sflag:s5] =	ssyncadd.remote.s32 @!p0 $0x1  }
0xb4: {  	s26 =	simm.s32 $execute0_lowered;
	[smem:$0x3FD2] =	sst s25  }
0xb5: {  	s6 =	sshll.u32 s26, $0x1;
	_ =	strace $0x8000004C;
	[dreg:$0x1] =	wrdreg $0xFFFFFFFF  }
0xb6: {  	s28 =	simm.s32 $_size_execute0_lowered;
	s4 =	sadd.s32 s4, s6;
	[dreg:$0x0] =	wrdreg $0x0  }
0xb7: {  	s6 =	sshll.u32 s28, $0x1;
	[dreg:$0x2] =	wrdreg s4  }
0xb8: {  	[dreg:$0x3] =	wrdreg s6  }
0xb9: {  	[dreg:$0x4] =	wrdreg $0xC0  }
0xba: {  	_ =	task [dreg:s22], $0x5FFFF  }
0xbb: {  	[dreg:$0x1] =	wrdreg $0xFFFFFFFF  }
0xbc: {  	[dreg:$0x0] =	wrdreg $0x60  }
0xbd: {  	[dreg:$0x2] =	wrdreg s24  }
0xbe: {  	[dreg:$0x3] =	wrdreg s18  }
0xbf: {  	[dreg:$0x4] =	wrdreg $0x98000  }
0xc0: {  	[dreg:$0x5] =	wrdreg $0x138000  }
0xc1: {  	[dreg:$0x6] =	wrdreg $0xA  }
0xc2: {  	_ =	task.clear_ibuf [dreg:s22], $0x7FFFF;
	_ =	strace $0x9000004C  }
0xc3: {  	s29 =	simm.s32 $0xA;
	_ =	strace $0x8000004E  }
0xc4: {  	_ =	swait.ge [sflag:s29], $0x1  }
0xc5: {  	[sflag:s29] =	ssyncadd.s32 $0xFFFFFFFF  }
0xc6: {  	_ =	strace $0x9000004E  }
0xc7: {  	_ =	sfence  }
0xc8: {  	s30 =	sld [smem:$0x0];
	_ =	sdelay $0x2  }
0xc9: {  	s31 =	sshll.u32 s1, $0xD;
	s1 =	sshrl.u32 s1, $0x2  }
0xca: {  	s4 =	sand.u32 $0x4000, s31;
	s1 =	sadd.s32 s1, s30  }
0xcb: {  	s0 =	sor.u32 s4, s0;
	s1 =	sshll.u32 s1, $0x11  }
0xcc: {  	s0 =	sor.u32 s1, s0  }
0xcd: {  	s0 =	sadd.s32 $0x8F2B, s0  }
0xce: {  	[sflag:s0] =	ssyncadd.remote.s32 $0x1  }
0xcf: {  	_ =	sfence.sel $0xFFFF  }
0xd0: {  	[dreg:$0x0] =	wrdreg $0xFFFFFFFF;
	(pc) =	sbr.abs _section_cstart, $3  }
0xd1: {  	[dreg:$0x1] =	wrdreg $0xFFFFFFFF  }
0xd2: {  	_ =	task.clear_ibuf [dreg:s22], $0x2FFFF;
	_ =	strace $0x9FFFFFFF  }
0xd3: {  	(tm) =	ssettm $0x7FFFFFFF  }
tec
execute0_lowered:
.L_overlay_start_1:
0x0: {  	(tag) =	ssettag $0x1  }
0x1: {  	s0 =	rddreg [dreg:$0x0];
	s1 =	srdreg.scid  }
0x2: {  	s11 =	stileid.u32;
	s5 =	rddreg [dreg:$0x1]  }
0x3: {  	s2 =	rddreg [dreg:$0x2];
	s7 =	smul.u32 $0xA000, s11  }
0x4: {  	s1 =	sand.u32 $0x1, s1;
	s3 =	sshll.u32 s11, $0x1;
	s11 =	smul.u32 $0x28000, s11  }
0x5: {  	s4 =	sor.u32 s1, s3;
	s10 =	ssub.s32 $0x2, s1;
	s1 =	smul.u32 $0xA0000, s1  }
0x6: {  	s3 =	rddreg [dreg:$0x3];
	s6 =	smul.u32 $0x500, s4;
	s4 =	simm.s32 $0x0  }
0x7: {  	s9 =	sshrl.u32 s7, $0x3;
	s12 =	sshrl.u32 s10, $0x1;
	s14 =	sshrl.u32 s11, $0x2  }
0x8: {  	s19 =	sadd.s32 $0x2000, s7;
	s25 =	sadd.s32 $0x4000, s7;
	s26 =	sadd.s32 $0x6000, s7  }
0x9: {  	s13 =	sadd.s32 $0x8000, s7;
	[smem:$0x7FF] =	sst s4;
	s9 =	sadd.s32 s9, s0  }
0xa: {  	s10 =	ssub.s32 s10, s12;
	s15 =	sadd.s32 s1, s7;
	s22 =	sadd.s32 s1, s19  }
0xb: {  	s19 =	sadd.s32 s19, s3;
	_ =	strace $0x8000004D;
	s8 =	sadd.s32 s6, s0  }
0xc: {  	s0 =	sadd.s32 $0x5C600, s0;
	s5 =	sadd.s32 s5, s6;
	s16 =	sadd.s32 $0x15C00, s9  }
0xd: {  	s17 =	sshrl.u32 s15, $0x3;
	s18 =	smax.u32 s10, $0x1;
	s9 =	sshrl.u32 s22, $0x3  }
0xe: {  	s15 =	sadd.s32 s1, s26;
	s22 =	sadd.s32 s13, s3;
	[dreg:$0x6] =	wrdreg s5  }
0xf: {  	s8 =	sadd.s32 $0x2A600, s8;
	s5 =	sadd.s32 s7, s2;
	[dreg:$0x7] =	wrdreg s16  }
0x10: {  	s6 =	sadd.s32 s0, s17;
	[dreg:$0x9] =	wrdreg s18;
	s9 =	sadd.s32 s0, s9  }
0x11: {  	s12 =	sshrl.u32 s15, $0x3;
	s18 =	sadd.s32 s7, s3;
	[dreg:$0x5] =	wrdreg s8  }
0x12: {  	s15 =	simm.s32 $0x80;
	s8 =	sadd.s32 s14, s3;
	[dreg:$0x8] =	wrdreg s6  }
0x13: {  	[dreg:$0xe] =	wrdreg s9;
	s14 =	sadd.s32 s1, s25;
	s1 =	sadd.s32 s1, s13  }
0x14: {  	s16 =	sadd.s32 s0, s12;
	s5 =	sshrl.u32 s5, $0x3;
	s13 =	simm.s32 $0x5  }
0x15: {  	s20 =	sadd.s32 $0x800, s8;
	s21 =	sadd.s32 $0x1000, s8;
	s23 =	sadd.s32 $0x1800, s8  }
0x16: {  	s24 =	sadd.s32 $0x2000, s8;
	s11 =	sshrl.u32 s14, $0x3;
	[dreg:$0x10] =	wrdreg s16  }
0x17: {  	s1 =	sshrl.u32 s1, $0x3;
	s17 =	sadd.s32 $0x2800, s8;
	[dreg:$0x13] =	wrdreg s5  }
0x18: {  	s28 =	sadd.s32 $0x3800, s8;
	s29 =	sadd.s32 $0x4000, s8;
	s30 =	sadd.s32 $0x4800, s8  }
0x19: {  	s31 =	sadd.s32 $0x5000, s8;
	s5 =	sadd.s32 $0x6800, s8;
	s6 =	sadd.s32 $0x7000, s8  }
0x1a: {  	s7 =	sadd.s32 $0x7800, s8;
	s9 =	sadd.s32 $0x8000, s8;
	[dreg:$0xa] =	wrdreg s20  }
0x1b: {  	s10 =	sadd.s32 $0x8800, s8;
	s12 =	sadd.s32 $0x9800, s8;
	[dreg:$0xb] =	wrdreg s21  }
0x1c: {  	s14 =	simm.s32 $0x9000;
	s16 =	simm.s32 $0x5000;
	[dreg:$0xc] =	wrdreg s23  }
0x1d: {  	[dreg:$0xd] =	wrdreg s24;
	s11 =	sadd.s32 s0, s11;
	s0 =	sadd.s32 s0, s1  }
0x1e: {  	[dreg:$0x12] =	wrdreg s17;
	s20 =	sadd.s32 s25, s3;
	s21 =	sadd.s32 s26, s3  }
0x1f: {  	s23 =	sshrl.u32 s19, $0x3;
	s26 =	sshrl.u32 s22, $0x3;
	[dreg:$0xf] =	wrdreg s11  }
0x20: {  	s1 =	sadd.s32 $0x5800, s8;
	s17 =	simm.s32 $0x7000;
	[dreg:$0x11] =	wrdreg s0  }
0x21: {  	s19 =	simm.s32 $0x2;
	s0 =	sshrl.u32 s18, $0x3;
	[dreg:$0x15] =	wrdreg s23  }
0x22: {  	s24 =	sshrl.u32 s20, $0x3;
	s25 =	sshrl.u32 s21, $0x3;
	[dreg:$0x18] =	wrdreg s26  }
0x23: {  	s26 =	sadd.s32 $0x3000, s8;
	s11 =	sadd.s32 $0x9000, s8;
	[dreg:$0x14] =	wrdreg s0  }
0x24: {  	s18 =	simm.s32 $0x1;
	s20 =	simm.s32 $0x3;
	[dreg:$0x16] =	wrdreg s24  }
0x25: {  	v0 =	vimm.f32 $0.0e+00;
	s21 =	simm.s32 $0x4;
	[dreg:$0x17] =	wrdreg s25;
	s0 =	sadd.s32 $0x6000, s8  }
.LBB2_1:
0x26: {  	s23 =	simm.s32 $0x100;
	s22 =	simm.s32 $0x0  }
.LBB2_2:
0x27: {  	p0 =	sne.s32 s23, $0x1F00;
	[tilespmem:s22+$0x9030] =	vst v0;
	s24 =	smov.u32 s23;
	s23 =	sadd.s32 $0x100, s23  }
.Ltmp0:
0x28: {  	[tilespmem:s22+$0x9020] =	vst v0;
	(pc) =	sbr.rel @p0 .LBB2_2-.Ltmp0, $3  }
0x29: {  	[tilespmem:s22+$0x9000] =	vst v0  }
0x2a: {  	[tilespmem:s22+$0x9010] =	vst v0;
	_ =	sdelay $0x1  }
0x2b: {  	s22 =	sshra.s32 s24, $0x2  }
0x2c: {  	[tilespmem:s22+$0x9030] =	vst v0  }
0x2d: {  	[tilespmem:s22+$0x9020] =	vst v0  }
0x2e: {  	[tilespmem:s22+$0x9000] =	vst v0  }
0x2f: {  	[tilespmem:s22+$0x9010] =	vst v0;
	s23 =	simm.s32 $0x0;
	s24 =	rddreg [dreg:$0x5]  }
0x30: {  	[tilespmem:s23], [sflag:$0x5] =	stream.linear.gather [hbm4b:s24+s23], $0x2800, $0x38;
	[tilespmem:$0x1D800] =	vst v63  }
0x31: {  	_ =	swait.ge [sflag:s13], $0x2800  }
0x32: {  	[sflag:s13] =	ssyncset.done $0x0  }
0x33: {  	s24 =	simm.s32 $0x2800;
	s25 =	rddreg [dreg:$0x6];
	[sflag:s13] =	ssyncadd.s32 $0xFFFFD800  }
0x34: {  	[tilespmem:s24], [sflag:$0x5] =	stream.linear.gather [hbm4b:s25+s23], $0x2800, $0x38;
	[tilespmem:$0x1D800] =	vst v63  }
0x35: {  	s24 =	stileid.u32;
	_ =	swait.ge [sflag:s13], $0x2800  }
0x36: {  	s22 =	sshll.u32 s24, $0x6;
	[sflag:s13] =	ssyncset.done $0x0;
	s24 =	rddreg [dreg:$0x7]  }
0x37: {  	s22 =	sor.u32 $0x1C05, s22;
	s25 =	rddreg [dreg:$0x13];
	[sflag:s13] =	ssyncadd.s32 $0xFFFFD800  }
0x38: {  	[spmem:s25], [sflag:s22] =	dma.local [hbm:s24], $0x1400  }
0x39: {  	_ =	swait.ge [sflag:s13], $0x1400  }
0x3a: {  	[sflag:s13] =	ssyncset.done $0x0  }
0x3b: {  	[sflag:s13] =	ssyncadd.s32 $0xFFFFEC00  }
0x3c: {  	[spmem:s8] =	stream.linear.scatter [tilespmem:s14], [sflag:$0x5], $0x800, $0x38;
	[tilespmem:$0x1D800] =	vst v63  }
0x3d: {  	_ =	swait.ge [sflag:s13], $0x800  }
0x3e: {  	[sflag:s13] =	ssyncset.done $0x0  }
0x3f: {  	s25 =	rddreg [dreg:$0xa];
	[sflag:s13] =	ssyncadd.s32 $0xFFFFF800  }
0x40: {  	[spmem:s25] =	stream.linear.scatter [tilespmem:s14], [sflag:$0x5], $0x800, $0x38;
	[tilespmem:$0x1D800] =	vst v63  }
0x41: {  	_ =	swait.ge [sflag:s13], $0x800  }
0x42: {  	[sflag:s13] =	ssyncset.done $0x0  }
0x43: {  	s25 =	rddreg [dreg:$0xb];
	[sflag:s13] =	ssyncadd.s32 $0xFFFFF800  }
0x44: {  	[spmem:s25] =	stream.linear.scatter [tilespmem:s14], [sflag:$0x5], $0x800, $0x38;
	[tilespmem:$0x1D800] =	vst v63  }
0x45: {  	_ =	swait.ge [sflag:s13], $0x800  }
0x46: {  	[sflag:s13] =	ssyncset.done $0x0  }
0x47: {  	s25 =	rddreg [dreg:$0xc];
	[sflag:s13] =	ssyncadd.s32 $0xFFFFF800  }
0x48: {  	[spmem:s25] =	stream.linear.scatter [tilespmem:s14], [sflag:$0x5], $0x800, $0x38;
	[tilespmem:$0x1D800] =	vst v63  }
0x49: {  	_ =	swait.ge [sflag:s13], $0x800  }
0x4a: {  	[sflag:s13] =	ssyncset.done $0x0  }
0x4b: {  	s25 =	rddreg [dreg:$0xd];
	[sflag:s13] =	ssyncadd.s32 $0xFFFFF800  }
0x4c: {  	[spmem:s25] =	stream.linear.scatter [tilespmem:s14], [sflag:$0x5], $0x800, $0x38;
	[tilespmem:$0x1D800] =	vst v63  }
0x4d: {  	_ =	swait.ge [sflag:s13], $0x800  }
0x4e: {  	[sflag:s13] =	ssyncset.done $0x0  }
0x4f: {  	s25 =	rddreg [dreg:$0x12];
	[sflag:s13] =	ssyncadd.s32 $0xFFFFF800  }
0x50: {  	[spmem:s25] =	stream.linear.scatter [tilespmem:s14], [sflag:$0x5], $0x800, $0x38;
	[tilespmem:$0x1D800] =	vst v63  }
0x51: {  	_ =	swait.ge [sflag:s13], $0x800  }
0x52: {  	[sflag:s13] =	ssyncset.done $0x0  }
0x53: {  	[sflag:s13] =	ssyncadd.s32 $0xFFFFF800  }
0x54: {  	[spmem:s26] =	stream.linear.scatter [tilespmem:s14], [sflag:$0x5], $0x800, $0x38;
	[tilespmem:$0x1D800] =	vst v63  }
0x55: {  	_ =	swait.ge [sflag:s13], $0x800  }
0x56: {  	[sflag:s13] =	ssyncset.done $0x0  }
0x57: {  	[sflag:s13] =	ssyncadd.s32 $0xFFFFF800  }
0x58: {  	[spmem:s28] =	stream.linear.scatter [tilespmem:s14], [sflag:$0x5], $0x800, $0x38;
	[tilespmem:$0x1D800] =	vst v63  }
0x59: {  	_ =	swait.ge [sflag:s13], $0x800  }
0x5a: {  	[sflag:s13] =	ssyncset.done $0x0  }
0x5b: {  	[sflag:s13] =	ssyncadd.s32 $0xFFFFF800  }
0x5c: {  	[spmem:s29] =	stream.linear.scatter [tilespmem:s14], [sflag:$0x5], $0x800, $0x38;
	[tilespmem:$0x1D800] =	vst v63  }
0x5d: {  	_ =	swait.ge [sflag:s13], $0x800  }
0x5e: {  	[sflag:s13] =	ssyncset.done $0x0  }
0x5f: {  	[sflag:s13] =	ssyncadd.s32 $0xFFFFF800  }
0x60: {  	[spmem:s30] =	stream.linear.scatter [tilespmem:s14], [sflag:$0x5], $0x800, $0x38;
	[tilespmem:$0x1D800] =	vst v63  }
0x61: {  	_ =	swait.ge [sflag:s13], $0x800  }
0x62: {  	[sflag:s13] =	ssyncset.done $0x0  }
0x63: {  	[sflag:s13] =	ssyncadd.s32 $0xFFFFF800  }
0x64: {  	[spmem:s31] =	stream.linear.scatter [tilespmem:s14], [sflag:$0x5], $0x800, $0x38;
	[tilespmem:$0x1D800] =	vst v63  }
0x65: {  	_ =	swait.ge [sflag:s13], $0x800  }
0x66: {  	[sflag:s13] =	ssyncset.done $0x0  }
0x67: {  	[sflag:s13] =	ssyncadd.s32 $0xFFFFF800  }
0x68: {  	[spmem:s1] =	stream.linear.scatter [tilespmem:s14], [sflag:$0x5], $0x800, $0x38;
	[tilespmem:$0x1D800] =	vst v63  }
0x69: {  	_ =	swait.ge [sflag:s13], $0x800  }
0x6a: {  	[sflag:s13] =	ssyncset.done $0x0  }
0x6b: {  	[sflag:s13] =	ssyncadd.s32 $0xFFFFF800  }
0x6c: {  	[spmem:s0] =	stream.linear.scatter [tilespmem:s14], [sflag:$0x5], $0x800, $0x38;
	[tilespmem:$0x1D800] =	vst v63  }
0x6d: {  	_ =	swait.ge [sflag:s13], $0x800  }
0x6e: {  	[sflag:s13] =	ssyncset.done $0x0  }
0x6f: {  	[sflag:s13] =	ssyncadd.s32 $0xFFFFF800  }
0x70: {  	[spmem:s5] =	stream.linear.scatter [tilespmem:s14], [sflag:$0x5], $0x800, $0x38;
	[tilespmem:$0x1D800] =	vst v63  }
0x71: {  	_ =	swait.ge [sflag:s13], $0x800  }
0x72: {  	[sflag:s13] =	ssyncset.done $0x0  }
0x73: {  	[sflag:s13] =	ssyncadd.s32 $0xFFFFF800  }
0x74: {  	[spmem:s6] =	stream.linear.scatter [tilespmem:s14], [sflag:$0x5], $0x800, $0x38;
	[tilespmem:$0x1D800] =	vst v63  }
0x75: {  	_ =	swait.ge [sflag:s13], $0x800  }
0x76: {  	[sflag:s13] =	ssyncset.done $0x0  }
0x77: {  	[sflag:s13] =	ssyncadd.s32 $0xFFFFF800  }
0x78: {  	[spmem:s7] =	stream.linear.scatter [tilespmem:s14], [sflag:$0x5], $0x800, $0x38;
	[tilespmem:$0x1D800] =	vst v63  }
0x79: {  	_ =	swait.ge [sflag:s13], $0x800  }
0x7a: {  	[sflag:s13] =	ssyncset.done $0x0  }
0x7b: {  	[sflag:s13] =	ssyncadd.s32 $0xFFFFF800  }
0x7c: {  	[spmem:s9] =	stream.linear.scatter [tilespmem:s14], [sflag:$0x5], $0x800, $0x38;
	[tilespmem:$0x1D800] =	vst v63  }
0x7d: {  	_ =	swait.ge [sflag:s13], $0x800  }
0x7e: {  	[sflag:s13] =	ssyncset.done $0x0  }
0x7f: {  	[sflag:s13] =	ssyncadd.s32 $0xFFFFF800  }
0x80: {  	[spmem:s10] =	stream.linear.scatter [tilespmem:s14], [sflag:$0x5], $0x800, $0x38;
	[tilespmem:$0x1D800] =	vst v63  }
0x81: {  	_ =	swait.ge [sflag:s13], $0x800  }
0x82: {  	[sflag:s13] =	ssyncset.done $0x0  }
0x83: {  	[sflag:s13] =	ssyncadd.s32 $0xFFFFF800  }
0x84: {  	[spmem:s11] =	stream.linear.scatter [tilespmem:s14], [sflag:$0x5], $0x800, $0x38;
	[tilespmem:$0x1D800] =	vst v63  }
0x85: {  	_ =	swait.ge [sflag:s13], $0x800  }
0x86: {  	[sflag:s13] =	ssyncset.done $0x0  }
0x87: {  	[sflag:s13] =	ssyncadd.s32 $0xFFFFF800  }
0x88: {  	[spmem:s12] =	stream.linear.scatter [tilespmem:s14], [sflag:$0x5], $0x800, $0x38;
	[tilespmem:$0x1D800] =	vst v63  }
0x89: {  	_ =	swait.ge [sflag:s13], $0x800  }
0x8a: {  	[sflag:s13] =	ssyncset.done $0x0  }
0x8b: {  	[sflag:s13] =	ssyncadd.s32 $0xFFFFF800  }
0x8c: {  	[bflag:$0x0] =	sbarrier.arrive $0xFFFF  }
0x8d: {  	[tilespmem:s16], [sflag:$0x1] =	stream.indirect.gather [spmem:s2], $0x40, s23, s15, $0xb8;
	[tilespmem:$0x1D800] =	vst v63  }
0x8e: {  	_ = 	snop  }
0x8f: {  	[tilespmem:s17], [sflag:$0x2] =	stream.indirect.gather [spmem:s2], $0x40, s15, s15, $0xb8;
	[tilespmem:$0x1D800] =	vst v63  }
0x90: {  	_ =	swait.ge [sflag:s18], $0x2000  }
0x91: {  	[sflag:s18] =	ssyncset.done $0x0  }
0x92: {  	s25 =	simm.s32 $0x2800;
	[sflag:s18] =	ssyncadd.s32 $0xFFFFE000  }
0x93: {  	[spmem:s3] =	stream.indirect.scatter.add.f32 [tilespmem:s16], [sflag:$0x3], $0x40, s25, s15, $0xb8;
	[tilespmem:$0x1D800] =	vst v63  }
0x94: {  	_ =	swait.ge [sflag:s19], $0x2000  }
0x95: {  	[sflag:s19] =	ssyncset.done $0x0  }
0x96: {  	s24 =	simm.s32 $0x2880;
	[sflag:s19] =	ssyncadd.s32 $0xFFFFE000  }
0x97: {  	[spmem:s3] =	stream.indirect.scatter.add.f32 [tilespmem:s17], [sflag:$0x4], $0x40, s24, s15, $0xb8;
	[tilespmem:$0x1D800] =	vst v63  }
0x98: {  	_ =	swait.ge [sflag:s20], $0x2000  }
0x99: {  	[sflag:s20] =	ssyncset.done $0x0  }
0x9a: {  	s25 =	simm.s32 $0x100;
	[sflag:s20] =	ssyncadd.s32 $0xFFFFE000  }
0x9b: {  	[tilespmem:s16], [sflag:$0x1] =	stream.indirect.gather [spmem:s2], $0x40, s25, s15, $0xb8;
	[tilespmem:$0x1D800] =	vst v63  }
0x9c: {  	_ =	swait.ge [sflag:s21], $0x2000  }
0x9d: {  	[sflag:s21] =	ssyncset.done $0x0  }
0x9e: {  	s23 =	simm.s32 $0x400;
	s24 =	simm.s32 $0x180;
	[sflag:s21] =	ssyncadd.s32 $0xFFFFE000  }
.LBB2_4:
0x9f: {  	[tilespmem:s17], [sflag:$0x2] =	stream.indirect.gather [spmem:s2], $0x40, s24, s15, $0xb8;
	[tilespmem:$0x1D800] =	vst v63  }
0xa0: {  	s24 =	smov.u32 s23  }
0xa1: {  	p0 =	sne.s32 s23, $0x9800;
	s23 =	sadd.s32 $0x400, s23;
	_ =	swait.ge [sflag:s18], $0x2000  }
0xa2: {  	s24 =	sshra.s32 s24, $0x2;
	[sflag:s18] =	ssyncset.done $0x0  }
0xa3: {  	s25 =	sadd.s32 $0x2800, s24;
	[sflag:s18] =	ssyncadd.s32 $0xFFFFE000  }
0xa4: {  	[spmem:s3] =	stream.indirect.scatter.add.f32 [tilespmem:s16], [sflag:$0x3], $0x40, s25, s15, $0xb8;
	[tilespmem:$0x1D800] =	vst v63  }
0xa5: {  	_ =	swait.ge [sflag:s19], $0x2000  }
0xa6: {  	[sflag:s19] =	ssyncset.done $0x0  }
0xa7: {  	s25 =	sadd.s32 $0x2880, s24;
	[sflag:s19] =	ssyncadd.s32 $0xFFFFE000  }
0xa8: {  	[spmem:s3] =	stream.indirect.scatter.add.f32 [tilespmem:s17], [sflag:$0x4], $0x40, s25, s15, $0xb8;
	[tilespmem:$0x1D800] =	vst v63  }
0xa9: {  	_ =	swait.ge [sflag:s20], $0x2000  }
0xaa: {  	[sflag:s20] =	ssyncset.done $0x0  }
.Ltmp1:
0xab: {  	s25 =	sadd.s32 $0x100, s24;
	[sflag:s20] =	ssyncadd.s32 $0xFFFFE000;
	(pc) =	sbr.rel @p0 .LBB2_4-.Ltmp1, $4  }
0xac: {  	[tilespmem:s16], [sflag:$0x1] =	stream.indirect.gather [spmem:s2], $0x40, s25, s15, $0xb8;
	[tilespmem:$0x1D800] =	vst v63  }
0xad: {  	_ =	swait.ge [sflag:s21], $0x2000  }
0xae: {  	[sflag:s21] =	ssyncset.done $0x0  }
0xaf: {  	s24 =	sadd.s32 $0x180, s24;
	[sflag:s21] =	ssyncadd.s32 $0xFFFFE000  }
0xb0: {  	[tilespmem:s17], [sflag:$0x2] =	stream.indirect.gather [spmem:s2], $0x40, s24, s15, $0xb8;
	[tilespmem:$0x1D800] =	vst v63  }
0xb1: {  	_ =	swait.ge [sflag:s18], $0x2000  }
0xb2: {  	[sflag:s18] =	ssyncset.done $0x0  }
0xb3: {  	s23 =	simm.s32 $0x4F00;
	[sflag:s18] =	ssyncadd.s32 $0xFFFFE000  }
0xb4: {  	[spmem:s3] =	stream.indirect.scatter.add.f32 [tilespmem:s16], [sflag:$0x3], $0x40, s23, s15, $0xb8;
	[tilespmem:$0x1D800] =	vst v63  }
0xb5: {  	_ =	swait.ge [sflag:s19], $0x2000  }
0xb6: {  	[sflag:s19] =	ssyncset.done $0x0  }
0xb7: {  	s25 =	simm.s32 $0x4F80;
	[sflag:s19] =	ssyncadd.s32 $0xFFFFE000  }
0xb8: {  	[spmem:s3] =	stream.indirect.scatter.add.f32 [tilespmem:s17], [sflag:$0x4], $0x40, s25, s15, $0xb8;
	[tilespmem:$0x1D800] =	vst v63  }
0xb9: {  	_ =	swait.ge [sflag:s20], $0x2000  }
0xba: {  	[sflag:s20] =	ssyncset.done $0x0  }
0xbb: {  	[sflag:s20] =	ssyncadd.s32 $0xFFFFE000  }
0xbc: {  	_ =	swait.ge [sflag:s21], $0x2000  }
0xbd: {  	[sflag:s21] =	ssyncset.done $0x0  }
0xbe: {  	[sflag:s21] =	ssyncadd.s32 $0xFFFFE000  }
0xbf: {  	[bflag:$0x0] =	sbarrier.arrive $0xFFFF  }
0xc0: {  	s24 =	rddreg [dreg:$0x8]  }
0xc1: {  	s25 =	rddreg [dreg:$0x14]  }
0xc2: {  	[hbm:s24], [sflag:s22] =	dma.local [spmem:s25], $0x400  }
0xc3: {  	_ =	swait.ge [sflag:s13], $0x400  }
0xc4: {  	[sflag:s13] =	ssyncset.done $0x0;
	s24 =	rddreg [dreg:$0xe]  }
0xc5: {  	s25 =	rddreg [dreg:$0x15];
	[sflag:s13] =	ssyncadd.s32 $0xFFFFFC00  }
0xc6: {  	[hbm:s24], [sflag:s22] =	dma.local [spmem:s25], $0x400  }
0xc7: {  	_ =	swait.ge [sflag:s13], $0x400  }
0xc8: {  	[sflag:s13] =	ssyncset.done $0x0;
	s24 =	rddreg [dreg:$0xf]  }
0xc9: {  	s25 =	rddreg [dreg:$0x16];
	[sflag:s13] =	ssyncadd.s32 $0xFFFFFC00  }
0xca: {  	[hbm:s24], [sflag:s22] =	dma.local [spmem:s25], $0x400  }
0xcb: {  	_ =	swait.ge [sflag:s13], $0x400  }
0xcc: {  	[sflag:s13] =	ssyncset.done $0x0;
	s24 =	rddreg [dreg:$0x10]  }
0xcd: {  	s25 =	rddreg [dreg:$0x17];
	[sflag:s13] =	ssyncadd.s32 $0xFFFFFC00  }
0xce: {  	[hbm:s24], [sflag:s22] =	dma.local [spmem:s25], $0x400  }
0xcf: {  	_ =	swait.ge [sflag:s13], $0x400  }
0xd0: {  	[sflag:s13] =	ssyncset.done $0x0;
	s24 =	rddreg [dreg:$0x11]  }
0xd1: {  	s25 =	rddreg [dreg:$0x18];
	[sflag:s13] =	ssyncadd.s32 $0xFFFFFC00  }
0xd2: {  	[hbm:s24], [sflag:s22] =	dma.local [spmem:s25], $0x400  }
0xd3: {  	_ =	swait.ge [sflag:s13], $0x400  }
0xd4: {  	s4 =	sadd.s32 $0x1, s4;
	s25 =	rddreg [dreg:$0x9]  }
0xd5: {  	p0 =	sne.s32 s4, s25  }
.Ltmp2:
0xd6: {  	_ = 	snop;
	(pc) =	sbr.rel @p0 .LBB2_1-.Ltmp2, $3  }
0xd7: {  	_ =	sdelay $0x1  }
0xd8: {  	[sflag:s13] =	ssyncset.done $0x0  }
0xd9: {  	[sflag:s13] =	ssyncadd.s32 $0xFFFFFC00  }
0xda: {  	_ =	sfence.sel $0x180000  }
0xdb: {  	[bflag:$0x0] =	sbarrier.arrive $0xFFFF  }
0xdc: {  	_ =	strace $0x9000004D  }
0xdd: {  	s0 =	stileid.u32;
	[bflag:$0x2] =	sbarrier.arrive $0xFFFF  }
0xde: {  	p0 =	sne.s32 s0, $0x0;
	s0 =	rddreg [dreg:$0x4]  }
0xdf: {  	s0 =	sadd.s32 @!p0 $0x100000, s0  }
0xe0: {  	[sflag:s0] =	ssyncadd.tile.s32 @!p0 $0x1;
	_ =	shalt  }
.Lfunc_end2:
_tile_overlayer_lowered:
.L_overlay_start_2:
0xe1: {  	(tag) =	ssettag $0x2  }
0xe2: {  	s0 =	rddreg [dreg:$0x0];
	s2 =	stileid.u32  }
0xe3: {  	s1 =	rddreg [dreg:$0x1];
	p0 =	sne.s32 s2, $0x0  }
0xe4: {  	s3 =	rddreg [dreg:$0x2];
	[bflag:$0x3] =	sbarrier.arrive $0xFFFF;
	s2 =	simm.s32 @!p0 $0x1C05  }
0xe5: {  	[timem:s3], [sflag:s2] =	dma.local @!p0 [hbm:s0], s1  }
0xe6: {  	s0 =	simm.s32 @!p0 $0x5  }
0xe7: {  	_ =	swait.ge @!p0 [sflag:s0], s1  }
0xe8: {  	s1 =	ssub.s32 @!p0 $0x0, s1;
	[sflag:s0] =	ssyncset.done @!p0 $0x0  }
0xe9: {  	[sflag:s0] =	ssyncadd.s32 @!p0 s1  }
0xea: {  	[bflag:$0x3] =	sbarrier.arrive $0xFFFF  }
0xeb: {  	_ =	shalt  }

// kernel: _run.20.cloned.1.call-start
scs
__scs_entry_jumppad:
0x0: {  	(pc) =	sbr.rel $0x88, $3  }
0x1: {  	(tag) =	ssettag $0x0;
	lr =	simm.s32 $0x1  }
0x2: {  	[smem:$0x3F9B] =	sst lr;
	_ =	strace $0xD0000000  }
0x3: {  	_ = 	snop  }
0x4: {  	_ = 	snop  }
0x5: {  	_ = 	snop  }
0x6: {  	_ = 	snop  }
0x7: {  	_ = 	snop  }
__scs_overlays_trampoline_lowered:
0x8: {  	[smem:$0x3FAA] =	sst s0  }
0x9: {  	[smem:$0x3FAB] =	sst s1  }
0xa: {  	[smem:$0x3FAC] =	sst s2  }
0xb: {  	[smem:$0x3FAD] =	sst s3  }
0xc: {  	[smem:$0x3FAE] =	sst s4  }
0xd: {  	[smem:$0x3FAF] =	sst s5  }
0xe: {  	[smem:$0x3FB0] =	sst s6  }
0xf: {  	[smem:$0x3FB1] =	sst s7  }
0x10: {  	[smem:$0x3FB2] =	sst s8  }
0x11: {  	[smem:$0x3FB3] =	sst s9;
	s0 =	simm.s32 @!p0 $0x0  }
0x12: {  	s1 =	sld [smem:$0x3F99];
	s0 =	simm.s32 @p0 $0x1  }
0x13: {  	[smem:$0x3FB4] =	sst s0;
	s0 =	simm.s32 @!p1 $0x0  }
0x14: {  	s2 =	sld [smem:$0x3F98];
	s0 =	simm.s32 @p1 $0x1  }
0x15: {  	[smem:$0x3FB5] =	sst s0;
	s0 =	simm.s32 @!p2 $0x0  }
0x16: {  	s3 =	sld [smem:$0x3FDB];
	s0 =	simm.s32 @p2 $0x1  }
0x17: {  	s4 =	simm.s32 $0x1BF5;
	[smem:$0x3FB7] =	sst s0  }
0x18: {  	s0 =	sld [smem:$0x3F9A];
	_ =	swait.ge [sflag:s4], $0x0  }
0x19: {  	s7 =	sld [smem:$0x3F9B]  }
0x1a: {  	s8 =	sadd.s32 $0xFFFFE003, lr  }
0x1b: {  	s9 =	sadd.s32 $0xFFFFFEF7, lr;
	s5 =	simm.s32 $0xFFFFFFFF;
	p2 =	slt.u32 s8, $0xFFFFF086  }
0x1c: {  	p1 =	slt.u32 s9, $0xF7A;
	s5 =	simm.s32 @!p2 $0x0  }
0x1d: {  	s5 =	simm.s32 @p1 $0x1;
	p0 =	seq.s32 s7, s2  }
0x1e: {  	s7 =	smul.u32 @!p0 $0xF7A, s2;
	p2 =	seq.s32 @!p0 s5, $0x0  }
0x1f: {  	s9 =	smul.u32 $0xF7A, s1;
	s8 =	simm.s32 @!p0 $0x1BF5;
	p2 =	por !p2, p0  }
0x20: {  	[sflag:s8] =	ssyncset.s32 @!p0 $0xFFFFF086;
	s6 =	sadd.s32 @!p0 s3, s7;
	s7 =	simm.s32 @!p0 $0x108  }
0x21: {  	s3 =	sadd.s32 s3, s9;
	s6 =	sadd.s32 @!p0 $0x88, s6;
	s7 =	simm.s32 @p2 $0x1082  }
0x22: {  	[simem:s7], [sflag:s8] =	dma.local @!p0 [hbm:s6], $0xF7A  }
0x23: {  	s9 =	sor.u32 $0xD0000000, s2;
	s6 =	simm.s32 $0x108;
	_ =	swait.ge @!p0 [sflag:s8], $0x0  }
0x24: {  	s3 =	sadd.s32 $0x88, s3;
	s6 =	simm.s32 @!p1 $0x1082;
	[sflag:s4] =	ssyncset.s32 $0xFFFFF086  }
0x25: {  	[simem:s6], [sflag:s4] =	dma.local [hbm:s3], $0xF7A  }
0x26: {  	[smem:$0x3F9B] =	sst s1;
	(tag) =	ssettag s2;
	_ =	strace s9  }
0x27: {  	s1 =	sld [smem:$0x3FAB]  }
0x28: {  	s2 =	sld [smem:$0x3FAC]  }
0x29: {  	s4 =	sld [smem:$0x3FAE]  }
0x2a: {  	p0 =	seq.s32 s5, $0x0;
	s5 =	sld [smem:$0x3FAF]  }
0x2b: {  	s6 =	sld [smem:$0x3FB0]  }
0x2c: {  	s7 =	sld [smem:$0x3FB1]  }
0x2d: {  	s3 =	simm.s32 $0x108;
	s8 =	sld [smem:$0x3FB2]  }
0x2e: {  	s3 =	simm.s32 @!p0 $0x1082;
	s9 =	sld [smem:$0x3FB3]  }
0x2f: {  	lr =	sadd.s32 s0, s3;
	s0 =	sld [smem:$0x3FAA]  }
0x30: {  	s3 =	sld [smem:$0x3FAD]  }
0x31: {  	[smem:$0x3FB6] =	sst s10  }
0x32: {  	s10 =	sld [smem:$0x3FB4];
	_ =	sdelay $0x3  }
0x33: {  	p0 =	seq.s32 s10, $0x1;
	s10 =	sld [smem:$0x3FB6];
	_ =	sdelay $0x3  }
0x34: {  	[smem:$0x3FB6] =	sst s10  }
0x35: {  	s10 =	sld [smem:$0x3FB5];
	_ =	sdelay $0x3  }
0x36: {  	p1 =	seq.s32 s10, $0x1;
	s10 =	sld [smem:$0x3FB6];
	_ =	sdelay $0x3  }
0x37: {  	[smem:$0x3FB6] =	sst s10  }
0x38: {  	s10 =	sld [smem:$0x3FB7]  }
0x39: {  	_ = 	snop;
	(pc) =	sbr.ind lr, $3  }
0x3a: {  	_ = 	snop  }
0x3b: {  	_ = 	snop  }
0x3c: {  	p2 =	seq.s32 s10, $0x1;
	s10 =	sld [smem:$0x3FB6]  }
0x3d: {  	_ =	shalt  }
0x3e: {  	_ =	shalt  }
0x3f: {  	_ =	shalt  }
0x40: {  	_ =	shalt  }
0x41: {  	_ =	shalt  }
0x42: {  	_ =	shalt  }
0x43: {  	_ =	shalt  }
0x44: {  	_ =	shalt  }
0x45: {  	_ =	shalt  }
0x46: {  	_ =	shalt  }
0x47: {  	_ =	shalt  }
0x48: {  	_ =	shalt  }
0x49: {  	_ =	shalt  }
0x4a: {  	_ =	shalt  }
0x4b: {  	_ =	shalt  }
0x4c: {  	_ =	shalt  }
0x4d: {  	_ =	shalt  }
0x4e: {  	_ =	shalt  }
0x4f: {  	_ =	shalt  }
0x50: {  	_ =	shalt  }
0x51: {  	_ =	shalt  }
0x52: {  	_ =	shalt  }
0x53: {  	_ =	shalt  }
0x54: {  	_ =	shalt  }
0x55: {  	_ =	shalt  }
0x56: {  	_ =	shalt  }
0x57: {  	_ =	shalt  }
0x58: {  	_ =	shalt  }
0x59: {  	_ =	shalt  }
0x5a: {  	_ =	shalt  }
0x5b: {  	_ =	shalt  }
0x5c: {  	_ =	shalt  }
0x5d: {  	_ =	shalt  }
0x5e: {  	_ =	shalt  }
0x5f: {  	_ =	shalt  }
0x60: {  	_ =	shalt  }
0x61: {  	_ =	shalt  }
0x62: {  	_ =	shalt  }
0x63: {  	_ =	shalt  }
0x64: {  	_ =	shalt  }
0x65: {  	_ =	shalt  }
0x66: {  	_ =	shalt  }
0x67: {  	_ =	shalt  }
0x68: {  	_ =	shalt  }
0x69: {  	_ =	shalt  }
0x6a: {  	_ =	shalt  }
0x6b: {  	_ =	shalt  }
0x6c: {  	_ =	shalt  }
0x6d: {  	_ =	shalt  }
0x6e: {  	_ =	shalt  }
0x6f: {  	_ =	shalt  }
0x70: {  	_ =	shalt  }
0x71: {  	_ =	shalt  }
0x72: {  	_ =	shalt  }
0x73: {  	_ =	shalt  }
0x74: {  	_ =	shalt  }
0x75: {  	_ =	shalt  }
0x76: {  	_ =	shalt  }
0x77: {  	_ =	shalt  }
0x78: {  	_ =	shalt  }
0x79: {  	_ =	shalt  }
0x7a: {  	_ =	shalt  }
0x7b: {  	_ =	shalt  }
0x7c: {  	_ =	shalt  }
0x7d: {  	_ =	shalt  }
0x7e: {  	_ =	shalt  }
0x7f: {  	_ =	shalt  }
0x80: {  	_ =	shalt  }
0x81: {  	_ =	shalt  }
0x82: {  	_ =	shalt  }
0x83: {  	_ =	shalt  }
0x84: {  	_ =	shalt  }
0x85: {  	_ =	shalt  }
0x86: {  	_ =	shalt  }
0x87: {  	_ =	shalt  }
.Lfunc_end0:
.L_simem_size_0:
called_computation.3_lowered:
.L_overlay_start_0:
0x88: {  	s2 =	sld [smem:$0x3FD9]  }
0x89: {  	s3 =	sld [smem:$0x3FFE];
	_ =	sdelay $0x1  }
0x8a: {  	s1 =	srdreg.scid  }
0x8b: {  	s0 =	sand.u32 $0x1, s1  }
0x8c: {  	s17 =	sshll.u32 s0, $0xA;
	s2 =	sadd.s32 s3, s2  }
0x8d: {  	s2 =	sadd.s32 s2, s17  }
0x8e: {  	[smem:$0x3FC2] =	sst s2  }
0x8f: {  	_ = 	snop  }
0x90: {  	s2 =	sld [smem:$0x3FD0];
	(tm) =	ssettm $0x1  }
0x91: {  	s18 =	sld [smem:$0x3FFB];
	_ =	sdelay $0x3  }
0x92: {  	_ =	strace s18  }
0x93: {  	s3 =	sld [smem:$0x3FFC];
	_ =	sdelay $0x3  }
0x94: {  	_ =	strace s3  }
0x95: {  	s3 =	sld [smem:$0x3FFD];
	_ =	sdelay $0x3  }
0x96: {  	_ =	strace s3  }
0x97: {  	_ =	strace $0x8FFFFFFF  }
0x98: {  	s19 =	sld [smem:$0x3FDB];
	_ =	sdelay $0x1  }
0x99: {  	s4 =	simm.s32 $_scs_section_size  }
0x9a: {  	s5 =	simm.s32 $_size__tile_overlayer_lowered;
	s6 =	simm.s32 $_tile_overlayer_lowered  }
0x9b: {  	s22 =	simm.s32 $0x1BFF;
	s21 =	sshll.u32 s6, $0x1;
	s3 =	sadd.s32 s4, s19  }
0x9c: {  	s7 =	simm.s32 $0x0;
	s20 =	sshll.u32 s5, $0x1;
	s5 =	sadd.s32 s21, s3  }
0x9d: {  	[timem:s7], [sflag:s22] =	dma.local [hbm:s5], s20  }
0x9e: {  	_ =	swait.ge [sflag:s22], s20  }
0x9f: {  	s4 =	ssub.s32 $0x0, s20;
	[sflag:s22] =	ssyncset.done $0x0  }
0xa0: {  	[sflag:s22] =	ssyncadd.s32 s4;
	_ =	sdelay $0x1  }
0xa1: {  	s23 =	simm.s32 $0x1B8B  }
0xa2: {  	_ =	swait.ge [sflag:s23], $0x1  }
0xa3: {  	[sflag:s23] =	ssyncset.done $0x0  }
0xa4: {  	s25 =	simm.s32 $0x1B8E;
	s24 =	sld [smem:$0x3FFE];
	[sflag:s23] =	ssyncadd.s32 $0xFFFFFFFF  }
0xa5: {  	s26 =	simm.s32 $execute0_lowered;
	[smem:$0x3FD2] =	sst s25  }
0xa6: {  	s5 =	sshll.u32 s26, $0x1;
	_ =	strace $0x8000004F;
	[dreg:$0x1] =	wrdreg $0xFFFFFFFF  }
0xa7: {  	s28 =	simm.s32 $_size_execute0_lowered;
	s3 =	sadd.s32 s3, s5;
	[dreg:$0x0] =	wrdreg $0x0  }
0xa8: {  	s5 =	sshll.u32 s28, $0x1;
	[dreg:$0x2] =	wrdreg s3  }
0xa9: {  	[dreg:$0x3] =	wrdreg s5  }
0xaa: {  	[dreg:$0x4] =	wrdreg $0xC0  }
0xab: {  	_ =	task [dreg:s7], $0x5FFFF  }
0xac: {  	[dreg:$0x1] =	wrdreg $0xFFFFFFFF  }
0xad: {  	[dreg:$0x0] =	wrdreg $0x60  }
0xae: {  	[dreg:$0x2] =	wrdreg s24  }
0xaf: {  	[dreg:$0x3] =	wrdreg s2  }
0xb0: {  	[dreg:$0x4] =	wrdreg $0x98000  }
0xb1: {  	[dreg:$0x5] =	wrdreg $0x138000  }
0xb2: {  	[dreg:$0x6] =	wrdreg $0x9  }
0xb3: {  	_ =	task.clear_ibuf [dreg:s7], $0x7FFFF;
	_ =	strace $0x9000004F  }
0xb4: {  	s29 =	simm.s32 $0x9;
	_ =	strace $0x80000051  }
0xb5: {  	_ =	swait.ge [sflag:s29], $0x1  }
0xb6: {  	[sflag:s29] =	ssyncadd.s32 $0xFFFFFFFF  }
0xb7: {  	_ =	strace $0x90000051  }
0xb8: {  	_ =	sfence  }
0xb9: {  	s30 =	sld [smem:$0x0];
	_ =	sdelay $0x2  }
0xba: {  	s31 =	sshll.u32 s1, $0xD;
	s1 =	sshrl.u32 s1, $0x2  }
0xbb: {  	s3 =	sand.u32 $0x4000, s31;
	s1 =	sadd.s32 s1, s30  }
0xbc: {  	s0 =	sor.u32 s3, s0;
	s1 =	sshll.u32 s1, $0x11  }
0xbd: {  	s0 =	sor.u32 s1, s0  }
0xbe: {  	s0 =	sadd.s32 $0x8F2B, s0  }
0xbf: {  	[sflag:s0] =	ssyncadd.remote.s32 $0x1  }
0xc0: {  	_ =	sfence.sel $0xFFFF  }
0xc1: {  	[dreg:$0x0] =	wrdreg $0xFFFFFFFF;
	(pc) =	sbr.abs _section_cstart, $3  }
0xc2: {  	[dreg:$0x1] =	wrdreg $0xFFFFFFFF  }
0xc3: {  	_ =	task.clear_ibuf [dreg:s7], $0x2FFFF;
	_ =	strace $0x9FFFFFFF  }
0xc4: {  	(tm) =	ssettm $0x7FFFFFFF  }
0xc5: {  	_ =	shalt  }
tec
execute0_lowered:
.L_overlay_start_1:
0x0: {  	(tag) =	ssettag $0x1  }
0x1: {  	s0 =	rddreg [dreg:$0x0];
	s1 =	srdreg.scid  }
0x2: {  	s11 =	stileid.u32;
	s5 =	rddreg [dreg:$0x1]  }
0x3: {  	s2 =	rddreg [dreg:$0x2];
	s7 =	smul.u32 $0xA000, s11  }
0x4: {  	s1 =	sand.u32 $0x1, s1;
	s3 =	sshll.u32 s11, $0x1;
	s11 =	smul.u32 $0x28000, s11  }
0x5: {  	s4 =	sor.u32 s1, s3;
	s10 =	ssub.s32 $0x2, s1;
	s1 =	smul.u32 $0xA0000, s1  }
0x6: {  	s3 =	rddreg [dreg:$0x3];
	s6 =	smul.u32 $0x500, s4;
	s4 =	simm.s32 $0x0  }
0x7: {  	s9 =	sshrl.u32 s7, $0x3;
	s12 =	sshrl.u32 s10, $0x1;
	s14 =	sshrl.u32 s11, $0x2  }
0x8: {  	s19 =	sadd.s32 $0x2000, s7;
	s25 =	sadd.s32 $0x4000, s7;
	s26 =	sadd.s32 $0x6000, s7  }
0x9: {  	s13 =	sadd.s32 $0x8000, s7;
	[smem:$0x7FF] =	sst s4;
	s9 =	sadd.s32 s9, s0  }
0xa: {  	s10 =	ssub.s32 s10, s12;
	s15 =	sadd.s32 s1, s7;
	s22 =	sadd.s32 s1, s19  }
0xb: {  	s19 =	sadd.s32 s19, s3;
	_ =	strace $0x80000050;
	s8 =	sadd.s32 s6, s0  }
0xc: {  	s0 =	sadd.s32 $0x34600, s0;
	s5 =	sadd.s32 s5, s6;
	s16 =	sadd.s32 $0x1C00, s9  }
0xd: {  	s17 =	sshrl.u32 s15, $0x3;
	s18 =	smax.u32 s10, $0x1;
	s9 =	sshrl.u32 s22, $0x3  }
0xe: {  	s15 =	sadd.s32 s1, s26;
	s22 =	sadd.s32 s13, s3;
	[dreg:$0x6] =	wrdreg s5  }
0xf: {  	s8 =	sadd.s32 $0x2A600, s8;
	s5 =	sadd.s32 s7, s2;
	[dreg:$0x7] =	wrdreg s16  }
0x10: {  	s6 =	sadd.s32 s0, s17;
	[dreg:$0x9] =	wrdreg s18;
	s9 =	sadd.s32 s0, s9  }
0x11: {  	s12 =	sshrl.u32 s15, $0x3;
	s18 =	sadd.s32 s7, s3;
	[dreg:$0x5] =	wrdreg s8  }
0x12: {  	s15 =	simm.s32 $0x80;
	s8 =	sadd.s32 s14, s3;
	[dreg:$0x8] =	wrdreg s6  }
0x13: {  	[dreg:$0xe] =	wrdreg s9;
	s14 =	sadd.s32 s1, s25;
	s1 =	sadd.s32 s1, s13  }
0x14: {  	s16 =	sadd.s32 s0, s12;
	s5 =	sshrl.u32 s5, $0x3;
	s13 =	simm.s32 $0x5  }
0x15: {  	s20 =	sadd.s32 $0x800, s8;
	s21 =	sadd.s32 $0x1000, s8;
	s23 =	sadd.s32 $0x1800, s8  }
0x16: {  	s24 =	sadd.s32 $0x2000, s8;
	s11 =	sshrl.u32 s14, $0x3;
	[dreg:$0x10] =	wrdreg s16  }
0x17: {  	s1 =	sshrl.u32 s1, $0x3;
	s17 =	sadd.s32 $0x2800, s8;
	[dreg:$0x13] =	wrdreg s5  }
0x18: {  	s28 =	sadd.s32 $0x3800, s8;
	s29 =	sadd.s32 $0x4000, s8;
	s30 =	sadd.s32 $0x4800, s8  }
0x19: {  	s31 =	sadd.s32 $0x5000, s8;
	s5 =	sadd.s32 $0x6800, s8;
	s6 =	sadd.s32 $0x7000, s8  }
0x1a: {  	s7 =	sadd.s32 $0x7800, s8;
	s9 =	sadd.s32 $0x8000, s8;
	[dreg:$0xa] =	wrdreg s20  }
0x1b: {  	s10 =	sadd.s32 $0x8800, s8;
	s12 =	sadd.s32 $0x9800, s8;
	[dreg:$0xb] =	wrdreg s21  }
0x1c: {  	s14 =	simm.s32 $0x9000;
	s16 =	simm.s32 $0x5000;
	[dreg:$0xc] =	wrdreg s23  }
0x1d: {  	[dreg:$0xd] =	wrdreg s24;
	s11 =	sadd.s32 s0, s11;
	s0 =	sadd.s32 s0, s1  }
0x1e: {  	[dreg:$0x12] =	wrdreg s17;
	s20 =	sadd.s32 s25, s3;
	s21 =	sadd.s32 s26, s3  }
0x1f: {  	s23 =	sshrl.u32 s19, $0x3;
	s26 =	sshrl.u32 s22, $0x3;
	[dreg:$0xf] =	wrdreg s11  }
0x20: {  	s1 =	sadd.s32 $0x5800, s8;
	s17 =	simm.s32 $0x7000;
	[dreg:$0x11] =	wrdreg s0  }
0x21: {  	s19 =	simm.s32 $0x2;
	s0 =	sshrl.u32 s18, $0x3;
	[dreg:$0x15] =	wrdreg s23  }
0x22: {  	s24 =	sshrl.u32 s20, $0x3;
	s25 =	sshrl.u32 s21, $0x3;
	[dreg:$0x18] =	wrdreg s26  }
0x23: {  	s26 =	sadd.s32 $0x3000, s8;
	s11 =	sadd.s32 $0x9000, s8;
	[dreg:$0x14] =	wrdreg s0  }
0x24: {  	s18 =	simm.s32 $0x1;
	s20 =	simm.s32 $0x3;
	[dreg:$0x16] =	wrdreg s24  }
0x25: {  	v0 =	vimm.f32 $0.0e+00;
	s21 =	simm.s32 $0x4;
	[dreg:$0x17] =	wrdreg s25;
	s0 =	sadd.s32 $0x6000, s8  }
.LBB2_1:
0x26: {  	s23 =	simm.s32 $0x100;
	s22 =	simm.s32 $0x0  }
.LBB2_2:
0x27: {  	p0 =	sne.s32 s23, $0x1F00;
	[tilespmem:s22+$0x9030] =	vst v0;
	s24 =	smov.u32 s23;
	s23 =	sadd.s32 $0x100, s23  }
.Ltmp0:
0x28: {  	[tilespmem:s22+$0x9020] =	vst v0;
	(pc) =	sbr.rel @p0 .LBB2_2-.Ltmp0, $3  }
0x29: {  	[tilespmem:s22+$0x9000] =	vst v0  }
0x2a: {  	[tilespmem:s22+$0x9010] =	vst v0;
	_ =	sdelay $0x1  }
0x2b: {  	s22 =	sshra.s32 s24, $0x2  }
0x2c: {  	[tilespmem:s22+$0x9030] =	vst v0  }
0x2d: {  	[tilespmem:s22+$0x9020] =	vst v0  }
0x2e: {  	[tilespmem:s22+$0x9000] =	vst v0  }
0x2f: {  	[tilespmem:s22+$0x9010] =	vst v0;
	s23 =	simm.s32 $0x0;
	s24 =	rddreg [dreg:$0x5]  }
0x30: {  	[tilespmem:s23], [sflag:$0x5] =	stream.linear.gather [hbm4b:s24+s23], $0x2800, $0x38;
	[tilespmem:$0x1D800] =	vst v63  }
0x31: {  	_ =	swait.ge [sflag:s13], $0x2800  }
0x32: {  	[sflag:s13] =	ssyncset.done $0x0  }
0x33: {  	s24 =	simm.s32 $0x2800;
	s25 =	rddreg [dreg:$0x6];
	[sflag:s13] =	ssyncadd.s32 $0xFFFFD800  }
0x34: {  	[tilespmem:s24], [sflag:$0x5] =	stream.linear.gather [hbm4b:s25+s23], $0x2800, $0x38;
	[tilespmem:$0x1D800] =	vst v63  }
0x35: {  	s24 =	stileid.u32;
	_ =	swait.ge [sflag:s13], $0x2800  }
0x36: {  	s22 =	sshll.u32 s24, $0x6;
	[sflag:s13] =	ssyncset.done $0x0;
	s24 =	rddreg [dreg:$0x7]  }
0x37: {  	s22 =	sor.u32 $0x1C05, s22;
	s25 =	rddreg [dreg:$0x13];
	[sflag:s13] =	ssyncadd.s32 $0xFFFFD800  }
0x38: {  	[spmem:s25], [sflag:s22] =	dma.local [hbm:s24], $0x1400  }
0x39: {  	_ =	swait.ge [sflag:s13], $0x1400  }
0x3a: {  	[sflag:s13] =	ssyncset.done $0x0  }
0x3b: {  	[sflag:s13] =	ssyncadd.s32 $0xFFFFEC00  }
0x3c: {  	[spmem:s8] =	stream.linear.scatter [tilespmem:s14], [sflag:$0x5], $0x800, $0x38;
	[tilespmem:$0x1D800] =	vst v63  }
0x3d: {  	_ =	swait.ge [sflag:s13], $0x800  }
0x3e: {  	[sflag:s13] =	ssyncset.done $0x0  }
0x3f: {  	s25 =	rddreg [dreg:$0xa];
	[sflag:s13] =	ssyncadd.s32 $0xFFFFF800  }
0x40: {  	[spmem:s25] =	stream.linear.scatter [tilespmem:s14], [sflag:$0x5], $0x800, $0x38;
	[tilespmem:$0x1D800] =	vst v63  }
0x41: {  	_ =	swait.ge [sflag:s13], $0x800  }
0x42: {  	[sflag:s13] =	ssyncset.done $0x0  }
0x43: {  	s25 =	rddreg [dreg:$0xb];
	[sflag:s13] =	ssyncadd.s32 $0xFFFFF800  }
0x44: {  	[spmem:s25] =	stream.linear.scatter [tilespmem:s14], [sflag:$0x5], $0x800, $0x38;
	[tilespmem:$0x1D800] =	vst v63  }
0x45: {  	_ =	swait.ge [sflag:s13], $0x800  }
0x46: {  	[sflag:s13] =	ssyncset.done $0x0  }
0x47: {  	s25 =	rddreg [dreg:$0xc];
	[sflag:s13] =	ssyncadd.s32 $0xFFFFF800  }
0x48: {  	[spmem:s25] =	stream.linear.scatter [tilespmem:s14], [sflag:$0x5], $0x800, $0x38;
	[tilespmem:$0x1D800] =	vst v63  }
0x49: {  	_ =	swait.ge [sflag:s13], $0x800  }
0x4a: {  	[sflag:s13] =	ssyncset.done $0x0  }
0x4b: {  	s25 =	rddreg [dreg:$0xd];
	[sflag:s13] =	ssyncadd.s32 $0xFFFFF800  }
0x4c: {  	[spmem:s25] =	stream.linear.scatter [tilespmem:s14], [sflag:$0x5], $0x800, $0x38;
	[tilespmem:$0x1D800] =	vst v63  }
0x4d: {  	_ =	swait.ge [sflag:s13], $0x800  }
0x4e: {  	[sflag:s13] =	ssyncset.done $0x0  }
0x4f: {  	s25 =	rddreg [dreg:$0x12];
	[sflag:s13] =	ssyncadd.s32 $0xFFFFF800  }
0x50: {  	[spmem:s25] =	stream.linear.scatter [tilespmem:s14], [sflag:$0x5], $0x800, $0x38;
	[tilespmem:$0x1D800] =	vst v63  }
0x51: {  	_ =	swait.ge [sflag:s13], $0x800  }
0x52: {  	[sflag:s13] =	ssyncset.done $0x0  }
0x53: {  	[sflag:s13] =	ssyncadd.s32 $0xFFFFF800  }
0x54: {  	[spmem:s26] =	stream.linear.scatter [tilespmem:s14], [sflag:$0x5], $0x800, $0x38;
	[tilespmem:$0x1D800] =	vst v63  }
0x55: {  	_ =	swait.ge [sflag:s13], $0x800  }
0x56: {  	[sflag:s13] =	ssyncset.done $0x0  }
0x57: {  	[sflag:s13] =	ssyncadd.s32 $0xFFFFF800  }
0x58: {  	[spmem:s28] =	stream.linear.scatter [tilespmem:s14], [sflag:$0x5], $0x800, $0x38;
	[tilespmem:$0x1D800] =	vst v63  }
0x59: {  	_ =	swait.ge [sflag:s13], $0x800  }
0x5a: {  	[sflag:s13] =	ssyncset.done $0x0  }
0x5b: {  	[sflag:s13] =	ssyncadd.s32 $0xFFFFF800  }
0x5c: {  	[spmem:s29] =	stream.linear.scatter [tilespmem:s14], [sflag:$0x5], $0x800, $0x38;
	[tilespmem:$0x1D800] =	vst v63  }
0x5d: {  	_ =	swait.ge [sflag:s13], $0x800  }
0x5e: {  	[sflag:s13] =	ssyncset.done $0x0  }
0x5f: {  	[sflag:s13] =	ssyncadd.s32 $0xFFFFF800  }
0x60: {  	[spmem:s30] =	stream.linear.scatter [tilespmem:s14], [sflag:$0x5], $0x800, $0x38;
	[tilespmem:$0x1D800] =	vst v63  }
0x61: {  	_ =	swait.ge [sflag:s13], $0x800  }
0x62: {  	[sflag:s13] =	ssyncset.done $0x0  }
0x63: {  	[sflag:s13] =	ssyncadd.s32 $0xFFFFF800  }
0x64: {  	[spmem:s31] =	stream.linear.scatter [tilespmem:s14], [sflag:$0x5], $0x800, $0x38;
	[tilespmem:$0x1D800] =	vst v63  }
0x65: {  	_ =	swait.ge [sflag:s13], $0x800  }
0x66: {  	[sflag:s13] =	ssyncset.done $0x0  }
0x67: {  	[sflag:s13] =	ssyncadd.s32 $0xFFFFF800  }
0x68: {  	[spmem:s1] =	stream.linear.scatter [tilespmem:s14], [sflag:$0x5], $0x800, $0x38;
	[tilespmem:$0x1D800] =	vst v63  }
0x69: {  	_ =	swait.ge [sflag:s13], $0x800  }
0x6a: {  	[sflag:s13] =	ssyncset.done $0x0  }
0x6b: {  	[sflag:s13] =	ssyncadd.s32 $0xFFFFF800  }
0x6c: {  	[spmem:s0] =	stream.linear.scatter [tilespmem:s14], [sflag:$0x5], $0x800, $0x38;
	[tilespmem:$0x1D800] =	vst v63  }
0x6d: {  	_ =	swait.ge [sflag:s13], $0x800  }
0x6e: {  	[sflag:s13] =	ssyncset.done $0x0  }
0x6f: {  	[sflag:s13] =	ssyncadd.s32 $0xFFFFF800  }
0x70: {  	[spmem:s5] =	stream.linear.scatter [tilespmem:s14], [sflag:$0x5], $0x800, $0x38;
	[tilespmem:$0x1D800] =	vst v63  }
0x71: {  	_ =	swait.ge [sflag:s13], $0x800  }
0x72: {  	[sflag:s13] =	ssyncset.done $0x0  }
0x73: {  	[sflag:s13] =	ssyncadd.s32 $0xFFFFF800  }
0x74: {  	[spmem:s6] =	stream.linear.scatter [tilespmem:s14], [sflag:$0x5], $0x800, $0x38;
	[tilespmem:$0x1D800] =	vst v63  }
0x75: {  	_ =	swait.ge [sflag:s13], $0x800  }
0x76: {  	[sflag:s13] =	ssyncset.done $0x0  }
0x77: {  	[sflag:s13] =	ssyncadd.s32 $0xFFFFF800  }
0x78: {  	[spmem:s7] =	stream.linear.scatter [tilespmem:s14], [sflag:$0x5], $0x800, $0x38;
	[tilespmem:$0x1D800] =	vst v63  }
0x79: {  	_ =	swait.ge [sflag:s13], $0x800  }
0x7a: {  	[sflag:s13] =	ssyncset.done $0x0  }
0x7b: {  	[sflag:s13] =	ssyncadd.s32 $0xFFFFF800  }
0x7c: {  	[spmem:s9] =	stream.linear.scatter [tilespmem:s14], [sflag:$0x5], $0x800, $0x38;
	[tilespmem:$0x1D800] =	vst v63  }
0x7d: {  	_ =	swait.ge [sflag:s13], $0x800  }
0x7e: {  	[sflag:s13] =	ssyncset.done $0x0  }
0x7f: {  	[sflag:s13] =	ssyncadd.s32 $0xFFFFF800  }
0x80: {  	[spmem:s10] =	stream.linear.scatter [tilespmem:s14], [sflag:$0x5], $0x800, $0x38;
	[tilespmem:$0x1D800] =	vst v63  }
0x81: {  	_ =	swait.ge [sflag:s13], $0x800  }
0x82: {  	[sflag:s13] =	ssyncset.done $0x0  }
0x83: {  	[sflag:s13] =	ssyncadd.s32 $0xFFFFF800  }
0x84: {  	[spmem:s11] =	stream.linear.scatter [tilespmem:s14], [sflag:$0x5], $0x800, $0x38;
	[tilespmem:$0x1D800] =	vst v63  }
0x85: {  	_ =	swait.ge [sflag:s13], $0x800  }
0x86: {  	[sflag:s13] =	ssyncset.done $0x0  }
0x87: {  	[sflag:s13] =	ssyncadd.s32 $0xFFFFF800  }
0x88: {  	[spmem:s12] =	stream.linear.scatter [tilespmem:s14], [sflag:$0x5], $0x800, $0x38;
	[tilespmem:$0x1D800] =	vst v63  }
0x89: {  	_ =	swait.ge [sflag:s13], $0x800  }
0x8a: {  	[sflag:s13] =	ssyncset.done $0x0  }
0x8b: {  	[sflag:s13] =	ssyncadd.s32 $0xFFFFF800  }
0x8c: {  	[bflag:$0x0] =	sbarrier.arrive $0xFFFF  }
0x8d: {  	[tilespmem:s16], [sflag:$0x1] =	stream.indirect.gather [spmem:s2], $0x40, s23, s15, $0xb8;
	[tilespmem:$0x1D800] =	vst v63  }
0x8e: {  	_ = 	snop  }
0x8f: {  	[tilespmem:s17], [sflag:$0x2] =	stream.indirect.gather [spmem:s2], $0x40, s15, s15, $0xb8;
	[tilespmem:$0x1D800] =	vst v63  }
0x90: {  	_ =	swait.ge [sflag:s18], $0x2000  }
0x91: {  	[sflag:s18] =	ssyncset.done $0x0  }
0x92: {  	s25 =	simm.s32 $0x2800;
	[sflag:s18] =	ssyncadd.s32 $0xFFFFE000  }
0x93: {  	[spmem:s3] =	stream.indirect.scatter.add.f32 [tilespmem:s16], [sflag:$0x3], $0x40, s25, s15, $0xb8;
	[tilespmem:$0x1D800] =	vst v63  }
0x94: {  	_ =	swait.ge [sflag:s19], $0x2000  }
0x95: {  	[sflag:s19] =	ssyncset.done $0x0  }
0x96: {  	s24 =	simm.s32 $0x2880;
	[sflag:s19] =	ssyncadd.s32 $0xFFFFE000  }
0x97: {  	[spmem:s3] =	stream.indirect.scatter.add.f32 [tilespmem:s17], [sflag:$0x4], $0x40, s24, s15, $0xb8;
	[tilespmem:$0x1D800] =	vst v63  }
0x98: {  	_ =	swait.ge [sflag:s20], $0x2000  }
0x99: {  	[sflag:s20] =	ssyncset.done $0x0  }
0x9a: {  	s25 =	simm.s32 $0x100;
	[sflag:s20] =	ssyncadd.s32 $0xFFFFE000  }
0x9b: {  	[tilespmem:s16], [sflag:$0x1] =	stream.indirect.gather [spmem:s2], $0x40, s25, s15, $0xb8;
	[tilespmem:$0x1D800] =	vst v63  }
0x9c: {  	_ =	swait.ge [sflag:s21], $0x2000  }
0x9d: {  	[sflag:s21] =	ssyncset.done $0x0  }
0x9e: {  	s23 =	simm.s32 $0x400;
	s24 =	simm.s32 $0x180;
	[sflag:s21] =	ssyncadd.s32 $0xFFFFE000  }
.LBB2_4:
0x9f: {  	[tilespmem:s17], [sflag:$0x2] =	stream.indirect.gather [spmem:s2], $0x40, s24, s15, $0xb8;
	[tilespmem:$0x1D800] =	vst v63  }
0xa0: {  	s24 =	smov.u32 s23  }
0xa1: {  	p0 =	sne.s32 s23, $0x9800;
	s23 =	sadd.s32 $0x400, s23;
	_ =	swait.ge [sflag:s18], $0x2000  }
0xa2: {  	s24 =	sshra.s32 s24, $0x2;
	[sflag:s18] =	ssyncset.done $0x0  }
0xa3: {  	s25 =	sadd.s32 $0x2800, s24;
	[sflag:s18] =	ssyncadd.s32 $0xFFFFE000  }
0xa4: {  	[spmem:s3] =	stream.indirect.scatter.add.f32 [tilespmem:s16], [sflag:$0x3], $0x40, s25, s15, $0xb8;
	[tilespmem:$0x1D800] =	vst v63  }
0xa5: {  	_ =	swait.ge [sflag:s19], $0x2000  }
0xa6: {  	[sflag:s19] =	ssyncset.done $0x0  }
0xa7: {  	s25 =	sadd.s32 $0x2880, s24;
	[sflag:s19] =	ssyncadd.s32 $0xFFFFE000  }
0xa8: {  	[spmem:s3] =	stream.indirect.scatter.add.f32 [tilespmem:s17], [sflag:$0x4], $0x40, s25, s15, $0xb8;
	[tilespmem:$0x1D800] =	vst v63  }
0xa9: {  	_ =	swait.ge [sflag:s20], $0x2000  }
0xaa: {  	[sflag:s20] =	ssyncset.done $0x0  }
.Ltmp1:
0xab: {  	s25 =	sadd.s32 $0x100, s24;
	[sflag:s20] =	ssyncadd.s32 $0xFFFFE000;
	(pc) =	sbr.rel @p0 .LBB2_4-.Ltmp1, $4  }
0xac: {  	[tilespmem:s16], [sflag:$0x1] =	stream.indirect.gather [spmem:s2], $0x40, s25, s15, $0xb8;
	[tilespmem:$0x1D800] =	vst v63  }
0xad: {  	_ =	swait.ge [sflag:s21], $0x2000  }
0xae: {  	[sflag:s21] =	ssyncset.done $0x0  }
0xaf: {  	s24 =	sadd.s32 $0x180, s24;
	[sflag:s21] =	ssyncadd.s32 $0xFFFFE000  }
0xb0: {  	[tilespmem:s17], [sflag:$0x2] =	stream.indirect.gather [spmem:s2], $0x40, s24, s15, $0xb8;
	[tilespmem:$0x1D800] =	vst v63  }
0xb1: {  	_ =	swait.ge [sflag:s18], $0x2000  }
0xb2: {  	[sflag:s18] =	ssyncset.done $0x0  }
0xb3: {  	s23 =	simm.s32 $0x4F00;
	[sflag:s18] =	ssyncadd.s32 $0xFFFFE000  }
0xb4: {  	[spmem:s3] =	stream.indirect.scatter.add.f32 [tilespmem:s16], [sflag:$0x3], $0x40, s23, s15, $0xb8;
	[tilespmem:$0x1D800] =	vst v63  }
0xb5: {  	_ =	swait.ge [sflag:s19], $0x2000  }
0xb6: {  	[sflag:s19] =	ssyncset.done $0x0  }
0xb7: {  	s25 =	simm.s32 $0x4F80;
	[sflag:s19] =	ssyncadd.s32 $0xFFFFE000  }
0xb8: {  	[spmem:s3] =	stream.indirect.scatter.add.f32 [tilespmem:s17], [sflag:$0x4], $0x40, s25, s15, $0xb8;
	[tilespmem:$0x1D800] =	vst v63  }
0xb9: {  	_ =	swait.ge [sflag:s20], $0x2000  }
0xba: {  	[sflag:s20] =	ssyncset.done $0x0  }
0xbb: {  	[sflag:s20] =	ssyncadd.s32 $0xFFFFE000  }
0xbc: {  	_ =	swait.ge [sflag:s21], $0x2000  }
0xbd: {  	[sflag:s21] =	ssyncset.done $0x0  }
0xbe: {  	[sflag:s21] =	ssyncadd.s32 $0xFFFFE000  }
0xbf: {  	[bflag:$0x0] =	sbarrier.arrive $0xFFFF  }
0xc0: {  	s24 =	rddreg [dreg:$0x8]  }
0xc1: {  	s25 =	rddreg [dreg:$0x14]  }
0xc2: {  	[hbm:s24], [sflag:s22] =	dma.local [spmem:s25], $0x400  }
0xc3: {  	_ =	swait.ge [sflag:s13], $0x400  }
0xc4: {  	[sflag:s13] =	ssyncset.done $0x0;
	s24 =	rddreg [dreg:$0xe]  }
0xc5: {  	s25 =	rddreg [dreg:$0x15];
	[sflag:s13] =	ssyncadd.s32 $0xFFFFFC00  }
0xc6: {  	[hbm:s24], [sflag:s22] =	dma.local [spmem:s25], $0x400  }
0xc7: {  	_ =	swait.ge [sflag:s13], $0x400  }
0xc8: {  	[sflag:s13] =	ssyncset.done $0x0;
	s24 =	rddreg [dreg:$0xf]  }
0xc9: {  	s25 =	rddreg [dreg:$0x16];
	[sflag:s13] =	ssyncadd.s32 $0xFFFFFC00  }
0xca: {  	[hbm:s24], [sflag:s22] =	dma.local [spmem:s25], $0x400  }
0xcb: {  	_ =	swait.ge [sflag:s13], $0x400  }
0xcc: {  	[sflag:s13] =	ssyncset.done $0x0;
	s24 =	rddreg [dreg:$0x10]  }
0xcd: {  	s25 =	rddreg [dreg:$0x17];
	[sflag:s13] =	ssyncadd.s32 $0xFFFFFC00  }
0xce: {  	[hbm:s24], [sflag:s22] =	dma.local [spmem:s25], $0x400  }
0xcf: {  	_ =	swait.ge [sflag:s13], $0x400  }
0xd0: {  	[sflag:s13] =	ssyncset.done $0x0;
	s24 =	rddreg [dreg:$0x11]  }
0xd1: {  	s25 =	rddreg [dreg:$0x18];
	[sflag:s13] =	ssyncadd.s32 $0xFFFFFC00  }
0xd2: {  	[hbm:s24], [sflag:s22] =	dma.local [spmem:s25], $0x400  }
0xd3: {  	_ =	swait.ge [sflag:s13], $0x400  }
0xd4: {  	s4 =	sadd.s32 $0x1, s4;
	s25 =	rddreg [dreg:$0x9]  }
0xd5: {  	p0 =	sne.s32 s4, s25  }
.Ltmp2:
0xd6: {  	_ = 	snop;
	(pc) =	sbr.rel @p0 .LBB2_1-.Ltmp2, $3  }
0xd7: {  	_ =	sdelay $0x1  }
0xd8: {  	[sflag:s13] =	ssyncset.done $0x0  }
0xd9: {  	[sflag:s13] =	ssyncadd.s32 $0xFFFFFC00  }
0xda: {  	_ =	sfence.sel $0x180000  }
0xdb: {  	[bflag:$0x0] =	sbarrier.arrive $0xFFFF  }
0xdc: {  	_ =	strace $0x90000050  }
0xdd: {  	s0 =	stileid.u32;
	[bflag:$0x2] =	sbarrier.arrive $0xFFFF  }
0xde: {  	p0 =	sne.s32 s0, $0x0;
	s0 =	rddreg [dreg:$0x4]  }
0xdf: {  	s0 =	sadd.s32 @!p0 $0x100000, s0  }
0xe0: {  	[sflag:s0] =	ssyncadd.tile.s32 @!p0 $0x1;
	_ =	shalt  }
.Lfunc_end2:
_tile_overlayer_lowered:
.L_overlay_start_2:
0xe1: {  	(tag) =	ssettag $0x2  }
0xe2: {  	s0 =	rddreg [dreg:$0x0];
	s2 =	stileid.u32  }
0xe3: {  	s1 =	rddreg [dreg:$0x1];
	p0 =	sne.s32 s2, $0x0  }
0xe4: {  	s3 =	rddreg [dreg:$0x2];
	[bflag:$0x3] =	sbarrier.arrive $0xFFFF;
	s2 =	simm.s32 @!p0 $0x1C05  }
0xe5: {  	[timem:s3], [sflag:s2] =	dma.local @!p0 [hbm:s0], s1  }
0xe6: {  	s0 =	simm.s32 @!p0 $0x5  }
0xe7: {  	_ =	swait.ge @!p0 [sflag:s0], s1  }
0xe8: {  	s1 =	ssub.s32 @!p0 $0x0, s1;
	[sflag:s0] =	ssyncset.done @!p0 $0x0  }
0xe9: {  	[sflag:s0] =	ssyncadd.s32 @!p0 s1  }
0xea: {  	[bflag:$0x3] =	sbarrier.arrive $0xFFFF  }
0xeb: {  	_ =	shalt  }

</sc_bundles>
